<compile_context>
chip_gen: v7x
topology: tpu7x:2x2x1
jax: 0.10.2.dev20260603
libtpu: 0.0.44.dev20260713+nightly
codegen_flags: <defaults>
</compile_context>

<pallas_src>
import functools

import jax
import jax.numpy as jnp
from jax import lax
from jax.experimental import pallas as pl
from jax.experimental.pallas import tpu as pltpu
from jax.experimental.pallas import tpu_sc as plsc

N_NODES = 100000
N_EDGES = 6400000
BATCH = 8

NC = 2
NS = 16
LANES = 16
NW = NC * NS
EDGES_PER_TILE = N_EDGES // NW
CHUNK = 800
NCHUNKS = EDGES_PER_TILE // CHUNK
ROWS_PER_TILE = N_NODES // NS
S_LOCAL = 64000
SROWS_PER_TILE = S_LOCAL // NS


NBUF = 4


def _sc_edge_kernel(stateT, srcs, tgts, weights, mask):
  mesh = plsc.VectorSubcoreMesh(core_axis_name="c", subcore_axis_name="s")

  buf_types = (
      [pltpu.VMEM((CHUNK,), jnp.int32) for _ in range(NBUF)]
      + [pltpu.VMEM((CHUNK,), jnp.int32) for _ in range(NBUF)]
      + [pltpu.VMEM((CHUNK,), jnp.float32) for _ in range(NBUF)]
      + [pltpu.VMEM((CHUNK,), jnp.float32) for _ in range(NBUF)]
      + [pltpu.VMEM((CHUNK, BATCH), jnp.float32) for _ in range(NBUF)]
      + [pltpu.VMEM((CHUNK,), jnp.int32) for _ in range(NBUF)]
      + [pltpu.VMEM((CHUNK,), jnp.int32) for _ in range(NBUF)]
      + [pltpu.SemaphoreType.DMA for _ in range(4 * NBUF)]
  )

  @functools.partial(
      pl.kernel,
      out_type=jax.ShapeDtypeStruct((NC, N_NODES, BATCH), jnp.float32),
      mesh=mesh,
      scratch_types=[
          pltpu.VMEM_SHARED((N_NODES, BATCH), jnp.float32),
          pltpu.VMEM_SHARED((S_LOCAL, BATCH), jnp.float32),
      ] + buf_types,
      compiler_params=pltpu.CompilerParams(
          use_tc_tiling_on_sc=False, needs_layout_passes=False),
  )
  def kern(state_hbm, src_hbm, tgt_hbm, w_hbm, m_hbm, acc_hbm,
           acc_sh, state_sh, *bufs):
    src_v = bufs[0:NBUF]
    tgt_v = bufs[NBUF:2 * NBUF]
    w_v = bufs[2 * NBUF:3 * NBUF]
    m_v = bufs[3 * NBUF:4 * NBUF]
    vals_v = bufs[4 * NBUF:5 * NBUF]
    loc_v = bufs[5 * NBUF:6 * NBUF]
    far_v = bufs[6 * NBUF:7 * NBUF]
    sem_in = bufs[7 * NBUF:8 * NBUF]
    sem_g = bufs[8 * NBUF:9 * NBUF]
    sem_gf = bufs[9 * NBUF:10 * NBUF]
    sem_s = bufs[10 * NBUF:11 * NBUF]

    cid = lax.axis_index("c")
    sid = lax.axis_index("s")
    base = (cid * NS + sid) * EDGES_PER_TILE
    lane = lax.iota(jnp.int32, LANES)
    row_sel = lane // BATCH
    col_sel = lane % BATCH

    def issue_in(b, ic):
      off = base + ic * CHUNK
      pltpu.async_copy(src_hbm.at[pl.ds(off, CHUNK)], src_v[b], sem_in[b])
      pltpu.async_copy(tgt_hbm.at[pl.ds(off, CHUNK)], tgt_v[b], sem_in[b])
      pltpu.async_copy(w_hbm.at[pl.ds(off, CHUNK)], w_v[b], sem_in[b])
      pltpu.async_copy(m_hbm.at[pl.ds(off, CHUNK)], m_v[b], sem_in[b])

    def wait_in(b):
      pltpu.make_async_copy(src_hbm.at[pl.ds(0, CHUNK)], src_v[b],
                            sem_in[b]).wait()
      pltpu.make_async_copy(src_hbm.at[pl.ds(0, CHUNK)], tgt_v[b],
                            sem_in[b]).wait()
      pltpu.make_async_copy(w_hbm.at[pl.ds(0, CHUNK)], w_v[b],
                            sem_in[b]).wait()
      pltpu.make_async_copy(w_hbm.at[pl.ds(0, CHUNK)], m_v[b],
                            sem_in[b]).wait()

    def split_idx(b):
      @plsc.parallel_loop(0, CHUNK, step=LANES, unroll=8)
      def _split(j):
        s = src_v[b][pl.ds(j, LANES)]
        is_loc = s < S_LOCAL
        loc_v[b][pl.ds(j, LANES)] = jnp.where(is_loc, s, -1)
        far_v[b][pl.ds(j, LANES)] = jnp.where(is_loc, -1, s)

    def issue_gather(b):
      pltpu.async_copy(
          state_sh.at[plsc.Indices(loc_v[b], ignored_value=-1)],
          vals_v[b], sem_g[b])
      pltpu.async_copy(
          state_hbm.at[plsc.Indices(far_v[b], ignored_value=-1)],
          vals_v[b], sem_gf[b])

    def wait_gather(b):
      pltpu.make_async_copy(
          state_sh.at[plsc.Indices(loc_v[b], ignored_value=-1)],
          vals_v[b], sem_g[b]).wait()
      pltpu.make_async_copy(
          state_hbm.at[plsc.Indices(far_v[b], ignored_value=-1)],
          vals_v[b], sem_gf[b]).wait()

    def issue_scat(b):
      pltpu.async_copy(vals_v[b], acc_sh.at[tgt_v[b]], sem_s[b], add=True,
                       priority=1)

    def wait_scat(b):
      pltpu.make_async_copy(vals_v[b], acc_sh.at[tgt_v[b]], sem_s[b]).wait()

    def mask_mul(b):
      @plsc.parallel_loop(0, CHUNK, step=LANES, unroll=8)
      def _mask(j):
        w_v[b][pl.ds(j, LANES)] = (
            w_v[b][pl.ds(j, LANES)] * m_v[b][pl.ds(j, LANES)])

    def scale(b):
      @plsc.parallel_loop(0, CHUNK // 2, unroll=8)
      def _scale(j):
        row = row_sel + 2 * j
        wv = plsc.load_gather(w_v[b], [row])
        v = plsc.load_gather(vals_v[b], [row, col_sel])
        plsc.store_scatter(vals_v[b], [row, col_sel], v * wv)

    issue_in(0, 0)
    issue_in(1, 1)

    zeros16 = jnp.zeros((LANES,), jnp.float32)

    @plsc.parallel_loop(0, CHUNK // 2, unroll=8)
    def _zero(j):
      plsc.store_scatter(vals_v[0], [row_sel + 2 * j, col_sel], zeros16)

    rs = sid * SROWS_PER_TILE
    pltpu.sync_copy(state_hbm.at[pl.ds(rs, SROWS_PER_TILE)],
                    state_sh.at[pl.ds(rs, SROWS_PER_TILE)])
    r0 = sid * ROWS_PER_TILE
    for p in range(ROWS_PER_TILE // CHUNK):
      pltpu.sync_copy(vals_v[0], acc_sh.at[pl.ds(r0 + p * CHUNK, CHUNK)])
    rem = ROWS_PER_TILE % CHUNK
    if rem:
      pltpu.sync_copy(
          vals_v[0].at[pl.ds(0, rem)],
          acc_sh.at[pl.ds(r0 + (ROWS_PER_TILE // CHUNK) * CHUNK, rem)])
    plsc.subcore_barrier()

    wait_in(0)
    split_idx(0)
    issue_gather(0)
    mask_mul(0)

    def chunk_body(j, u):
        b = u
        bn = (u + 1) % NBUF
        b2 = (u + 2) % NBUF

        @pl.when(j + 1 < NCHUNKS)
        def _prep_next():
          wait_in(bn)
          split_idx(bn)
          issue_gather(bn)
          mask_mul(bn)

        @pl.when(j + 2 < NCHUNKS)
        def _prefetch():
          @pl.when(j >= NBUF - 2)
          def _free_b2():
            wait_scat(b2)

          issue_in(b2, j + 2)

        wait_gather(b)
        scale(b)
        issue_scat(b)

    main_end = (NCHUNKS // NBUF) * NBUF

    @pl.loop(0, main_end, step=NBUF)
    def _pipe(j0):
      for u in range(NBUF):
        chunk_body(j0 + u, u)

    for u in range(NCHUNKS - main_end):
      chunk_body(main_end + u, u)

    for k in range(NBUF):
      wait_scat((NCHUNKS - NBUF + k) % NBUF)

    plsc.subcore_barrier()
    pltpu.sync_copy(acc_sh.at[pl.ds(r0, ROWS_PER_TILE)],
                    acc_hbm.at[cid, pl.ds(r0, ROWS_PER_TILE)])

  return kern(stateT, srcs, tgts, weights, mask)


def _tc_finish_kernel(state, injection, bias2d, decay2d, accT):

  def body(decay_ref, state_ref, inj_ref, bias_ref, acc0_ref, acc1_ref,
           out_ref):
    d = jax.nn.sigmoid(decay_ref[0, 0])
    raw = (d * state_ref[...] + inj_ref[...] + bias_ref[...]
           + acc0_ref[...] + acc1_ref[...])
    out_ref[...] = jnp.tanh(jnp.clip(raw, -5.0, 5.0))

  return pl.pallas_call(
      body,
      out_shape=jax.ShapeDtypeStruct((BATCH, N_NODES), jnp.float32),
      in_specs=[
          pl.BlockSpec(memory_space=pltpu.SMEM),
          pl.BlockSpec((BATCH, N_NODES), lambda: (0, 0)),
          pl.BlockSpec((BATCH, N_NODES), lambda: (0, 0)),
          pl.BlockSpec((1, N_NODES), lambda: (0, 0)),
          pl.BlockSpec((BATCH, N_NODES), lambda: (0, 0)),
          pl.BlockSpec((BATCH, N_NODES), lambda: (0, 0)),
      ],
      out_specs=pl.BlockSpec((BATCH, N_NODES), lambda: (0, 0)),
  )(decay2d, state, injection, bias2d, accT[0], accT[1])


def kernel(state, injection, bias, edge_weights, edge_mask, decay_logit,
           edge_sources, edge_targets):
  stateT = jnp.transpose(state)
  acc = _sc_edge_kernel(stateT, edge_sources, edge_targets,
                        edge_weights, edge_mask)
  accT = jnp.transpose(acc, (0, 2, 1))
  bias2d = bias[None, :]
  decay2d = jnp.reshape(decay_logit, (1, 1))
  return _tc_finish_kernel(state, injection, bias2d, decay2d, accT)

# --- scband reference (transcript-rebuilt; emitter-appended) ---
"""Pipeline reference for scband-differentiable-authority-graph-33174327394567 (READ-ONLY COPY).

The authoritative reference and input builder live on the scoring server;
editing this copy changes nothing except your own understanding.
"""

import jax, jax.numpy as jnp
import numpy as np

N_NODES = 100000
N_EDGES = 6400000
BATCH = 8


def setup_inputs(seed: int = 0) -> dict:
    key = jax.random.key(seed)
    ks = jax.random.split(key, 8)
    state = jax.random.normal(ks[0], (BATCH, N_NODES), dtype=jnp.float32)
    injection = jax.random.normal(ks[1], (BATCH, N_NODES), dtype=jnp.float32)
    # learned parameters / buffers sized from the GraphSpec (n_nodes, n_edges)
    bias = jax.random.normal(ks[2], (N_NODES,), dtype=jnp.float32) * 0.1
    edge_weights = jax.random.normal(ks[3], (N_EDGES,), dtype=jnp.float32) * 0.1
    edge_mask = jnp.ones((N_EDGES,), dtype=jnp.float32)
    decay_logit = jax.random.normal(ks[4], (), dtype=jnp.float32)
    edge_sources = jax.random.randint(ks[5], (N_EDGES,), 0, N_NODES, dtype=jnp.int32)
    edge_targets = jax.random.randint(ks[6], (N_EDGES,), 0, N_NODES, dtype=jnp.int32)
    return {
        "state": state,
        "injection": injection,
        "bias": bias,
        "edge_weights": edge_weights,
        "edge_mask": edge_mask,
        "decay_logit": decay_logit,
        "edge_sources": edge_sources,
        "edge_targets": edge_targets,
    }


def reference(state, injection, bias, edge_weights, edge_mask, decay_logit, edge_sources, edge_targets):
    # DifferentiableAuthorityGraph.update:
    #   raw = sigmoid(decay_logit) * state + injection + bias
    #   messages = state[:, edge_sources] * (edge_weights * edge_mask)
    #   raw = raw.index_add(1, edge_targets, messages)
    #   return tanh(clamp(raw, -5, 5))
    decay = jax.nn.sigmoid(decay_logit)
    raw = decay * state + injection + bias[None, :]
    edge_vals = edge_weights * edge_mask
    messages = jnp.take(state, edge_sources, axis=1) * edge_vals[None, :]
    raw = raw.at[:, edge_targets].add(messages)
    return jnp.tanh(jnp.clip(raw, -5.0, 5.0))

if __name__ == "__main__":
    import jax
    _d = setup_inputs()
    print(jax.jit(kernel)(*tuple(_d.values())))

</pallas_src>

<mosaic_0001>
#map = affine_map<(d0, d1) -> (0, 0)>
#map1 = affine_map<(d0, d1) -> (0)>
#map2 = affine_map<(d0, d1) -> (0, 0, 0)>
module attributes {stable_mosaic.version = 14 : i64} {
  func.func @kern(%arg0: i32, %arg1: i32, %arg2: memref<100000x8xf32, #tpu.memory_space<hbm>>, %arg3: memref<6400000xi32, #tpu.memory_space<hbm>>, %arg4: memref<6400000xi32, #tpu.memory_space<hbm>>, %arg5: memref<6400000xf32, #tpu.memory_space<hbm>>, %arg6: memref<6400000xf32, #tpu.memory_space<hbm>>, %arg7: memref<2x100000x8xf32, #tpu.memory_space<hbm>>, %arg8: memref<100000x8xf32, #tpu.memory_space<vmem_shared>>, %arg9: memref<64000x8xf32, #tpu.memory_space<vmem_shared>>, %arg10: memref<800xi32, #tpu.memory_space<vmem>>, %arg11: memref<800xi32, #tpu.memory_space<vmem>>, %arg12: memref<800xi32, #tpu.memory_space<vmem>>, %arg13: memref<800xi32, #tpu.memory_space<vmem>>, %arg14: memref<800xi32, #tpu.memory_space<vmem>>, %arg15: memref<800xi32, #tpu.memory_space<vmem>>, %arg16: memref<800xi32, #tpu.memory_space<vmem>>, %arg17: memref<800xi32, #tpu.memory_space<vmem>>, %arg18: memref<800xf32, #tpu.memory_space<vmem>>, %arg19: memref<800xf32, #tpu.memory_space<vmem>>, %arg20: memref<800xf32, #tpu.memory_space<vmem>>, %arg21: memref<800xf32, #tpu.memory_space<vmem>>, %arg22: memref<800xf32, #tpu.memory_space<vmem>>, %arg23: memref<800xf32, #tpu.memory_space<vmem>>, %arg24: memref<800xf32, #tpu.memory_space<vmem>>, %arg25: memref<800xf32, #tpu.memory_space<vmem>>, %arg26: memref<800x8xf32, #tpu.memory_space<vmem>>, %arg27: memref<800x8xf32, #tpu.memory_space<vmem>>, %arg28: memref<800x8xf32, #tpu.memory_space<vmem>>, %arg29: memref<800x8xf32, #tpu.memory_space<vmem>>, %arg30: memref<800xi32, #tpu.memory_space<vmem>>, %arg31: memref<800xi32, #tpu.memory_space<vmem>>, %arg32: memref<800xi32, #tpu.memory_space<vmem>>, %arg33: memref<800xi32, #tpu.memory_space<vmem>>, %arg34: memref<800xi32, #tpu.memory_space<vmem>>, %arg35: memref<800xi32, #tpu.memory_space<vmem>>, %arg36: memref<800xi32, #tpu.memory_space<vmem>>, %arg37: memref<800xi32, #tpu.memory_space<vmem>>, %arg38: memref<!tpu.dma_semaphore, #tpu.memory_space<semaphore_mem>>, %arg39: memref<!tpu.dma_semaphore, #tpu.memory_space<semaphore_mem>>, %arg40: memref<!tpu.dma_semaphore, #tpu.memory_space<semaphore_mem>>, %arg41: memref<!tpu.dma_semaphore, #tpu.memory_space<semaphore_mem>>, %arg42: memref<!tpu.dma_semaphore, #tpu.memory_space<semaphore_mem>>, %arg43: memref<!tpu.dma_semaphore, #tpu.memory_space<semaphore_mem>>, %arg44: memref<!tpu.dma_semaphore, #tpu.memory_space<semaphore_mem>>, %arg45: memref<!tpu.dma_semaphore, #tpu.memory_space<semaphore_mem>>, %arg46: memref<!tpu.dma_semaphore, #tpu.memory_space<semaphore_mem>>, %arg47: memref<!tpu.dma_semaphore, #tpu.memory_space<semaphore_mem>>, %arg48: memref<!tpu.dma_semaphore, #tpu.memory_space<semaphore_mem>>, %arg49: memref<!tpu.dma_semaphore, #tpu.memory_space<semaphore_mem>>, %arg50: memref<!tpu.dma_semaphore, #tpu.memory_space<semaphore_mem>>, %arg51: memref<!tpu.dma_semaphore, #tpu.memory_space<semaphore_mem>>, %arg52: memref<!tpu.dma_semaphore, #tpu.memory_space<semaphore_mem>>, %arg53: memref<!tpu.dma_semaphore, #tpu.memory_space<semaphore_mem>>) attributes {dimension_semantics = [#tpu.dimension_semantics<core_parallel>, #tpu.dimension_semantics<subcore_parallel>], iteration_bounds = array<i64: 2, 16>, scalar_prefetch = 0 : i64, scratch_operands = 46 : i64, tpu.core_type = #tpu.core_type<sc_vector_subcore>, window_params = [{transform_indices = #map}, {transform_indices = #map1}, {transform_indices = #map1}, {transform_indices = #map1}, {transform_indices = #map1}, {transform_indices = #map2}]} {
    %mul3A = arith.constant 16 : i32
    %mul3A_0 = arith.muli %arg0, %mul3A : i32
    %add3A = arith.addi %mul3A_0, %arg1 : i32
    %mul3A_1 = arith.constant 200000 : i32
    %mul3A_2 = arith.muli %add3A, %mul3A_1 : i32
    %iota3A = tpu.iota {dimensions = array<i32: 0>} : vector<16xi32>
    %jit3A = arith.constant 8 : i32
    %div3A = vector.broadcast %jit3A : i32 to vector<16xi32>
    %div3A_3 = arith.divsi %iota3A, %div3A : vector<16xi32>
    %sign3A = arith.constant 0 : i32
    %sign3A_4 = vector.broadcast %sign3A : i32 to vector<16xi32>
    %sign3A_5 = arith.cmpi sgt, %iota3A, %sign3A_4 : vector<16xi32>
    %sign3A_6 = arith.extui %sign3A_5 : vector<16xi1> to vector<16xi32>
    %sign3A_7 = arith.constant 0 : i32
    %sign3A_8 = vector.broadcast %sign3A_7 : i32 to vector<16xi32>
    %sign3A_9 = arith.cmpi slt, %iota3A, %sign3A_8 : vector<16xi32>
    %sign3A_10 = arith.extui %sign3A_9 : vector<16xi1> to vector<16xi32>
    %sign3A_11 = arith.subi %sign3A_6, %sign3A_10 : vector<16xi32>
    %sign3A_12 = arith.constant 0 : i32
    %sign3A_13 = arith.cmpi sgt, %jit3A, %sign3A_12 : i32
    %sign3A_14 = arith.extui %sign3A_13 : i1 to i32
    %sign3A_15 = arith.constant 0 : i32
    %sign3A_16 = arith.cmpi slt, %jit3A, %sign3A_15 : i32
    %sign3A_17 = arith.extui %sign3A_16 : i1 to i32
    %sign3A_18 = arith.subi %sign3A_14, %sign3A_17 : i32
    %ne3A = vector.broadcast %sign3A_18 : i32 to vector<16xi32>
    %ne3A_19 = arith.cmpi ne, %sign3A_11, %ne3A : vector<16xi32>
    %rem3A = vector.broadcast %jit3A : i32 to vector<16xi32>
    %rem3A_20 = arith.remsi %iota3A, %rem3A : vector<16xi32>
    %ne3A_21 = arith.constant 0 : i32
    %ne3A_22 = vector.broadcast %ne3A_21 : i32 to vector<16xi32>
    %ne3A_23 = arith.cmpi ne, %rem3A_20, %ne3A_22 : vector<16xi32>
    %and3A = arith.andi %ne3A_19, %ne3A_23 : vector<16xi1>
    %sub3A = arith.constant 1 : i32
    %sub3A_24 = vector.broadcast %sub3A : i32 to vector<16xi32>
    %sub3A_25 = arith.subi %div3A_3, %sub3A_24 : vector<16xi32>
    %select_n3A = arith.select %and3A, %sub3A_25, %div3A_3 : vector<16xi1>, vector<16xi32>
    %jit3A_26 = arith.constant 8 : i32
    %eq3A = arith.constant 0 : i32
    %eq3A_27 = arith.cmpi eq, %jit3A_26, %eq3A : i32
    %jit3A_28 = arith.constant 1 : i32
    %select_n3A_29 = arith.select %eq3A_27, %jit3A_28, %jit3A_26 : i32
    %rem3A_30 = vector.broadcast %select_n3A_29 : i32 to vector<16xi32>
    %rem3A_31 = arith.remsi %iota3A, %rem3A_30 : vector<16xi32>
    %ne3A_32 = arith.constant 0 : i32
    %ne3A_33 = vector.broadcast %ne3A_32 : i32 to vector<16xi32>
    %ne3A_34 = arith.cmpi ne, %rem3A_31, %ne3A_33 : vector<16xi32>
    %lt3A = arith.constant 0 : i32
    %lt3A_35 = vector.broadcast %lt3A : i32 to vector<16xi32>
    %lt3A_36 = arith.cmpi slt, %rem3A_31, %lt3A_35 : vector<16xi32>
    %lt3A_37 = arith.constant 0 : i32
    %lt3A_38 = arith.cmpi slt, %select_n3A_29, %lt3A_37 : i32
    %ne3A_39 = vector.broadcast %lt3A_38 : i1 to vector<16xi1>
    %ne3A_40 = vector.broadcast %ne3A_39 : vector<16xi1> to vector<16xi1>
    %ne3A_41 = arith.xori %lt3A_36, %ne3A_40 : vector<16xi1>
    %and3A_42 = arith.andi %ne3A_41, %ne3A_34 : vector<16xi1>
    %add3A_43 = vector.broadcast %select_n3A_29 : i32 to vector<16xi32>
    %add3A_44 = arith.addi %rem3A_31, %add3A_43 : vector<16xi32>
    %select_n3A_45 = arith.select %and3A_42, %add3A_44, %rem3A_31 : vector<16xi1>, vector<16xi32>
    %add3A_46 = arith.constant 0 : i32
    %add3A_47 = arith.addi %mul3A_2, %add3A_46 : i32
    %dma_start3A = tpu.memref_slice %arg3[%add3A_47] : memref<6400000xi32, #tpu.memory_space<hbm>> -> memref<800xi32, #tpu.memory_space<hbm>>
    %dma_start3A_48 = tpu.memref_slice %arg3[%add3A_47] : memref<6400000xi32, #tpu.memory_space<hbm>> -> memref<800xi32, #tpu.memory_space<hbm>>
    tpu.enqueue_dma source(%dma_start3A_48 : memref<800xi32, #tpu.memory_space<hbm>>) target(%arg10 : memref<800xi32, #tpu.memory_space<vmem>>) target_semaphore(%arg38 : memref<!tpu.dma_semaphore, #tpu.memory_space<semaphore_mem>>)
    %dma_start3A_49 = tpu.memref_slice %arg4[%add3A_47] : memref<6400000xi32, #tpu.memory_space<hbm>> -> memref<800xi32, #tpu.memory_space<hbm>>
    %dma_start3A_50 = tpu.memref_slice %arg4[%add3A_47] : memref<6400000xi32, #tpu.memory_space<hbm>> -> memref<800xi32, #tpu.memory_space<hbm>>
    tpu.enqueue_dma source(%dma_start3A_50 : memref<800xi32, #tpu.memory_space<hbm>>) target(%arg14 : memref<800xi32, #tpu.memory_space<vmem>>) target_semaphore(%arg38 : memref<!tpu.dma_semaphore, #tpu.memory_space<semaphore_mem>>)
    %dma_start3A_51 = tpu.memref_slice %arg5[%add3A_47] : memref<6400000xf32, #tpu.memory_space<hbm>> -> memref<800xf32, #tpu.memory_space<hbm>>
    %dma_start3A_52 = tpu.memref_slice %arg5[%add3A_47] : memref<6400000xf32, #tpu.memory_space<hbm>> -> memref<800xf32, #tpu.memory_space<hbm>>
    tpu.enqueue_dma source(%dma_start3A_52 : memref<800xf32, #tpu.memory_space<hbm>>) target(%arg18 : memref<800xf32, #tpu.memory_space<vmem>>) target_semaphore(%arg38 : memref<!tpu.dma_semaphore, #tpu.memory_space<semaphore_mem>>)
    %dma_start3A_53 = tpu.memref_slice %arg6[%add3A_47] : memref<6400000xf32, #tpu.memory_space<hbm>> -> memref<800xf32, #tpu.memory_space<hbm>>
    %dma_start3A_54 = tpu.memref_slice %arg6[%add3A_47] : memref<6400000xf32, #tpu.memory_space<hbm>> -> memref<800xf32, #tpu.memory_space<hbm>>
    tpu.enqueue_dma source(%dma_start3A_54 : memref<800xf32, #tpu.memory_space<hbm>>) target(%arg22 : memref<800xf32, #tpu.memory_space<vmem>>) target_semaphore(%arg38 : memref<!tpu.dma_semaphore, #tpu.memory_space<semaphore_mem>>)
    %add3A_55 = arith.constant 800 : i32
    %add3A_56 = arith.addi %mul3A_2, %add3A_55 : i32
    %dma_start3A_57 = tpu.memref_slice %arg3[%add3A_56] : memref<6400000xi32, #tpu.memory_space<hbm>> -> memref<800xi32, #tpu.memory_space<hbm>>
    %dma_start3A_58 = tpu.memref_slice %arg3[%add3A_56] : memref<6400000xi32, #tpu.memory_space<hbm>> -> memref<800xi32, #tpu.memory_space<hbm>>
    tpu.enqueue_dma source(%dma_start3A_58 : memref<800xi32, #tpu.memory_space<hbm>>) target(%arg11 : memref<800xi32, #tpu.memory_space<vmem>>) target_semaphore(%arg39 : memref<!tpu.dma_semaphore, #tpu.memory_space<semaphore_mem>>)
    %dma_start3A_59 = tpu.memref_slice %arg4[%add3A_56] : memref<6400000xi32, #tpu.memory_space<hbm>> -> memref<800xi32, #tpu.memory_space<hbm>>
    %dma_start3A_60 = tpu.memref_slice %arg4[%add3A_56] : memref<6400000xi32, #tpu.memory_space<hbm>> -> memref<800xi32, #tpu.memory_space<hbm>>
    tpu.enqueue_dma source(%dma_start3A_60 : memref<800xi32, #tpu.memory_space<hbm>>) target(%arg15 : memref<800xi32, #tpu.memory_space<vmem>>) target_semaphore(%arg39 : memref<!tpu.dma_semaphore, #tpu.memory_space<semaphore_mem>>)
    %dma_start3A_61 = tpu.memref_slice %arg5[%add3A_56] : memref<6400000xf32, #tpu.memory_space<hbm>> -> memref<800xf32, #tpu.memory_space<hbm>>
    %dma_start3A_62 = tpu.memref_slice %arg5[%add3A_56] : memref<6400000xf32, #tpu.memory_space<hbm>> -> memref<800xf32, #tpu.memory_space<hbm>>
    tpu.enqueue_dma source(%dma_start3A_62 : memref<800xf32, #tpu.memory_space<hbm>>) target(%arg19 : memref<800xf32, #tpu.memory_space<vmem>>) target_semaphore(%arg39 : memref<!tpu.dma_semaphore, #tpu.memory_space<semaphore_mem>>)
    %dma_start3A_63 = tpu.memref_slice %arg6[%add3A_56] : memref<6400000xf32, #tpu.memory_space<hbm>> -> memref<800xf32, #tpu.memory_space<hbm>>
    %dma_start3A_64 = tpu.memref_slice %arg6[%add3A_56] : memref<6400000xf32, #tpu.memory_space<hbm>> -> memref<800xf32, #tpu.memory_space<hbm>>
    tpu.enqueue_dma source(%dma_start3A_64 : memref<800xf32, #tpu.memory_space<hbm>>) target(%arg23 : memref<800xf32, #tpu.memory_space<vmem>>) target_semaphore(%arg39 : memref<!tpu.dma_semaphore, #tpu.memory_space<semaphore_mem>>)
    %broadcast_in_dim3A = arith.constant 0.000000e+00 : f32
    %broadcast_in_dim3A_65 = vector.broadcast %broadcast_in_dim3A : f32 to vector<16xf32>
    %parallel_loop3A = arith.constant 0 : i32
    %parallel_loop3A_66 = arith.constant 400 : i32
    %parallel_loop3A_67 = arith.constant 1 : i32
    scf.for %parallel_loop3A_188 = %parallel_loop3A to %parallel_loop3A_66 step %parallel_loop3A_67  : i32 {
      %parallel_loop3A_189 = arith.constant 2 : i32
      %parallel_loop3A_190 = arith.muli %parallel_loop3A_189, %parallel_loop3A_188 : i32
      %parallel_loop3A_191 = vector.broadcast %parallel_loop3A_190 : i32 to vector<16xi32>
      %parallel_loop3A_192 = arith.addi %select_n3A, %parallel_loop3A_191 : vector<16xi32>
      tpu.vector_store_idx %arg26[%parallel_loop3A_192, %select_n3A_45], %broadcast_in_dim3A_65 : memref<800x8xf32, #tpu.memory_space<vmem>>[vector<16xi32>, vector<16xi32>], vector<16xf32>,
    } {sc.loop_unroll_factor = 8 : i64, sc.parallel_access}
    %mul3A_68 = arith.constant 4000 : i32
    %mul3A_69 = arith.muli %arg1, %mul3A_68 : i32
    "tpu.region"() ({
      %run_scoped3A = tpu.sem_alloc : memref<!tpu.dma_semaphore, #tpu.memory_space<semaphore_mem>>
      %dma_start3A_188 = arith.constant 0 : i32
      %dma_start3A_189 = tpu.memref_slice %arg9[%mul3A_69, %dma_start3A_188] : memref<64000x8xf32, #tpu.memory_space<vmem_shared>> -> memref<4000x8xf32, #tpu.memory_space<vmem_shared>>
      %dma_start3A_190 = arith.constant 0 : i32
      %dma_start3A_191 = tpu.memref_slice %arg2[%mul3A_69, %dma_start3A_190] : memref<100000x8xf32, #tpu.memory_space<hbm>> -> memref<4000x8xf32, #tpu.memory_space<hbm>>
      tpu.enqueue_dma source(%dma_start3A_191 : memref<4000x8xf32, #tpu.memory_space<hbm>>) target(%dma_start3A_189 : memref<4000x8xf32, #tpu.memory_space<vmem_shared>>) target_semaphore(%run_scoped3A : memref<!tpu.dma_semaphore, #tpu.memory_space<semaphore_mem>>)
      %dma_wait3A_192 = arith.constant 0 : i32
      %dma_wait3A_193 = tpu.memref_slice %arg9[%mul3A_69, %dma_wait3A_192] : memref<64000x8xf32, #tpu.memory_space<vmem_shared>> -> memref<4000x8xf32, #tpu.memory_space<vmem_shared>>
      %dma_wait3A_194 = arith.constant 0 : i32
      %dma_wait3A_195 = tpu.memref_slice %arg2[%mul3A_69, %dma_wait3A_194] : memref<100000x8xf32, #tpu.memory_space<hbm>> -> memref<4000x8xf32, #tpu.memory_space<hbm>>
      tpu.wait_dma2 semaphore(%run_scoped3A : memref<!tpu.dma_semaphore, #tpu.memory_space<semaphore_mem>>) src(%dma_wait3A_195 : memref<4000x8xf32, #tpu.memory_space<hbm>>) dst(%dma_wait3A_193 : memref<4000x8xf32, #tpu.memory_space<vmem_shared>>)
      tpu.yield
    }) : () -> ()
    %mul3A_70 = arith.constant 6250 : i32
    %mul3A_71 = arith.muli %arg1, %mul3A_70 : i32
    %add3A_72 = arith.constant 0 : i32
    %add3A_73 = arith.addi %mul3A_71, %add3A_72 : i32
    "tpu.region"() ({
      %run_scoped3A = tpu.sem_alloc : memref<!tpu.dma_semaphore, #tpu.memory_space<semaphore_mem>>
      %dma_start3A_188 = arith.constant 0 : i32
      %dma_start3A_189 = tpu.memref_slice %arg8[%add3A_73, %dma_start3A_188] : memref<100000x8xf32, #tpu.memory_space<vmem_shared>> -> memref<800x8xf32, #tpu.memory_space<vmem_shared>>
      %dma_start3A_190 = arith.constant 0 : i32
      %dma_start3A_191 = tpu.memref_slice %arg8[%add3A_73, %dma_start3A_190] : memref<100000x8xf32, #tpu.memory_space<vmem_shared>> -> memref<800x8xf32, #tpu.memory_space<vmem_shared>>
      tpu.enqueue_dma source(%arg26 : memref<800x8xf32, #tpu.memory_space<vmem>>) target(%dma_start3A_191 : memref<800x8xf32, #tpu.memory_space<vmem_shared>>) target_semaphore(%run_scoped3A : memref<!tpu.dma_semaphore, #tpu.memory_space<semaphore_mem>>)
      %dma_wait3A_192 = arith.constant 0 : i32
      %dma_wait3A_193 = tpu.memref_slice %arg8[%add3A_73, %dma_wait3A_192] : memref<100000x8xf32, #tpu.memory_space<vmem_shared>> -> memref<800x8xf32, #tpu.memory_space<vmem_shared>>
      %dma_wait3A_194 = arith.constant 0 : i32
      %dma_wait3A_195 = tpu.memref_slice %arg8[%add3A_73, %dma_wait3A_194] : memref<100000x8xf32, #tpu.memory_space<vmem_shared>> -> memref<800x8xf32, #tpu.memory_space<vmem_shared>>
      tpu.wait_dma2 semaphore(%run_scoped3A : memref<!tpu.dma_semaphore, #tpu.memory_space<semaphore_mem>>) src(%arg26 : memref<800x8xf32, #tpu.memory_space<vmem>>) dst(%dma_wait3A_195 : memref<800x8xf32, #tpu.memory_space<vmem_shared>>)
      tpu.yield
    }) : () -> ()
    %add3A_74 = arith.constant 800 : i32
    %add3A_75 = arith.addi %mul3A_71, %add3A_74 : i32
    "tpu.region"() ({
      %run_scoped3A = tpu.sem_alloc : memref<!tpu.dma_semaphore, #tpu.memory_space<semaphore_mem>>
      %dma_start3A_188 = arith.constant 0 : i32
      %dma_start3A_189 = tpu.memref_slice %arg8[%add3A_75, %dma_start3A_188] : memref<100000x8xf32, #tpu.memory_space<vmem_shared>> -> memref<800x8xf32, #tpu.memory_space<vmem_shared>>
      %dma_start3A_190 = arith.constant 0 : i32
      %dma_start3A_191 = tpu.memref_slice %arg8[%add3A_75, %dma_start3A_190] : memref<100000x8xf32, #tpu.memory_space<vmem_shared>> -> memref<800x8xf32, #tpu.memory_space<vmem_shared>>
      tpu.enqueue_dma source(%arg26 : memref<800x8xf32, #tpu.memory_space<vmem>>) target(%dma_start3A_191 : memref<800x8xf32, #tpu.memory_space<vmem_shared>>) target_semaphore(%run_scoped3A : memref<!tpu.dma_semaphore, #tpu.memory_space<semaphore_mem>>)
      %dma_wait3A_192 = arith.constant 0 : i32
      %dma_wait3A_193 = tpu.memref_slice %arg8[%add3A_75, %dma_wait3A_192] : memref<100000x8xf32, #tpu.memory_space<vmem_shared>> -> memref<800x8xf32, #tpu.memory_space<vmem_shared>>
      %dma_wait3A_194 = arith.constant 0 : i32
      %dma_wait3A_195 = tpu.memref_slice %arg8[%add3A_75, %dma_wait3A_194] : memref<100000x8xf32, #tpu.memory_space<vmem_shared>> -> memref<800x8xf32, #tpu.memory_space<vmem_shared>>
      tpu.wait_dma2 semaphore(%run_scoped3A : memref<!tpu.dma_semaphore, #tpu.memory_space<semaphore_mem>>) src(%arg26 : memref<800x8xf32, #tpu.memory_space<vmem>>) dst(%dma_wait3A_195 : memref<800x8xf32, #tpu.memory_space<vmem_shared>>)
      tpu.yield
    }) : () -> ()
    %add3A_76 = arith.constant 1600 : i32
    %add3A_77 = arith.addi %mul3A_71, %add3A_76 : i32
    "tpu.region"() ({
      %run_scoped3A = tpu.sem_alloc : memref<!tpu.dma_semaphore, #tpu.memory_space<semaphore_mem>>
      %dma_start3A_188 = arith.constant 0 : i32
      %dma_start3A_189 = tpu.memref_slice %arg8[%add3A_77, %dma_start3A_188] : memref<100000x8xf32, #tpu.memory_space<vmem_shared>> -> memref<800x8xf32, #tpu.memory_space<vmem_shared>>
      %dma_start3A_190 = arith.constant 0 : i32
      %dma_start3A_191 = tpu.memref_slice %arg8[%add3A_77, %dma_start3A_190] : memref<100000x8xf32, #tpu.memory_space<vmem_shared>> -> memref<800x8xf32, #tpu.memory_space<vmem_shared>>
      tpu.enqueue_dma source(%arg26 : memref<800x8xf32, #tpu.memory_space<vmem>>) target(%dma_start3A_191 : memref<800x8xf32, #tpu.memory_space<vmem_shared>>) target_semaphore(%run_scoped3A : memref<!tpu.dma_semaphore, #tpu.memory_space<semaphore_mem>>)
      %dma_wait3A_192 = arith.constant 0 : i32
      %dma_wait3A_193 = tpu.memref_slice %arg8[%add3A_77, %dma_wait3A_192] : memref<100000x8xf32, #tpu.memory_space<vmem_shared>> -> memref<800x8xf32, #tpu.memory_space<vmem_shared>>
      %dma_wait3A_194 = arith.constant 0 : i32
      %dma_wait3A_195 = tpu.memref_slice %arg8[%add3A_77, %dma_wait3A_194] : memref<100000x8xf32, #tpu.memory_space<vmem_shared>> -> memref<800x8xf32, #tpu.memory_space<vmem_shared>>
      tpu.wait_dma2 semaphore(%run_scoped3A : memref<!tpu.dma_semaphore, #tpu.memory_space<semaphore_mem>>) src(%arg26 : memref<800x8xf32, #tpu.memory_space<vmem>>) dst(%dma_wait3A_195 : memref<800x8xf32, #tpu.memory_space<vmem_shared>>)
      tpu.yield
    }) : () -> ()
    %add3A_78 = arith.constant 2400 : i32
    %add3A_79 = arith.addi %mul3A_71, %add3A_78 : i32
    "tpu.region"() ({
      %run_scoped3A = tpu.sem_alloc : memref<!tpu.dma_semaphore, #tpu.memory_space<semaphore_mem>>
      %dma_start3A_188 = arith.constant 0 : i32
      %dma_start3A_189 = tpu.memref_slice %arg8[%add3A_79, %dma_start3A_188] : memref<100000x8xf32, #tpu.memory_space<vmem_shared>> -> memref<800x8xf32, #tpu.memory_space<vmem_shared>>
      %dma_start3A_190 = arith.constant 0 : i32
      %dma_start3A_191 = tpu.memref_slice %arg8[%add3A_79, %dma_start3A_190] : memref<100000x8xf32, #tpu.memory_space<vmem_shared>> -> memref<800x8xf32, #tpu.memory_space<vmem_shared>>
      tpu.enqueue_dma source(%arg26 : memref<800x8xf32, #tpu.memory_space<vmem>>) target(%dma_start3A_191 : memref<800x8xf32, #tpu.memory_space<vmem_shared>>) target_semaphore(%run_scoped3A : memref<!tpu.dma_semaphore, #tpu.memory_space<semaphore_mem>>)
      %dma_wait3A_192 = arith.constant 0 : i32
      %dma_wait3A_193 = tpu.memref_slice %arg8[%add3A_79, %dma_wait3A_192] : memref<100000x8xf32, #tpu.memory_space<vmem_shared>> -> memref<800x8xf32, #tpu.memory_space<vmem_shared>>
      %dma_wait3A_194 = arith.constant 0 : i32
      %dma_wait3A_195 = tpu.memref_slice %arg8[%add3A_79, %dma_wait3A_194] : memref<100000x8xf32, #tpu.memory_space<vmem_shared>> -> memref<800x8xf32, #tpu.memory_space<vmem_shared>>
      tpu.wait_dma2 semaphore(%run_scoped3A : memref<!tpu.dma_semaphore, #tpu.memory_space<semaphore_mem>>) src(%arg26 : memref<800x8xf32, #tpu.memory_space<vmem>>) dst(%dma_wait3A_195 : memref<800x8xf32, #tpu.memory_space<vmem_shared>>)
      tpu.yield
    }) : () -> ()
    %add3A_80 = arith.constant 3200 : i32
    %add3A_81 = arith.addi %mul3A_71, %add3A_80 : i32
    "tpu.region"() ({
      %run_scoped3A = tpu.sem_alloc : memref<!tpu.dma_semaphore, #tpu.memory_space<semaphore_mem>>
      %dma_start3A_188 = arith.constant 0 : i32
      %dma_start3A_189 = tpu.memref_slice %arg8[%add3A_81, %dma_start3A_188] : memref<100000x8xf32, #tpu.memory_space<vmem_shared>> -> memref<800x8xf32, #tpu.memory_space<vmem_shared>>
      %dma_start3A_190 = arith.constant 0 : i32
      %dma_start3A_191 = tpu.memref_slice %arg8[%add3A_81, %dma_start3A_190] : memref<100000x8xf32, #tpu.memory_space<vmem_shared>> -> memref<800x8xf32, #tpu.memory_space<vmem_shared>>
      tpu.enqueue_dma source(%arg26 : memref<800x8xf32, #tpu.memory_space<vmem>>) target(%dma_start3A_191 : memref<800x8xf32, #tpu.memory_space<vmem_shared>>) target_semaphore(%run_scoped3A : memref<!tpu.dma_semaphore, #tpu.memory_space<semaphore_mem>>)
      %dma_wait3A_192 = arith.constant 0 : i32
      %dma_wait3A_193 = tpu.memref_slice %arg8[%add3A_81, %dma_wait3A_192] : memref<100000x8xf32, #tpu.memory_space<vmem_shared>> -> memref<800x8xf32, #tpu.memory_space<vmem_shared>>
      %dma_wait3A_194 = arith.constant 0 : i32
      %dma_wait3A_195 = tpu.memref_slice %arg8[%add3A_81, %dma_wait3A_194] : memref<100000x8xf32, #tpu.memory_space<vmem_shared>> -> memref<800x8xf32, #tpu.memory_space<vmem_shared>>
      tpu.wait_dma2 semaphore(%run_scoped3A : memref<!tpu.dma_semaphore, #tpu.memory_space<semaphore_mem>>) src(%arg26 : memref<800x8xf32, #tpu.memory_space<vmem>>) dst(%dma_wait3A_195 : memref<800x8xf32, #tpu.memory_space<vmem_shared>>)
      tpu.yield
    }) : () -> ()
    %add3A_82 = arith.constant 4000 : i32
    %add3A_83 = arith.addi %mul3A_71, %add3A_82 : i32
    "tpu.region"() ({
      %run_scoped3A = tpu.sem_alloc : memref<!tpu.dma_semaphore, #tpu.memory_space<semaphore_mem>>
      %dma_start3A_188 = arith.constant 0 : i32
      %dma_start3A_189 = tpu.memref_slice %arg8[%add3A_83, %dma_start3A_188] : memref<100000x8xf32, #tpu.memory_space<vmem_shared>> -> memref<800x8xf32, #tpu.memory_space<vmem_shared>>
      %dma_start3A_190 = arith.constant 0 : i32
      %dma_start3A_191 = tpu.memref_slice %arg8[%add3A_83, %dma_start3A_190] : memref<100000x8xf32, #tpu.memory_space<vmem_shared>> -> memref<800x8xf32, #tpu.memory_space<vmem_shared>>
      tpu.enqueue_dma source(%arg26 : memref<800x8xf32, #tpu.memory_space<vmem>>) target(%dma_start3A_191 : memref<800x8xf32, #tpu.memory_space<vmem_shared>>) target_semaphore(%run_scoped3A : memref<!tpu.dma_semaphore, #tpu.memory_space<semaphore_mem>>)
      %dma_wait3A_192 = arith.constant 0 : i32
      %dma_wait3A_193 = tpu.memref_slice %arg8[%add3A_83, %dma_wait3A_192] : memref<100000x8xf32, #tpu.memory_space<vmem_shared>> -> memref<800x8xf32, #tpu.memory_space<vmem_shared>>
      %dma_wait3A_194 = arith.constant 0 : i32
      %dma_wait3A_195 = tpu.memref_slice %arg8[%add3A_83, %dma_wait3A_194] : memref<100000x8xf32, #tpu.memory_space<vmem_shared>> -> memref<800x8xf32, #tpu.memory_space<vmem_shared>>
      tpu.wait_dma2 semaphore(%run_scoped3A : memref<!tpu.dma_semaphore, #tpu.memory_space<semaphore_mem>>) src(%arg26 : memref<800x8xf32, #tpu.memory_space<vmem>>) dst(%dma_wait3A_195 : memref<800x8xf32, #tpu.memory_space<vmem_shared>>)
      tpu.yield
    }) : () -> ()
    %add3A_84 = arith.constant 4800 : i32
    %add3A_85 = arith.addi %mul3A_71, %add3A_84 : i32
    "tpu.region"() ({
      %run_scoped3A = tpu.sem_alloc : memref<!tpu.dma_semaphore, #tpu.memory_space<semaphore_mem>>
      %dma_start3A_188 = arith.constant 0 : i32
      %dma_start3A_189 = tpu.memref_slice %arg8[%add3A_85, %dma_start3A_188] : memref<100000x8xf32, #tpu.memory_space<vmem_shared>> -> memref<800x8xf32, #tpu.memory_space<vmem_shared>>
      %dma_start3A_190 = arith.constant 0 : i32
      %dma_start3A_191 = tpu.memref_slice %arg8[%add3A_85, %dma_start3A_190] : memref<100000x8xf32, #tpu.memory_space<vmem_shared>> -> memref<800x8xf32, #tpu.memory_space<vmem_shared>>
      tpu.enqueue_dma source(%arg26 : memref<800x8xf32, #tpu.memory_space<vmem>>) target(%dma_start3A_191 : memref<800x8xf32, #tpu.memory_space<vmem_shared>>) target_semaphore(%run_scoped3A : memref<!tpu.dma_semaphore, #tpu.memory_space<semaphore_mem>>)
      %dma_wait3A_192 = arith.constant 0 : i32
      %dma_wait3A_193 = tpu.memref_slice %arg8[%add3A_85, %dma_wait3A_192] : memref<100000x8xf32, #tpu.memory_space<vmem_shared>> -> memref<800x8xf32, #tpu.memory_space<vmem_shared>>
      %dma_wait3A_194 = arith.constant 0 : i32
      %dma_wait3A_195 = tpu.memref_slice %arg8[%add3A_85, %dma_wait3A_194] : memref<100000x8xf32, #tpu.memory_space<vmem_shared>> -> memref<800x8xf32, #tpu.memory_space<vmem_shared>>
      tpu.wait_dma2 semaphore(%run_scoped3A : memref<!tpu.dma_semaphore, #tpu.memory_space<semaphore_mem>>) src(%arg26 : memref<800x8xf32, #tpu.memory_space<vmem>>) dst(%dma_wait3A_195 : memref<800x8xf32, #tpu.memory_space<vmem_shared>>)
      tpu.yield
    }) : () -> ()
    %add3A_86 = arith.constant 5600 : i32
    %add3A_87 = arith.addi %mul3A_71, %add3A_86 : i32
    "tpu.region"() ({
      %run_scoped3A = tpu.sem_alloc : memref<!tpu.dma_semaphore, #tpu.memory_space<semaphore_mem>>
      %dma_start3A_188 = arith.constant 0 : i32
      %dma_start3A_189 = arith.constant 0 : i32
      %dma_start3A_190 = tpu.memref_slice %arg26[%dma_start3A_188, %dma_start3A_189] : memref<800x8xf32, #tpu.memory_space<vmem>> -> memref<650x8xf32, #tpu.memory_space<vmem>>
      %dma_start3A_191 = arith.constant 0 : i32
      %dma_start3A_192 = tpu.memref_slice %arg8[%add3A_87, %dma_start3A_191] : memref<100000x8xf32, #tpu.memory_space<vmem_shared>> -> memref<650x8xf32, #tpu.memory_space<vmem_shared>>
      %dma_start3A_193 = arith.constant 0 : i32
      %dma_start3A_194 = tpu.memref_slice %arg8[%add3A_87, %dma_start3A_193] : memref<100000x8xf32, #tpu.memory_space<vmem_shared>> -> memref<650x8xf32, #tpu.memory_space<vmem_shared>>
      %dma_start3A_195 = arith.constant 0 : i32
      %dma_start3A_196 = arith.constant 0 : i32
      %dma_start3A_197 = tpu.memref_slice %arg26[%dma_start3A_195, %dma_start3A_196] : memref<800x8xf32, #tpu.memory_space<vmem>> -> memref<650x8xf32, #tpu.memory_space<vmem>>
      tpu.enqueue_dma source(%dma_start3A_197 : memref<650x8xf32, #tpu.memory_space<vmem>>) target(%dma_start3A_194 : memref<650x8xf32, #tpu.memory_space<vmem_shared>>) target_semaphore(%run_scoped3A : memref<!tpu.dma_semaphore, #tpu.memory_space<semaphore_mem>>)
      %dma_wait3A_198 = arith.constant 0 : i32
      %dma_wait3A_199 = arith.constant 0 : i32
      %dma_wait3A_200 = tpu.memref_slice %arg26[%dma_wait3A_198, %dma_wait3A_199] : memref<800x8xf32, #tpu.memory_space<vmem>> -> memref<650x8xf32, #tpu.memory_space<vmem>>
      %dma_wait3A_201 = arith.constant 0 : i32
      %dma_wait3A_202 = tpu.memref_slice %arg8[%add3A_87, %dma_wait3A_201] : memref<100000x8xf32, #tpu.memory_space<vmem_shared>> -> memref<650x8xf32, #tpu.memory_space<vmem_shared>>
      %dma_wait3A_203 = arith.constant 0 : i32
      %dma_wait3A_204 = tpu.memref_slice %arg8[%add3A_87, %dma_wait3A_203] : memref<100000x8xf32, #tpu.memory_space<vmem_shared>> -> memref<650x8xf32, #tpu.memory_space<vmem_shared>>
      %dma_wait3A_205 = arith.constant 0 : i32
      %dma_wait3A_206 = arith.constant 0 : i32
      %dma_wait3A_207 = tpu.memref_slice %arg26[%dma_wait3A_205, %dma_wait3A_206] : memref<800x8xf32, #tpu.memory_space<vmem>> -> memref<650x8xf32, #tpu.memory_space<vmem>>
      tpu.wait_dma2 semaphore(%run_scoped3A : memref<!tpu.dma_semaphore, #tpu.memory_space<semaphore_mem>>) src(%dma_wait3A_207 : memref<650x8xf32, #tpu.memory_space<vmem>>) dst(%dma_wait3A_204 : memref<650x8xf32, #tpu.memory_space<vmem_shared>>)
      tpu.yield
    }) : () -> ()
    %barrier3A = arith.constant 0 : index
    tpu.barrier barrier_id(%barrier3A)
    %dma_wait3A = arith.constant 0 : i32
    %dma_wait3A_88 = tpu.memref_slice %arg3[%dma_wait3A] : memref<6400000xi32, #tpu.memory_space<hbm>> -> memref<800xi32, #tpu.memory_space<hbm>>
    %dma_wait3A_89 = arith.constant 0 : i32
    %dma_wait3A_90 = tpu.memref_slice %arg3[%dma_wait3A_89] : memref<6400000xi32, #tpu.memory_space<hbm>> -> memref<800xi32, #tpu.memory_space<hbm>>
    tpu.wait_dma2 semaphore(%arg38 : memref<!tpu.dma_semaphore, #tpu.memory_space<semaphore_mem>>) src(%dma_wait3A_90 : memref<800xi32, #tpu.memory_space<hbm>>) dst(%arg10 : memref<800xi32, #tpu.memory_space<vmem>>)
    %dma_wait3A_91 = arith.constant 0 : i32
    %dma_wait3A_92 = tpu.memref_slice %arg3[%dma_wait3A_91] : memref<6400000xi32, #tpu.memory_space<hbm>> -> memref<800xi32, #tpu.memory_space<hbm>>
    %dma_wait3A_93 = arith.constant 0 : i32
    %dma_wait3A_94 = tpu.memref_slice %arg3[%dma_wait3A_93] : memref<6400000xi32, #tpu.memory_space<hbm>> -> memref<800xi32, #tpu.memory_space<hbm>>
    tpu.wait_dma2 semaphore(%arg38 : memref<!tpu.dma_semaphore, #tpu.memory_space<semaphore_mem>>) src(%dma_wait3A_94 : memref<800xi32, #tpu.memory_space<hbm>>) dst(%arg14 : memref<800xi32, #tpu.memory_space<vmem>>)
    %dma_wait3A_95 = arith.constant 0 : i32
    %dma_wait3A_96 = tpu.memref_slice %arg5[%dma_wait3A_95] : memref<6400000xf32, #tpu.memory_space<hbm>> -> memref<800xf32, #tpu.memory_space<hbm>>
    %dma_wait3A_97 = arith.constant 0 : i32
    %dma_wait3A_98 = tpu.memref_slice %arg5[%dma_wait3A_97] : memref<6400000xf32, #tpu.memory_space<hbm>> -> memref<800xf32, #tpu.memory_space<hbm>>
    tpu.wait_dma2 semaphore(%arg38 : memref<!tpu.dma_semaphore, #tpu.memory_space<semaphore_mem>>) src(%dma_wait3A_98 : memref<800xf32, #tpu.memory_space<hbm>>) dst(%arg18 : memref<800xf32, #tpu.memory_space<vmem>>)
    %dma_wait3A_99 = arith.constant 0 : i32
    %dma_wait3A_100 = tpu.memref_slice %arg5[%dma_wait3A_99] : memref<6400000xf32, #tpu.memory_space<hbm>> -> memref<800xf32, #tpu.memory_space<hbm>>
    %dma_wait3A_101 = arith.constant 0 : i32
    %dma_wait3A_102 = tpu.memref_slice %arg5[%dma_wait3A_101] : memref<6400000xf32, #tpu.memory_space<hbm>> -> memref<800xf32, #tpu.memory_space<hbm>>
    tpu.wait_dma2 semaphore(%arg38 : memref<!tpu.dma_semaphore, #tpu.memory_space<semaphore_mem>>) src(%dma_wait3A_102 : memref<800xf32, #tpu.memory_space<hbm>>) dst(%arg22 : memref<800xf32, #tpu.memory_space<vmem>>)
    %parallel_loop3A_103 = arith.constant 0 : i32
    %parallel_loop3A_104 = arith.constant 800 : i32
    %parallel_loop3A_105 = arith.constant 16 : i32
    scf.for %parallel_loop3A_188 = %parallel_loop3A_103 to %parallel_loop3A_104 step %parallel_loop3A_105  : i32 {
      %parallel_loop3A_189 = arith.index_cast %parallel_loop3A_188 : i32 to index
      %parallel_loop3A_190 = tpu.vector_load %arg10[%parallel_loop3A_189] {strides = array<i32>} : memref<800xi32, #tpu.memory_space<vmem>>, vector<16xi32>,
      %parallel_loop3A_191 = arith.constant 64000 : i32
      %parallel_loop3A_192 = vector.broadcast %parallel_loop3A_191 : i32 to vector<16xi32>
      %parallel_loop3A_193 = arith.cmpi slt, %parallel_loop3A_190, %parallel_loop3A_192 : vector<16xi32>
      %parallel_loop3A_194 = arith.constant -1 : i32
      %parallel_loop3A_195 = vector.broadcast %parallel_loop3A_194 : i32 to vector<16xi32>
      %parallel_loop3A_196 = arith.select %parallel_loop3A_193, %parallel_loop3A_190, %parallel_loop3A_195 : vector<16xi1>, vector<16xi32>
      %parallel_loop3A_197 = arith.index_cast %parallel_loop3A_188 : i32 to index
      %parallel_loop3A_198 = tpu.vector_load %arg30[%parallel_loop3A_197] {strides = array<i32>} : memref<800xi32, #tpu.memory_space<vmem>>, vector<16xi32>,
      tpu.vector_store %arg30[%parallel_loop3A_197], %parallel_loop3A_196 {strides = array<i32>} : memref<800xi32, #tpu.memory_space<vmem>>, vector<16xi32>,
      %parallel_loop3A_199 = arith.constant -1 : i32
      %parallel_loop3A_200 = vector.broadcast %parallel_loop3A_199 : i32 to vector<16xi32>
      %parallel_loop3A_201 = arith.select %parallel_loop3A_193, %parallel_loop3A_200, %parallel_loop3A_190 : vector<16xi1>, vector<16xi32>
      %parallel_loop3A_202 = arith.index_cast %parallel_loop3A_188 : i32 to index
      %parallel_loop3A_203 = tpu.vector_load %arg34[%parallel_loop3A_202] {strides = array<i32>} : memref<800xi32, #tpu.memory_space<vmem>>, vector<16xi32>,
      tpu.vector_store %arg34[%parallel_loop3A_202], %parallel_loop3A_201 {strides = array<i32>} : memref<800xi32, #tpu.memory_space<vmem>>, vector<16xi32>,
    } {sc.loop_unroll_factor = 8 : i64, sc.parallel_access}
    %dma_start3A_106 = arith.constant 0 : i32
    %dma_start3A_107 = arith.constant 0 : i32
    %dma_start3A_108 = tpu.memref_slice %arg9[%dma_start3A_106, %dma_start3A_107] : memref<64000x8xf32, #tpu.memory_space<vmem_shared>> -> memref<64000x8xf32, #tpu.memory_space<vmem_shared>>
    %dma_start3A_109 = arith.constant -1 : i32
    tpu.enqueue_indirect_dma source(%dma_start3A_108 : memref<64000x8xf32, #tpu.memory_space<vmem_shared>>) target(%arg26 : memref<800x8xf32, #tpu.memory_space<vmem>>) offsets(%arg30 : memref<800xi32, #tpu.memory_space<vmem>>) offset_filter(%dma_start3A_109) semaphore(%arg42 : memref<!tpu.dma_semaphore, #tpu.memory_space<semaphore_mem>>)
    %dma_start3A_110 = arith.constant 0 : i32
    %dma_start3A_111 = arith.constant 0 : i32
    %dma_start3A_112 = tpu.memref_slice %arg2[%dma_start3A_110, %dma_start3A_111] : memref<100000x8xf32, #tpu.memory_space<hbm>> -> memref<100000x8xf32, #tpu.memory_space<hbm>>
    %dma_start3A_113 = arith.constant -1 : i32
    tpu.enqueue_indirect_dma source(%dma_start3A_112 : memref<100000x8xf32, #tpu.memory_space<hbm>>) target(%arg26 : memref<800x8xf32, #tpu.memory_space<vmem>>) offsets(%arg34 : memref<800xi32, #tpu.memory_space<vmem>>) offset_filter(%dma_start3A_113) semaphore(%arg46 : memref<!tpu.dma_semaphore, #tpu.memory_space<semaphore_mem>>)
    %parallel_loop3A_114 = arith.constant 0 : i32
    %parallel_loop3A_115 = arith.constant 800 : i32
    %parallel_loop3A_116 = arith.constant 16 : i32
    scf.for %parallel_loop3A_188 = %parallel_loop3A_114 to %parallel_loop3A_115 step %parallel_loop3A_116  : i32 {
      %parallel_loop3A_189 = arith.index_cast %parallel_loop3A_188 : i32 to index
      %parallel_loop3A_190 = tpu.vector_load %arg18[%parallel_loop3A_189] {strides = array<i32>} : memref<800xf32, #tpu.memory_space<vmem>>, vector<16xf32>,
      %parallel_loop3A_191 = arith.index_cast %parallel_loop3A_188 : i32 to index
      %parallel_loop3A_192 = tpu.vector_load %arg22[%parallel_loop3A_191] {strides = array<i32>} : memref<800xf32, #tpu.memory_space<vmem>>, vector<16xf32>,
      %parallel_loop3A_193 = arith.mulf %parallel_loop3A_190, %parallel_loop3A_192 : vector<16xf32>
      %parallel_loop3A_194 = arith.index_cast %parallel_loop3A_188 : i32 to index
      %parallel_loop3A_195 = tpu.vector_load %arg18[%parallel_loop3A_194] {strides = array<i32>} : memref<800xf32, #tpu.memory_space<vmem>>, vector<16xf32>,
      tpu.vector_store %arg18[%parallel_loop3A_194], %parallel_loop3A_193 {strides = array<i32>} : memref<800xf32, #tpu.memory_space<vmem>>, vector<16xf32>,
    } {sc.loop_unroll_factor = 8 : i64, sc.parallel_access}
    %scan3A = arith.constant 0 : i32
    %scan3A_117 = arith.constant 62 : i32
    %scan3A_118 = arith.addi %scan3A, %scan3A_117 : i32
    %scan3A_119 = arith.constant 1 : i32
    scf.for %scan3A_188 = %scan3A to %scan3A_118 step %scan3A_119  : i32 {
      %mul3A_189 = arith.constant 4 : i32
      %mul3A_190 = arith.muli %scan3A_188, %mul3A_189 : i32
      %add3A_191 = arith.constant 0 : i32
      %add3A_192 = arith.addi %add3A_191, %mul3A_190 : i32
      %add3A_193 = arith.constant 0 : i32
      %add3A_194 = arith.addi %add3A_192, %add3A_193 : i32
      %add3A_195 = arith.constant 1 : i32
      %add3A_196 = arith.addi %add3A_194, %add3A_195 : i32
      %lt3A_197 = arith.constant 250 : i32
      %lt3A_198 = arith.cmpi slt, %add3A_196, %lt3A_197 : i32
      %convert_element_type3A = arith.extui %lt3A_198 : i1 to i32
      %cond3A = arith.constant 0 : i32
      %cond3A_199 = arith.cmpi ne, %convert_element_type3A, %cond3A : i32
      scf.if %cond3A_199 {
        %dma_wait3A_303 = arith.constant 0 : i32
        %dma_wait3A_304 = tpu.memref_slice %arg3[%dma_wait3A_303] : memref<6400000xi32, #tpu.memory_space<hbm>> -> memref<800xi32, #tpu.memory_space<hbm>>
        %dma_wait3A_305 = arith.constant 0 : i32
        %dma_wait3A_306 = tpu.memref_slice %arg3[%dma_wait3A_305] : memref<6400000xi32, #tpu.memory_space<hbm>> -> memref<800xi32, #tpu.memory_space<hbm>>
        tpu.wait_dma2 semaphore(%arg39 : memref<!tpu.dma_semaphore, #tpu.memory_space<semaphore_mem>>) src(%dma_wait3A_306 : memref<800xi32, #tpu.memory_space<hbm>>) dst(%arg11 : memref<800xi32, #tpu.memory_space<vmem>>)
        %dma_wait3A_307 = arith.constant 0 : i32
        %dma_wait3A_308 = tpu.memref_slice %arg3[%dma_wait3A_307] : memref<6400000xi32, #tpu.memory_space<hbm>> -> memref<800xi32, #tpu.memory_space<hbm>>
        %dma_wait3A_309 = arith.constant 0 : i32
        %dma_wait3A_310 = tpu.memref_slice %arg3[%dma_wait3A_309] : memref<6400000xi32, #tpu.memory_space<hbm>> -> memref<800xi32, #tpu.memory_space<hbm>>
        tpu.wait_dma2 semaphore(%arg39 : memref<!tpu.dma_semaphore, #tpu.memory_space<semaphore_mem>>) src(%dma_wait3A_310 : memref<800xi32, #tpu.memory_space<hbm>>) dst(%arg15 : memref<800xi32, #tpu.memory_space<vmem>>)
        %dma_wait3A_311 = arith.constant 0 : i32
        %dma_wait3A_312 = tpu.memref_slice %arg5[%dma_wait3A_311] : memref<6400000xf32, #tpu.memory_space<hbm>> -> memref<800xf32, #tpu.memory_space<hbm>>
        %dma_wait3A_313 = arith.constant 0 : i32
        %dma_wait3A_314 = tpu.memref_slice %arg5[%dma_wait3A_313] : memref<6400000xf32, #tpu.memory_space<hbm>> -> memref<800xf32, #tpu.memory_space<hbm>>
        tpu.wait_dma2 semaphore(%arg39 : memref<!tpu.dma_semaphore, #tpu.memory_space<semaphore_mem>>) src(%dma_wait3A_314 : memref<800xf32, #tpu.memory_space<hbm>>) dst(%arg19 : memref<800xf32, #tpu.memory_space<vmem>>)
        %dma_wait3A_315 = arith.constant 0 : i32
        %dma_wait3A_316 = tpu.memref_slice %arg5[%dma_wait3A_315] : memref<6400000xf32, #tpu.memory_space<hbm>> -> memref<800xf32, #tpu.memory_space<hbm>>
        %dma_wait3A_317 = arith.constant 0 : i32
        %dma_wait3A_318 = tpu.memref_slice %arg5[%dma_wait3A_317] : memref<6400000xf32, #tpu.memory_space<hbm>> -> memref<800xf32, #tpu.memory_space<hbm>>
        tpu.wait_dma2 semaphore(%arg39 : memref<!tpu.dma_semaphore, #tpu.memory_space<semaphore_mem>>) src(%dma_wait3A_318 : memref<800xf32, #tpu.memory_space<hbm>>) dst(%arg23 : memref<800xf32, #tpu.memory_space<vmem>>)
        %parallel_loop3A_319 = arith.constant 0 : i32
        %parallel_loop3A_320 = arith.constant 800 : i32
        %parallel_loop3A_321 = arith.constant 16 : i32
        scf.for %parallel_loop3A_333 = %parallel_loop3A_319 to %parallel_loop3A_320 step %parallel_loop3A_321  : i32 {
          %parallel_loop3A_334 = arith.index_cast %parallel_loop3A_333 : i32 to index
          %parallel_loop3A_335 = tpu.vector_load %arg11[%parallel_loop3A_334] {strides = array<i32>} : memref<800xi32, #tpu.memory_space<vmem>>, vector<16xi32>,
          %parallel_loop3A_336 = arith.constant 64000 : i32
          %parallel_loop3A_337 = vector.broadcast %parallel_loop3A_336 : i32 to vector<16xi32>
          %parallel_loop3A_338 = arith.cmpi slt, %parallel_loop3A_335, %parallel_loop3A_337 : vector<16xi32>
          %parallel_loop3A_339 = arith.constant -1 : i32
          %parallel_loop3A_340 = vector.broadcast %parallel_loop3A_339 : i32 to vector<16xi32>
          %parallel_loop3A_341 = arith.select %parallel_loop3A_338, %parallel_loop3A_335, %parallel_loop3A_340 : vector<16xi1>, vector<16xi32>
          %parallel_loop3A_342 = arith.index_cast %parallel_loop3A_333 : i32 to index
          %parallel_loop3A_343 = tpu.vector_load %arg31[%parallel_loop3A_342] {strides = array<i32>} : memref<800xi32, #tpu.memory_space<vmem>>, vector<16xi32>,
          tpu.vector_store %arg31[%parallel_loop3A_342], %parallel_loop3A_341 {strides = array<i32>} : memref<800xi32, #tpu.memory_space<vmem>>, vector<16xi32>,
          %parallel_loop3A_344 = arith.constant -1 : i32
          %parallel_loop3A_345 = vector.broadcast %parallel_loop3A_344 : i32 to vector<16xi32>
          %parallel_loop3A_346 = arith.select %parallel_loop3A_338, %parallel_loop3A_345, %parallel_loop3A_335 : vector<16xi1>, vector<16xi32>
          %parallel_loop3A_347 = arith.index_cast %parallel_loop3A_333 : i32 to index
          %parallel_loop3A_348 = tpu.vector_load %arg35[%parallel_loop3A_347] {strides = array<i32>} : memref<800xi32, #tpu.memory_space<vmem>>, vector<16xi32>,
          tpu.vector_store %arg35[%parallel_loop3A_347], %parallel_loop3A_346 {strides = array<i32>} : memref<800xi32, #tpu.memory_space<vmem>>, vector<16xi32>,
        } {sc.loop_unroll_factor = 8 : i64, sc.parallel_access}
        %dma_start3A_322 = arith.constant 0 : i32
        %dma_start3A_323 = arith.constant 0 : i32
        %dma_start3A_324 = tpu.memref_slice %arg9[%dma_start3A_322, %dma_start3A_323] : memref<64000x8xf32, #tpu.memory_space<vmem_shared>> -> memref<64000x8xf32, #tpu.memory_space<vmem_shared>>
        %dma_start3A_325 = arith.constant -1 : i32
        tpu.enqueue_indirect_dma source(%dma_start3A_324 : memref<64000x8xf32, #tpu.memory_space<vmem_shared>>) target(%arg27 : memref<800x8xf32, #tpu.memory_space<vmem>>) offsets(%arg31 : memref<800xi32, #tpu.memory_space<vmem>>) offset_filter(%dma_start3A_325) semaphore(%arg43 : memref<!tpu.dma_semaphore, #tpu.memory_space<semaphore_mem>>)
        %dma_start3A_326 = arith.constant 0 : i32
        %dma_start3A_327 = arith.constant 0 : i32
        %dma_start3A_328 = tpu.memref_slice %arg2[%dma_start3A_326, %dma_start3A_327] : memref<100000x8xf32, #tpu.memory_space<hbm>> -> memref<100000x8xf32, #tpu.memory_space<hbm>>
        %dma_start3A_329 = arith.constant -1 : i32
        tpu.enqueue_indirect_dma source(%dma_start3A_328 : memref<100000x8xf32, #tpu.memory_space<hbm>>) target(%arg27 : memref<800x8xf32, #tpu.memory_space<vmem>>) offsets(%arg35 : memref<800xi32, #tpu.memory_space<vmem>>) offset_filter(%dma_start3A_329) semaphore(%arg47 : memref<!tpu.dma_semaphore, #tpu.memory_space<semaphore_mem>>)
        %parallel_loop3A_330 = arith.constant 0 : i32
        %parallel_loop3A_331 = arith.constant 800 : i32
        %parallel_loop3A_332 = arith.constant 16 : i32
        scf.for %parallel_loop3A_333 = %parallel_loop3A_330 to %parallel_loop3A_331 step %parallel_loop3A_332  : i32 {
          %parallel_loop3A_334 = arith.index_cast %parallel_loop3A_333 : i32 to index
          %parallel_loop3A_335 = tpu.vector_load %arg19[%parallel_loop3A_334] {strides = array<i32>} : memref<800xf32, #tpu.memory_space<vmem>>, vector<16xf32>,
          %parallel_loop3A_336 = arith.index_cast %parallel_loop3A_333 : i32 to index
          %parallel_loop3A_337 = tpu.vector_load %arg23[%parallel_loop3A_336] {strides = array<i32>} : memref<800xf32, #tpu.memory_space<vmem>>, vector<16xf32>,
          %parallel_loop3A_338 = arith.mulf %parallel_loop3A_335, %parallel_loop3A_337 : vector<16xf32>
          %parallel_loop3A_339 = arith.index_cast %parallel_loop3A_333 : i32 to index
          %parallel_loop3A_340 = tpu.vector_load %arg19[%parallel_loop3A_339] {strides = array<i32>} : memref<800xf32, #tpu.memory_space<vmem>>, vector<16xf32>,
          tpu.vector_store %arg19[%parallel_loop3A_339], %parallel_loop3A_338 {strides = array<i32>} : memref<800xf32, #tpu.memory_space<vmem>>, vector<16xf32>,
        } {sc.loop_unroll_factor = 8 : i64, sc.parallel_access}
      } else {
      }
      %add3A_200 = arith.constant 2 : i32
      %add3A_201 = arith.addi %add3A_194, %add3A_200 : i32
      %lt3A_202 = arith.constant 250 : i32
      %lt3A_203 = arith.cmpi slt, %add3A_201, %lt3A_202 : i32
      %convert_element_type3A_204 = arith.extui %lt3A_203 : i1 to i32
      %cond3A_205 = arith.constant 0 : i32
      %cond3A_206 = arith.cmpi ne, %convert_element_type3A_204, %cond3A_205 : i32
      scf.if %cond3A_206 {
        %ge3A = arith.constant 2 : i32
        %ge3A_303 = arith.cmpi sge, %add3A_194, %ge3A : i32
        %convert_element_type3A_304 = arith.extui %ge3A_303 : i1 to i32
        %cond3A_305 = arith.constant 0 : i32
        %cond3A_306 = arith.cmpi ne, %convert_element_type3A_304, %cond3A_305 : i32
        scf.if %cond3A_306 {
          %dma_wait3A_320 = arith.constant 0 : i32
          %dma_wait3A_321 = arith.constant 0 : i32
          %dma_wait3A_322 = tpu.memref_slice %arg8[%dma_wait3A_320, %dma_wait3A_321] : memref<100000x8xf32, #tpu.memory_space<vmem_shared>> -> memref<100000x8xf32, #tpu.memory_space<vmem_shared>>
          tpu.wait_indirect_dma semaphore(%arg52 : memref<!tpu.dma_semaphore, #tpu.memory_space<semaphore_mem>>) src(%arg28 : memref<800x8xf32, #tpu.memory_space<vmem>>) dst(%dma_wait3A_322 : memref<100000x8xf32, #tpu.memory_space<vmem_shared>>)
        } else {
        }
        %add3A_307 = arith.constant 2 : i32
        %add3A_308 = arith.addi %add3A_194, %add3A_307 : i32
        %mul3A_309 = arith.constant 800 : i32
        %mul3A_310 = arith.muli %add3A_308, %mul3A_309 : i32
        %add3A_311 = arith.addi %mul3A_2, %mul3A_310 : i32
        %dma_start3A_312 = tpu.memref_slice %arg3[%add3A_311] : memref<6400000xi32, #tpu.memory_space<hbm>> -> memref<800xi32, #tpu.memory_space<hbm>>
        %dma_start3A_313 = tpu.memref_slice %arg3[%add3A_311] : memref<6400000xi32, #tpu.memory_space<hbm>> -> memref<800xi32, #tpu.memory_space<hbm>>
        tpu.enqueue_dma source(%dma_start3A_313 : memref<800xi32, #tpu.memory_space<hbm>>) target(%arg12 : memref<800xi32, #tpu.memory_space<vmem>>) target_semaphore(%arg40 : memref<!tpu.dma_semaphore, #tpu.memory_space<semaphore_mem>>)
        %dma_start3A_314 = tpu.memref_slice %arg4[%add3A_311] : memref<6400000xi32, #tpu.memory_space<hbm>> -> memref<800xi32, #tpu.memory_space<hbm>>
        %dma_start3A_315 = tpu.memref_slice %arg4[%add3A_311] : memref<6400000xi32, #tpu.memory_space<hbm>> -> memref<800xi32, #tpu.memory_space<hbm>>
        tpu.enqueue_dma source(%dma_start3A_315 : memref<800xi32, #tpu.memory_space<hbm>>) target(%arg16 : memref<800xi32, #tpu.memory_space<vmem>>) target_semaphore(%arg40 : memref<!tpu.dma_semaphore, #tpu.memory_space<semaphore_mem>>)
        %dma_start3A_316 = tpu.memref_slice %arg5[%add3A_311] : memref<6400000xf32, #tpu.memory_space<hbm>> -> memref<800xf32, #tpu.memory_space<hbm>>
        %dma_start3A_317 = tpu.memref_slice %arg5[%add3A_311] : memref<6400000xf32, #tpu.memory_space<hbm>> -> memref<800xf32, #tpu.memory_space<hbm>>
        tpu.enqueue_dma source(%dma_start3A_317 : memref<800xf32, #tpu.memory_space<hbm>>) target(%arg20 : memref<800xf32, #tpu.memory_space<vmem>>) target_semaphore(%arg40 : memref<!tpu.dma_semaphore, #tpu.memory_space<semaphore_mem>>)
        %dma_start3A_318 = tpu.memref_slice %arg6[%add3A_311] : memref<6400000xf32, #tpu.memory_space<hbm>> -> memref<800xf32, #tpu.memory_space<hbm>>
        %dma_start3A_319 = tpu.memref_slice %arg6[%add3A_311] : memref<6400000xf32, #tpu.memory_space<hbm>> -> memref<800xf32, #tpu.memory_space<hbm>>
        tpu.enqueue_dma source(%dma_start3A_319 : memref<800xf32, #tpu.memory_space<hbm>>) target(%arg24 : memref<800xf32, #tpu.memory_space<vmem>>) target_semaphore(%arg40 : memref<!tpu.dma_semaphore, #tpu.memory_space<semaphore_mem>>)
      } else {
      }
      %dma_wait3A_207 = arith.constant 0 : i32
      %dma_wait3A_208 = arith.constant 0 : i32
      %dma_wait3A_209 = tpu.memref_slice %arg9[%dma_wait3A_207, %dma_wait3A_208] : memref<64000x8xf32, #tpu.memory_space<vmem_shared>> -> memref<64000x8xf32, #tpu.memory_space<vmem_shared>>
      tpu.wait_indirect_dma semaphore(%arg42 : memref<!tpu.dma_semaphore, #tpu.memory_space<semaphore_mem>>) src(%dma_wait3A_209 : memref<64000x8xf32, #tpu.memory_space<vmem_shared>>) dst(%arg26 : memref<800x8xf32, #tpu.memory_space<vmem>>)
      %dma_wait3A_210 = arith.constant 0 : i32
      %dma_wait3A_211 = arith.constant 0 : i32
      %dma_wait3A_212 = tpu.memref_slice %arg2[%dma_wait3A_210, %dma_wait3A_211] : memref<100000x8xf32, #tpu.memory_space<hbm>> -> memref<100000x8xf32, #tpu.memory_space<hbm>>
      tpu.wait_indirect_dma semaphore(%arg46 : memref<!tpu.dma_semaphore, #tpu.memory_space<semaphore_mem>>) src(%dma_wait3A_212 : memref<100000x8xf32, #tpu.memory_space<hbm>>) dst(%arg26 : memref<800x8xf32, #tpu.memory_space<vmem>>)
      %parallel_loop3A_213 = arith.constant 0 : i32
      %parallel_loop3A_214 = arith.constant 400 : i32
      %parallel_loop3A_215 = arith.constant 1 : i32
      scf.for %parallel_loop3A_303 = %parallel_loop3A_213 to %parallel_loop3A_214 step %parallel_loop3A_215  : i32 {
        %parallel_loop3A_304 = arith.constant 2 : i32
        %parallel_loop3A_305 = arith.muli %parallel_loop3A_304, %parallel_loop3A_303 : i32
        %parallel_loop3A_306 = vector.broadcast %parallel_loop3A_305 : i32 to vector<16xi32>
        %parallel_loop3A_307 = arith.addi %select_n3A, %parallel_loop3A_306 : vector<16xi32>
        %parallel_loop3A_308 = tpu.vector_load_idx %arg18[%parallel_loop3A_307] : memref<800xf32, #tpu.memory_space<vmem>>[vector<16xi32>], vector<16xf32>,
        %parallel_loop3A_309 = tpu.vector_load_idx %arg26[%parallel_loop3A_307, %select_n3A_45] : memref<800x8xf32, #tpu.memory_space<vmem>>[vector<16xi32>, vector<16xi32>], vector<16xf32>,
        %parallel_loop3A_310 = arith.mulf %parallel_loop3A_309, %parallel_loop3A_308 : vector<16xf32>
        tpu.vector_store_idx %arg26[%parallel_loop3A_307, %select_n3A_45], %parallel_loop3A_310 : memref<800x8xf32, #tpu.memory_space<vmem>>[vector<16xi32>, vector<16xi32>], vector<16xf32>,
      } {sc.loop_unroll_factor = 8 : i64, sc.parallel_access}
      %dma_start3A_216 = arith.constant 0 : i32
      %dma_start3A_217 = arith.constant 0 : i32
      %dma_start3A_218 = tpu.memref_slice %arg8[%dma_start3A_216, %dma_start3A_217] : memref<100000x8xf32, #tpu.memory_space<vmem_shared>> -> memref<100000x8xf32, #tpu.memory_space<vmem_shared>>
      tpu.enqueue_indirect_dma source(%arg26 : memref<800x8xf32, #tpu.memory_space<vmem>>) target(%dma_start3A_218 : memref<100000x8xf32, #tpu.memory_space<vmem_shared>>) offsets(%arg14 : memref<800xi32, #tpu.memory_space<vmem>>) semaphore(%arg50 : memref<!tpu.dma_semaphore, #tpu.memory_space<semaphore_mem>>) {add = true}
      %add3A_219 = arith.constant 1 : i32
      %add3A_220 = arith.addi %add3A_192, %add3A_219 : i32
      %add3A_221 = arith.constant 1 : i32
      %add3A_222 = arith.addi %add3A_220, %add3A_221 : i32
      %lt3A_223 = arith.constant 250 : i32
      %lt3A_224 = arith.cmpi slt, %add3A_222, %lt3A_223 : i32
      %convert_element_type3A_225 = arith.extui %lt3A_224 : i1 to i32
      %cond3A_226 = arith.constant 0 : i32
      %cond3A_227 = arith.cmpi ne, %convert_element_type3A_225, %cond3A_226 : i32
      scf.if %cond3A_227 {
        %dma_wait3A_303 = arith.constant 0 : i32
        %dma_wait3A_304 = tpu.memref_slice %arg3[%dma_wait3A_303] : memref<6400000xi32, #tpu.memory_space<hbm>> -> memref<800xi32, #tpu.memory_space<hbm>>
        %dma_wait3A_305 = arith.constant 0 : i32
        %dma_wait3A_306 = tpu.memref_slice %arg3[%dma_wait3A_305] : memref<6400000xi32, #tpu.memory_space<hbm>> -> memref<800xi32, #tpu.memory_space<hbm>>
        tpu.wait_dma2 semaphore(%arg40 : memref<!tpu.dma_semaphore, #tpu.memory_space<semaphore_mem>>) src(%dma_wait3A_306 : memref<800xi32, #tpu.memory_space<hbm>>) dst(%arg12 : memref<800xi32, #tpu.memory_space<vmem>>)
        %dma_wait3A_307 = arith.constant 0 : i32
        %dma_wait3A_308 = tpu.memref_slice %arg3[%dma_wait3A_307] : memref<6400000xi32, #tpu.memory_space<hbm>> -> memref<800xi32, #tpu.memory_space<hbm>>
        %dma_wait3A_309 = arith.constant 0 : i32
        %dma_wait3A_310 = tpu.memref_slice %arg3[%dma_wait3A_309] : memref<6400000xi32, #tpu.memory_space<hbm>> -> memref<800xi32, #tpu.memory_space<hbm>>
        tpu.wait_dma2 semaphore(%arg40 : memref<!tpu.dma_semaphore, #tpu.memory_space<semaphore_mem>>) src(%dma_wait3A_310 : memref<800xi32, #tpu.memory_space<hbm>>) dst(%arg16 : memref<800xi32, #tpu.memory_space<vmem>>)
        %dma_wait3A_311 = arith.constant 0 : i32
        %dma_wait3A_312 = tpu.memref_slice %arg5[%dma_wait3A_311] : memref<6400000xf32, #tpu.memory_space<hbm>> -> memref<800xf32, #tpu.memory_space<hbm>>
        %dma_wait3A_313 = arith.constant 0 : i32
        %dma_wait3A_314 = tpu.memref_slice %arg5[%dma_wait3A_313] : memref<6400000xf32, #tpu.memory_space<hbm>> -> memref<800xf32, #tpu.memory_space<hbm>>
        tpu.wait_dma2 semaphore(%arg40 : memref<!tpu.dma_semaphore, #tpu.memory_space<semaphore_mem>>) src(%dma_wait3A_314 : memref<800xf32, #tpu.memory_space<hbm>>) dst(%arg20 : memref<800xf32, #tpu.memory_space<vmem>>)
        %dma_wait3A_315 = arith.constant 0 : i32
        %dma_wait3A_316 = tpu.memref_slice %arg5[%dma_wait3A_315] : memref<6400000xf32, #tpu.memory_space<hbm>> -> memref<800xf32, #tpu.memory_space<hbm>>
        %dma_wait3A_317 = arith.constant 0 : i32
        %dma_wait3A_318 = tpu.memref_slice %arg5[%dma_wait3A_317] : memref<6400000xf32, #tpu.memory_space<hbm>> -> memref<800xf32, #tpu.memory_space<hbm>>
        tpu.wait_dma2 semaphore(%arg40 : memref<!tpu.dma_semaphore, #tpu.memory_space<semaphore_mem>>) src(%dma_wait3A_318 : memref<800xf32, #tpu.memory_space<hbm>>) dst(%arg24 : memref<800xf32, #tpu.memory_space<vmem>>)
        %parallel_loop3A_319 = arith.constant 0 : i32
        %parallel_loop3A_320 = arith.constant 800 : i32
        %parallel_loop3A_321 = arith.constant 16 : i32
        scf.for %parallel_loop3A_333 = %parallel_loop3A_319 to %parallel_loop3A_320 step %parallel_loop3A_321  : i32 {
          %parallel_loop3A_334 = arith.index_cast %parallel_loop3A_333 : i32 to index
          %parallel_loop3A_335 = tpu.vector_load %arg12[%parallel_loop3A_334] {strides = array<i32>} : memref<800xi32, #tpu.memory_space<vmem>>, vector<16xi32>,
          %parallel_loop3A_336 = arith.constant 64000 : i32
          %parallel_loop3A_337 = vector.broadcast %parallel_loop3A_336 : i32 to vector<16xi32>
          %parallel_loop3A_338 = arith.cmpi slt, %parallel_loop3A_335, %parallel_loop3A_337 : vector<16xi32>
          %parallel_loop3A_339 = arith.constant -1 : i32
          %parallel_loop3A_340 = vector.broadcast %parallel_loop3A_339 : i32 to vector<16xi32>
          %parallel_loop3A_341 = arith.select %parallel_loop3A_338, %parallel_loop3A_335, %parallel_loop3A_340 : vector<16xi1>, vector<16xi32>
          %parallel_loop3A_342 = arith.index_cast %parallel_loop3A_333 : i32 to index
          %parallel_loop3A_343 = tpu.vector_load %arg32[%parallel_loop3A_342] {strides = array<i32>} : memref<800xi32, #tpu.memory_space<vmem>>, vector<16xi32>,
          tpu.vector_store %arg32[%parallel_loop3A_342], %parallel_loop3A_341 {strides = array<i32>} : memref<800xi32, #tpu.memory_space<vmem>>, vector<16xi32>,
          %parallel_loop3A_344 = arith.constant -1 : i32
          %parallel_loop3A_345 = vector.broadcast %parallel_loop3A_344 : i32 to vector<16xi32>
          %parallel_loop3A_346 = arith.select %parallel_loop3A_338, %parallel_loop3A_345, %parallel_loop3A_335 : vector<16xi1>, vector<16xi32>
          %parallel_loop3A_347 = arith.index_cast %parallel_loop3A_333 : i32 to index
          %parallel_loop3A_348 = tpu.vector_load %arg36[%parallel_loop3A_347] {strides = array<i32>} : memref<800xi32, #tpu.memory_space<vmem>>, vector<16xi32>,
          tpu.vector_store %arg36[%parallel_loop3A_347], %parallel_loop3A_346 {strides = array<i32>} : memref<800xi32, #tpu.memory_space<vmem>>, vector<16xi32>,
        } {sc.loop_unroll_factor = 8 : i64, sc.parallel_access}
        %dma_start3A_322 = arith.constant 0 : i32
        %dma_start3A_323 = arith.constant 0 : i32
        %dma_start3A_324 = tpu.memref_slice %arg9[%dma_start3A_322, %dma_start3A_323] : memref<64000x8xf32, #tpu.memory_space<vmem_shared>> -> memref<64000x8xf32, #tpu.memory_space<vmem_shared>>
        %dma_start3A_325 = arith.constant -1 : i32
        tpu.enqueue_indirect_dma source(%dma_start3A_324 : memref<64000x8xf32, #tpu.memory_space<vmem_shared>>) target(%arg28 : memref<800x8xf32, #tpu.memory_space<vmem>>) offsets(%arg32 : memref<800xi32, #tpu.memory_space<vmem>>) offset_filter(%dma_start3A_325) semaphore(%arg44 : memref<!tpu.dma_semaphore, #tpu.memory_space<semaphore_mem>>)
        %dma_start3A_326 = arith.constant 0 : i32
        %dma_start3A_327 = arith.constant 0 : i32
        %dma_start3A_328 = tpu.memref_slice %arg2[%dma_start3A_326, %dma_start3A_327] : memref<100000x8xf32, #tpu.memory_space<hbm>> -> memref<100000x8xf32, #tpu.memory_space<hbm>>
        %dma_start3A_329 = arith.constant -1 : i32
        tpu.enqueue_indirect_dma source(%dma_start3A_328 : memref<100000x8xf32, #tpu.memory_space<hbm>>) target(%arg28 : memref<800x8xf32, #tpu.memory_space<vmem>>) offsets(%arg36 : memref<800xi32, #tpu.memory_space<vmem>>) offset_filter(%dma_start3A_329) semaphore(%arg48 : memref<!tpu.dma_semaphore, #tpu.memory_space<semaphore_mem>>)
        %parallel_loop3A_330 = arith.constant 0 : i32
        %parallel_loop3A_331 = arith.constant 800 : i32
        %parallel_loop3A_332 = arith.constant 16 : i32
        scf.for %parallel_loop3A_333 = %parallel_loop3A_330 to %parallel_loop3A_331 step %parallel_loop3A_332  : i32 {
          %parallel_loop3A_334 = arith.index_cast %parallel_loop3A_333 : i32 to index
          %parallel_loop3A_335 = tpu.vector_load %arg20[%parallel_loop3A_334] {strides = array<i32>} : memref<800xf32, #tpu.memory_space<vmem>>, vector<16xf32>,
          %parallel_loop3A_336 = arith.index_cast %parallel_loop3A_333 : i32 to index
          %parallel_loop3A_337 = tpu.vector_load %arg24[%parallel_loop3A_336] {strides = array<i32>} : memref<800xf32, #tpu.memory_space<vmem>>, vector<16xf32>,
          %parallel_loop3A_338 = arith.mulf %parallel_loop3A_335, %parallel_loop3A_337 : vector<16xf32>
          %parallel_loop3A_339 = arith.index_cast %parallel_loop3A_333 : i32 to index
          %parallel_loop3A_340 = tpu.vector_load %arg20[%parallel_loop3A_339] {strides = array<i32>} : memref<800xf32, #tpu.memory_space<vmem>>, vector<16xf32>,
          tpu.vector_store %arg20[%parallel_loop3A_339], %parallel_loop3A_338 {strides = array<i32>} : memref<800xf32, #tpu.memory_space<vmem>>, vector<16xf32>,
        } {sc.loop_unroll_factor = 8 : i64, sc.parallel_access}
      } else {
      }
      %add3A_228 = arith.constant 2 : i32
      %add3A_229 = arith.addi %add3A_220, %add3A_228 : i32
      %lt3A_230 = arith.constant 250 : i32
      %lt3A_231 = arith.cmpi slt, %add3A_229, %lt3A_230 : i32
      %convert_element_type3A_232 = arith.extui %lt3A_231 : i1 to i32
      %cond3A_233 = arith.constant 0 : i32
      %cond3A_234 = arith.cmpi ne, %convert_element_type3A_232, %cond3A_233 : i32
      scf.if %cond3A_234 {
        %ge3A = arith.constant 2 : i32
        %ge3A_303 = arith.cmpi sge, %add3A_220, %ge3A : i32
        %convert_element_type3A_304 = arith.extui %ge3A_303 : i1 to i32
        %cond3A_305 = arith.constant 0 : i32
        %cond3A_306 = arith.cmpi ne, %convert_element_type3A_304, %cond3A_305 : i32
        scf.if %cond3A_306 {
          %dma_wait3A_320 = arith.constant 0 : i32
          %dma_wait3A_321 = arith.constant 0 : i32
          %dma_wait3A_322 = tpu.memref_slice %arg8[%dma_wait3A_320, %dma_wait3A_321] : memref<100000x8xf32, #tpu.memory_space<vmem_shared>> -> memref<100000x8xf32, #tpu.memory_space<vmem_shared>>
          tpu.wait_indirect_dma semaphore(%arg53 : memref<!tpu.dma_semaphore, #tpu.memory_space<semaphore_mem>>) src(%arg29 : memref<800x8xf32, #tpu.memory_space<vmem>>) dst(%dma_wait3A_322 : memref<100000x8xf32, #tpu.memory_space<vmem_shared>>)
        } else {
        }
        %add3A_307 = arith.constant 2 : i32
        %add3A_308 = arith.addi %add3A_220, %add3A_307 : i32
        %mul3A_309 = arith.constant 800 : i32
        %mul3A_310 = arith.muli %add3A_308, %mul3A_309 : i32
        %add3A_311 = arith.addi %mul3A_2, %mul3A_310 : i32
        %dma_start3A_312 = tpu.memref_slice %arg3[%add3A_311] : memref<6400000xi32, #tpu.memory_space<hbm>> -> memref<800xi32, #tpu.memory_space<hbm>>
        %dma_start3A_313 = tpu.memref_slice %arg3[%add3A_311] : memref<6400000xi32, #tpu.memory_space<hbm>> -> memref<800xi32, #tpu.memory_space<hbm>>
        tpu.enqueue_dma source(%dma_start3A_313 : memref<800xi32, #tpu.memory_space<hbm>>) target(%arg13 : memref<800xi32, #tpu.memory_space<vmem>>) target_semaphore(%arg41 : memref<!tpu.dma_semaphore, #tpu.memory_space<semaphore_mem>>)
        %dma_start3A_314 = tpu.memref_slice %arg4[%add3A_311] : memref<6400000xi32, #tpu.memory_space<hbm>> -> memref<800xi32, #tpu.memory_space<hbm>>
        %dma_start3A_315 = tpu.memref_slice %arg4[%add3A_311] : memref<6400000xi32, #tpu.memory_space<hbm>> -> memref<800xi32, #tpu.memory_space<hbm>>
        tpu.enqueue_dma source(%dma_start3A_315 : memref<800xi32, #tpu.memory_space<hbm>>) target(%arg17 : memref<800xi32, #tpu.memory_space<vmem>>) target_semaphore(%arg41 : memref<!tpu.dma_semaphore, #tpu.memory_space<semaphore_mem>>)
        %dma_start3A_316 = tpu.memref_slice %arg5[%add3A_311] : memref<6400000xf32, #tpu.memory_space<hbm>> -> memref<800xf32, #tpu.memory_space<hbm>>
        %dma_start3A_317 = tpu.memref_slice %arg5[%add3A_311] : memref<6400000xf32, #tpu.memory_space<hbm>> -> memref<800xf32, #tpu.memory_space<hbm>>
        tpu.enqueue_dma source(%dma_start3A_317 : memref<800xf32, #tpu.memory_space<hbm>>) target(%arg21 : memref<800xf32, #tpu.memory_space<vmem>>) target_semaphore(%arg41 : memref<!tpu.dma_semaphore, #tpu.memory_space<semaphore_mem>>)
        %dma_start3A_318 = tpu.memref_slice %arg6[%add3A_311] : memref<6400000xf32, #tpu.memory_space<hbm>> -> memref<800xf32, #tpu.memory_space<hbm>>
        %dma_start3A_319 = tpu.memref_slice %arg6[%add3A_311] : memref<6400000xf32, #tpu.memory_space<hbm>> -> memref<800xf32, #tpu.memory_space<hbm>>
        tpu.enqueue_dma source(%dma_start3A_319 : memref<800xf32, #tpu.memory_space<hbm>>) target(%arg25 : memref<800xf32, #tpu.memory_space<vmem>>) target_semaphore(%arg41 : memref<!tpu.dma_semaphore, #tpu.memory_space<semaphore_mem>>)
      } else {
      }
      %dma_wait3A_235 = arith.constant 0 : i32
      %dma_wait3A_236 = arith.constant 0 : i32
      %dma_wait3A_237 = tpu.memref_slice %arg9[%dma_wait3A_235, %dma_wait3A_236] : memref<64000x8xf32, #tpu.memory_space<vmem_shared>> -> memref<64000x8xf32, #tpu.memory_space<vmem_shared>>
      tpu.wait_indirect_dma semaphore(%arg43 : memref<!tpu.dma_semaphore, #tpu.memory_space<semaphore_mem>>) src(%dma_wait3A_237 : memref<64000x8xf32, #tpu.memory_space<vmem_shared>>) dst(%arg27 : memref<800x8xf32, #tpu.memory_space<vmem>>)
      %dma_wait3A_238 = arith.constant 0 : i32
      %dma_wait3A_239 = arith.constant 0 : i32
      %dma_wait3A_240 = tpu.memref_slice %arg2[%dma_wait3A_238, %dma_wait3A_239] : memref<100000x8xf32, #tpu.memory_space<hbm>> -> memref<100000x8xf32, #tpu.memory_space<hbm>>
      tpu.wait_indirect_dma semaphore(%arg47 : memref<!tpu.dma_semaphore, #tpu.memory_space<semaphore_mem>>) src(%dma_wait3A_240 : memref<100000x8xf32, #tpu.memory_space<hbm>>) dst(%arg27 : memref<800x8xf32, #tpu.memory_space<vmem>>)
      %parallel_loop3A_241 = arith.constant 0 : i32
      %parallel_loop3A_242 = arith.constant 400 : i32
      %parallel_loop3A_243 = arith.constant 1 : i32
      scf.for %parallel_loop3A_303 = %parallel_loop3A_241 to %parallel_loop3A_242 step %parallel_loop3A_243  : i32 {
        %parallel_loop3A_304 = arith.constant 2 : i32
        %parallel_loop3A_305 = arith.muli %parallel_loop3A_304, %parallel_loop3A_303 : i32
        %parallel_loop3A_306 = vector.broadcast %parallel_loop3A_305 : i32 to vector<16xi32>
        %parallel_loop3A_307 = arith.addi %select_n3A, %parallel_loop3A_306 : vector<16xi32>
        %parallel_loop3A_308 = tpu.vector_load_idx %arg19[%parallel_loop3A_307] : memref<800xf32, #tpu.memory_space<vmem>>[vector<16xi32>], vector<16xf32>,
        %parallel_loop3A_309 = tpu.vector_load_idx %arg27[%parallel_loop3A_307, %select_n3A_45] : memref<800x8xf32, #tpu.memory_space<vmem>>[vector<16xi32>, vector<16xi32>], vector<16xf32>,
        %parallel_loop3A_310 = arith.mulf %parallel_loop3A_309, %parallel_loop3A_308 : vector<16xf32>
        tpu.vector_store_idx %arg27[%parallel_loop3A_307, %select_n3A_45], %parallel_loop3A_310 : memref<800x8xf32, #tpu.memory_space<vmem>>[vector<16xi32>, vector<16xi32>], vector<16xf32>,
      } {sc.loop_unroll_factor = 8 : i64, sc.parallel_access}
      %dma_start3A_244 = arith.constant 0 : i32
      %dma_start3A_245 = arith.constant 0 : i32
      %dma_start3A_246 = tpu.memref_slice %arg8[%dma_start3A_244, %dma_start3A_245] : memref<100000x8xf32, #tpu.memory_space<vmem_shared>> -> memref<100000x8xf32, #tpu.memory_space<vmem_shared>>
      tpu.enqueue_indirect_dma source(%arg27 : memref<800x8xf32, #tpu.memory_space<vmem>>) target(%dma_start3A_246 : memref<100000x8xf32, #tpu.memory_space<vmem_shared>>) offsets(%arg15 : memref<800xi32, #tpu.memory_space<vmem>>) semaphore(%arg51 : memref<!tpu.dma_semaphore, #tpu.memory_space<semaphore_mem>>) {add = true}
      %add3A_247 = arith.constant 2 : i32
      %add3A_248 = arith.addi %add3A_192, %add3A_247 : i32
      %add3A_249 = arith.constant 1 : i32
      %add3A_250 = arith.addi %add3A_248, %add3A_249 : i32
      %lt3A_251 = arith.constant 250 : i32
      %lt3A_252 = arith.cmpi slt, %add3A_250, %lt3A_251 : i32
      %convert_element_type3A_253 = arith.extui %lt3A_252 : i1 to i32
      %cond3A_254 = arith.constant 0 : i32
      %cond3A_255 = arith.cmpi ne, %convert_element_type3A_253, %cond3A_254 : i32
      scf.if %cond3A_255 {
        %dma_wait3A_303 = arith.constant 0 : i32
        %dma_wait3A_304 = tpu.memref_slice %arg3[%dma_wait3A_303] : memref<6400000xi32, #tpu.memory_space<hbm>> -> memref<800xi32, #tpu.memory_space<hbm>>
        %dma_wait3A_305 = arith.constant 0 : i32
        %dma_wait3A_306 = tpu.memref_slice %arg3[%dma_wait3A_305] : memref<6400000xi32, #tpu.memory_space<hbm>> -> memref<800xi32, #tpu.memory_space<hbm>>
        tpu.wait_dma2 semaphore(%arg41 : memref<!tpu.dma_semaphore, #tpu.memory_space<semaphore_mem>>) src(%dma_wait3A_306 : memref<800xi32, #tpu.memory_space<hbm>>) dst(%arg13 : memref<800xi32, #tpu.memory_space<vmem>>)
        %dma_wait3A_307 = arith.constant 0 : i32
        %dma_wait3A_308 = tpu.memref_slice %arg3[%dma_wait3A_307] : memref<6400000xi32, #tpu.memory_space<hbm>> -> memref<800xi32, #tpu.memory_space<hbm>>
        %dma_wait3A_309 = arith.constant 0 : i32
        %dma_wait3A_310 = tpu.memref_slice %arg3[%dma_wait3A_309] : memref<6400000xi32, #tpu.memory_space<hbm>> -> memref<800xi32, #tpu.memory_space<hbm>>
        tpu.wait_dma2 semaphore(%arg41 : memref<!tpu.dma_semaphore, #tpu.memory_space<semaphore_mem>>) src(%dma_wait3A_310 : memref<800xi32, #tpu.memory_space<hbm>>) dst(%arg17 : memref<800xi32, #tpu.memory_space<vmem>>)
        %dma_wait3A_311 = arith.constant 0 : i32
        %dma_wait3A_312 = tpu.memref_slice %arg5[%dma_wait3A_311] : memref<6400000xf32, #tpu.memory_space<hbm>> -> memref<800xf32, #tpu.memory_space<hbm>>
        %dma_wait3A_313 = arith.constant 0 : i32
        %dma_wait3A_314 = tpu.memref_slice %arg5[%dma_wait3A_313] : memref<6400000xf32, #tpu.memory_space<hbm>> -> memref<800xf32, #tpu.memory_space<hbm>>
        tpu.wait_dma2 semaphore(%arg41 : memref<!tpu.dma_semaphore, #tpu.memory_space<semaphore_mem>>) src(%dma_wait3A_314 : memref<800xf32, #tpu.memory_space<hbm>>) dst(%arg21 : memref<800xf32, #tpu.memory_space<vmem>>)
        %dma_wait3A_315 = arith.constant 0 : i32
        %dma_wait3A_316 = tpu.memref_slice %arg5[%dma_wait3A_315] : memref<6400000xf32, #tpu.memory_space<hbm>> -> memref<800xf32, #tpu.memory_space<hbm>>
        %dma_wait3A_317 = arith.constant 0 : i32
        %dma_wait3A_318 = tpu.memref_slice %arg5[%dma_wait3A_317] : memref<6400000xf32, #tpu.memory_space<hbm>> -> memref<800xf32, #tpu.memory_space<hbm>>
        tpu.wait_dma2 semaphore(%arg41 : memref<!tpu.dma_semaphore, #tpu.memory_space<semaphore_mem>>) src(%dma_wait3A_318 : memref<800xf32, #tpu.memory_space<hbm>>) dst(%arg25 : memref<800xf32, #tpu.memory_space<vmem>>)
        %parallel_loop3A_319 = arith.constant 0 : i32
        %parallel_loop3A_320 = arith.constant 800 : i32
        %parallel_loop3A_321 = arith.constant 16 : i32
        scf.for %parallel_loop3A_333 = %parallel_loop3A_319 to %parallel_loop3A_320 step %parallel_loop3A_321  : i32 {
          %parallel_loop3A_334 = arith.index_cast %parallel_loop3A_333 : i32 to index
          %parallel_loop3A_335 = tpu.vector_load %arg13[%parallel_loop3A_334] {strides = array<i32>} : memref<800xi32, #tpu.memory_space<vmem>>, vector<16xi32>,
          %parallel_loop3A_336 = arith.constant 64000 : i32
          %parallel_loop3A_337 = vector.broadcast %parallel_loop3A_336 : i32 to vector<16xi32>
          %parallel_loop3A_338 = arith.cmpi slt, %parallel_loop3A_335, %parallel_loop3A_337 : vector<16xi32>
          %parallel_loop3A_339 = arith.constant -1 : i32
          %parallel_loop3A_340 = vector.broadcast %parallel_loop3A_339 : i32 to vector<16xi32>
          %parallel_loop3A_341 = arith.select %parallel_loop3A_338, %parallel_loop3A_335, %parallel_loop3A_340 : vector<16xi1>, vector<16xi32>
          %parallel_loop3A_342 = arith.index_cast %parallel_loop3A_333 : i32 to index
          %parallel_loop3A_343 = tpu.vector_load %arg33[%parallel_loop3A_342] {strides = array<i32>} : memref<800xi32, #tpu.memory_space<vmem>>, vector<16xi32>,
          tpu.vector_store %arg33[%parallel_loop3A_342], %parallel_loop3A_341 {strides = array<i32>} : memref<800xi32, #tpu.memory_space<vmem>>, vector<16xi32>,
          %parallel_loop3A_344 = arith.constant -1 : i32
          %parallel_loop3A_345 = vector.broadcast %parallel_loop3A_344 : i32 to vector<16xi32>
          %parallel_loop3A_346 = arith.select %parallel_loop3A_338, %parallel_loop3A_345, %parallel_loop3A_335 : vector<16xi1>, vector<16xi32>
          %parallel_loop3A_347 = arith.index_cast %parallel_loop3A_333 : i32 to index
          %parallel_loop3A_348 = tpu.vector_load %arg37[%parallel_loop3A_347] {strides = array<i32>} : memref<800xi32, #tpu.memory_space<vmem>>, vector<16xi32>,
          tpu.vector_store %arg37[%parallel_loop3A_347], %parallel_loop3A_346 {strides = array<i32>} : memref<800xi32, #tpu.memory_space<vmem>>, vector<16xi32>,
        } {sc.loop_unroll_factor = 8 : i64, sc.parallel_access}
        %dma_start3A_322 = arith.constant 0 : i32
        %dma_start3A_323 = arith.constant 0 : i32
        %dma_start3A_324 = tpu.memref_slice %arg9[%dma_start3A_322, %dma_start3A_323] : memref<64000x8xf32, #tpu.memory_space<vmem_shared>> -> memref<64000x8xf32, #tpu.memory_space<vmem_shared>>
        %dma_start3A_325 = arith.constant -1 : i32
        tpu.enqueue_indirect_dma source(%dma_start3A_324 : memref<64000x8xf32, #tpu.memory_space<vmem_shared>>) target(%arg29 : memref<800x8xf32, #tpu.memory_space<vmem>>) offsets(%arg33 : memref<800xi32, #tpu.memory_space<vmem>>) offset_filter(%dma_start3A_325) semaphore(%arg45 : memref<!tpu.dma_semaphore, #tpu.memory_space<semaphore_mem>>)
        %dma_start3A_326 = arith.constant 0 : i32
        %dma_start3A_327 = arith.constant 0 : i32
        %dma_start3A_328 = tpu.memref_slice %arg2[%dma_start3A_326, %dma_start3A_327] : memref<100000x8xf32, #tpu.memory_space<hbm>> -> memref<100000x8xf32, #tpu.memory_space<hbm>>
        %dma_start3A_329 = arith.constant -1 : i32
        tpu.enqueue_indirect_dma source(%dma_start3A_328 : memref<100000x8xf32, #tpu.memory_space<hbm>>) target(%arg29 : memref<800x8xf32, #tpu.memory_space<vmem>>) offsets(%arg37 : memref<800xi32, #tpu.memory_space<vmem>>) offset_filter(%dma_start3A_329) semaphore(%arg49 : memref<!tpu.dma_semaphore, #tpu.memory_space<semaphore_mem>>)
        %parallel_loop3A_330 = arith.constant 0 : i32
        %parallel_loop3A_331 = arith.constant 800 : i32
        %parallel_loop3A_332 = arith.constant 16 : i32
        scf.for %parallel_loop3A_333 = %parallel_loop3A_330 to %parallel_loop3A_331 step %parallel_loop3A_332  : i32 {
          %parallel_loop3A_334 = arith.index_cast %parallel_loop3A_333 : i32 to index
          %parallel_loop3A_335 = tpu.vector_load %arg21[%parallel_loop3A_334] {strides = array<i32>} : memref<800xf32, #tpu.memory_space<vmem>>, vector<16xf32>,
          %parallel_loop3A_336 = arith.index_cast %parallel_loop3A_333 : i32 to index
          %parallel_loop3A_337 = tpu.vector_load %arg25[%parallel_loop3A_336] {strides = array<i32>} : memref<800xf32, #tpu.memory_space<vmem>>, vector<16xf32>,
          %parallel_loop3A_338 = arith.mulf %parallel_loop3A_335, %parallel_loop3A_337 : vector<16xf32>
          %parallel_loop3A_339 = arith.index_cast %parallel_loop3A_333 : i32 to index
          %parallel_loop3A_340 = tpu.vector_load %arg21[%parallel_loop3A_339] {strides = array<i32>} : memref<800xf32, #tpu.memory_space<vmem>>, vector<16xf32>,
          tpu.vector_store %arg21[%parallel_loop3A_339], %parallel_loop3A_338 {strides = array<i32>} : memref<800xf32, #tpu.memory_space<vmem>>, vector<16xf32>,
        } {sc.loop_unroll_factor = 8 : i64, sc.parallel_access}
      } else {
      }
      %add3A_256 = arith.constant 2 : i32
      %add3A_257 = arith.addi %add3A_248, %add3A_256 : i32
      %lt3A_258 = arith.constant 250 : i32
      %lt3A_259 = arith.cmpi slt, %add3A_257, %lt3A_258 : i32
      %convert_element_type3A_260 = arith.extui %lt3A_259 : i1 to i32
      %cond3A_261 = arith.constant 0 : i32
      %cond3A_262 = arith.cmpi ne, %convert_element_type3A_260, %cond3A_261 : i32
      scf.if %cond3A_262 {
        %ge3A = arith.constant 2 : i32
        %ge3A_303 = arith.cmpi sge, %add3A_248, %ge3A : i32
        %convert_element_type3A_304 = arith.extui %ge3A_303 : i1 to i32
        %cond3A_305 = arith.constant 0 : i32
        %cond3A_306 = arith.cmpi ne, %convert_element_type3A_304, %cond3A_305 : i32
        scf.if %cond3A_306 {
          %dma_wait3A_320 = arith.constant 0 : i32
          %dma_wait3A_321 = arith.constant 0 : i32
          %dma_wait3A_322 = tpu.memref_slice %arg8[%dma_wait3A_320, %dma_wait3A_321] : memref<100000x8xf32, #tpu.memory_space<vmem_shared>> -> memref<100000x8xf32, #tpu.memory_space<vmem_shared>>
          tpu.wait_indirect_dma semaphore(%arg50 : memref<!tpu.dma_semaphore, #tpu.memory_space<semaphore_mem>>) src(%arg26 : memref<800x8xf32, #tpu.memory_space<vmem>>) dst(%dma_wait3A_322 : memref<100000x8xf32, #tpu.memory_space<vmem_shared>>)
        } else {
        }
        %add3A_307 = arith.constant 2 : i32
        %add3A_308 = arith.addi %add3A_248, %add3A_307 : i32
        %mul3A_309 = arith.constant 800 : i32
        %mul3A_310 = arith.muli %add3A_308, %mul3A_309 : i32
        %add3A_311 = arith.addi %mul3A_2, %mul3A_310 : i32
        %dma_start3A_312 = tpu.memref_slice %arg3[%add3A_311] : memref<6400000xi32, #tpu.memory_space<hbm>> -> memref<800xi32, #tpu.memory_space<hbm>>
        %dma_start3A_313 = tpu.memref_slice %arg3[%add3A_311] : memref<6400000xi32, #tpu.memory_space<hbm>> -> memref<800xi32, #tpu.memory_space<hbm>>
        tpu.enqueue_dma source(%dma_start3A_313 : memref<800xi32, #tpu.memory_space<hbm>>) target(%arg10 : memref<800xi32, #tpu.memory_space<vmem>>) target_semaphore(%arg38 : memref<!tpu.dma_semaphore, #tpu.memory_space<semaphore_mem>>)
        %dma_start3A_314 = tpu.memref_slice %arg4[%add3A_311] : memref<6400000xi32, #tpu.memory_space<hbm>> -> memref<800xi32, #tpu.memory_space<hbm>>
        %dma_start3A_315 = tpu.memref_slice %arg4[%add3A_311] : memref<6400000xi32, #tpu.memory_space<hbm>> -> memref<800xi32, #tpu.memory_space<hbm>>
        tpu.enqueue_dma source(%dma_start3A_315 : memref<800xi32, #tpu.memory_space<hbm>>) target(%arg14 : memref<800xi32, #tpu.memory_space<vmem>>) target_semaphore(%arg38 : memref<!tpu.dma_semaphore, #tpu.memory_space<semaphore_mem>>)
        %dma_start3A_316 = tpu.memref_slice %arg5[%add3A_311] : memref<6400000xf32, #tpu.memory_space<hbm>> -> memref<800xf32, #tpu.memory_space<hbm>>
        %dma_start3A_317 = tpu.memref_slice %arg5[%add3A_311] : memref<6400000xf32, #tpu.memory_space<hbm>> -> memref<800xf32, #tpu.memory_space<hbm>>
        tpu.enqueue_dma source(%dma_start3A_317 : memref<800xf32, #tpu.memory_space<hbm>>) target(%arg18 : memref<800xf32, #tpu.memory_space<vmem>>) target_semaphore(%arg38 : memref<!tpu.dma_semaphore, #tpu.memory_space<semaphore_mem>>)
        %dma_start3A_318 = tpu.memref_slice %arg6[%add3A_311] : memref<6400000xf32, #tpu.memory_space<hbm>> -> memref<800xf32, #tpu.memory_space<hbm>>
        %dma_start3A_319 = tpu.memref_slice %arg6[%add3A_311] : memref<6400000xf32, #tpu.memory_space<hbm>> -> memref<800xf32, #tpu.memory_space<hbm>>
        tpu.enqueue_dma source(%dma_start3A_319 : memref<800xf32, #tpu.memory_space<hbm>>) target(%arg22 : memref<800xf32, #tpu.memory_space<vmem>>) target_semaphore(%arg38 : memref<!tpu.dma_semaphore, #tpu.memory_space<semaphore_mem>>)
      } else {
      }
      %dma_wait3A_263 = arith.constant 0 : i32
      %dma_wait3A_264 = arith.constant 0 : i32
      %dma_wait3A_265 = tpu.memref_slice %arg9[%dma_wait3A_263, %dma_wait3A_264] : memref<64000x8xf32, #tpu.memory_space<vmem_shared>> -> memref<64000x8xf32, #tpu.memory_space<vmem_shared>>
      tpu.wait_indirect_dma semaphore(%arg44 : memref<!tpu.dma_semaphore, #tpu.memory_space<semaphore_mem>>) src(%dma_wait3A_265 : memref<64000x8xf32, #tpu.memory_space<vmem_shared>>) dst(%arg28 : memref<800x8xf32, #tpu.memory_space<vmem>>)
      %dma_wait3A_266 = arith.constant 0 : i32
      %dma_wait3A_267 = arith.constant 0 : i32
      %dma_wait3A_268 = tpu.memref_slice %arg2[%dma_wait3A_266, %dma_wait3A_267] : memref<100000x8xf32, #tpu.memory_space<hbm>> -> memref<100000x8xf32, #tpu.memory_space<hbm>>
      tpu.wait_indirect_dma semaphore(%arg48 : memref<!tpu.dma_semaphore, #tpu.memory_space<semaphore_mem>>) src(%dma_wait3A_268 : memref<100000x8xf32, #tpu.memory_space<hbm>>) dst(%arg28 : memref<800x8xf32, #tpu.memory_space<vmem>>)
      %parallel_loop3A_269 = arith.constant 0 : i32
      %parallel_loop3A_270 = arith.constant 400 : i32
      %parallel_loop3A_271 = arith.constant 1 : i32
      scf.for %parallel_loop3A_303 = %parallel_loop3A_269 to %parallel_loop3A_270 step %parallel_loop3A_271  : i32 {
        %parallel_loop3A_304 = arith.constant 2 : i32
        %parallel_loop3A_305 = arith.muli %parallel_loop3A_304, %parallel_loop3A_303 : i32
        %parallel_loop3A_306 = vector.broadcast %parallel_loop3A_305 : i32 to vector<16xi32>
        %parallel_loop3A_307 = arith.addi %select_n3A, %parallel_loop3A_306 : vector<16xi32>
        %parallel_loop3A_308 = tpu.vector_load_idx %arg20[%parallel_loop3A_307] : memref<800xf32, #tpu.memory_space<vmem>>[vector<16xi32>], vector<16xf32>,
        %parallel_loop3A_309 = tpu.vector_load_idx %arg28[%parallel_loop3A_307, %select_n3A_45] : memref<800x8xf32, #tpu.memory_space<vmem>>[vector<16xi32>, vector<16xi32>], vector<16xf32>,
        %parallel_loop3A_310 = arith.mulf %parallel_loop3A_309, %parallel_loop3A_308 : vector<16xf32>
        tpu.vector_store_idx %arg28[%parallel_loop3A_307, %select_n3A_45], %parallel_loop3A_310 : memref<800x8xf32, #tpu.memory_space<vmem>>[vector<16xi32>, vector<16xi32>], vector<16xf32>,
      } {sc.loop_unroll_factor = 8 : i64, sc.parallel_access}
      %dma_start3A_272 = arith.constant 0 : i32
      %dma_start3A_273 = arith.constant 0 : i32
      %dma_start3A_274 = tpu.memref_slice %arg8[%dma_start3A_272, %dma_start3A_273] : memref<100000x8xf32, #tpu.memory_space<vmem_shared>> -> memref<100000x8xf32, #tpu.memory_space<vmem_shared>>
      tpu.enqueue_indirect_dma source(%arg28 : memref<800x8xf32, #tpu.memory_space<vmem>>) target(%dma_start3A_274 : memref<100000x8xf32, #tpu.memory_space<vmem_shared>>) offsets(%arg16 : memref<800xi32, #tpu.memory_space<vmem>>) semaphore(%arg52 : memref<!tpu.dma_semaphore, #tpu.memory_space<semaphore_mem>>) {add = true}
      %add3A_275 = arith.constant 3 : i32
      %add3A_276 = arith.addi %add3A_192, %add3A_275 : i32
      %add3A_277 = arith.constant 1 : i32
      %add3A_278 = arith.addi %add3A_276, %add3A_277 : i32
      %lt3A_279 = arith.constant 250 : i32
      %lt3A_280 = arith.cmpi slt, %add3A_278, %lt3A_279 : i32
      %convert_element_type3A_281 = arith.extui %lt3A_280 : i1 to i32
      %cond3A_282 = arith.constant 0 : i32
      %cond3A_283 = arith.cmpi ne, %convert_element_type3A_281, %cond3A_282 : i32
      scf.if %cond3A_283 {
        %dma_wait3A_303 = arith.constant 0 : i32
        %dma_wait3A_304 = tpu.memref_slice %arg3[%dma_wait3A_303] : memref<6400000xi32, #tpu.memory_space<hbm>> -> memref<800xi32, #tpu.memory_space<hbm>>
        %dma_wait3A_305 = arith.constant 0 : i32
        %dma_wait3A_306 = tpu.memref_slice %arg3[%dma_wait3A_305] : memref<6400000xi32, #tpu.memory_space<hbm>> -> memref<800xi32, #tpu.memory_space<hbm>>
        tpu.wait_dma2 semaphore(%arg38 : memref<!tpu.dma_semaphore, #tpu.memory_space<semaphore_mem>>) src(%dma_wait3A_306 : memref<800xi32, #tpu.memory_space<hbm>>) dst(%arg10 : memref<800xi32, #tpu.memory_space<vmem>>)
        %dma_wait3A_307 = arith.constant 0 : i32
        %dma_wait3A_308 = tpu.memref_slice %arg3[%dma_wait3A_307] : memref<6400000xi32, #tpu.memory_space<hbm>> -> memref<800xi32, #tpu.memory_space<hbm>>
        %dma_wait3A_309 = arith.constant 0 : i32
        %dma_wait3A_310 = tpu.memref_slice %arg3[%dma_wait3A_309] : memref<6400000xi32, #tpu.memory_space<hbm>> -> memref<800xi32, #tpu.memory_space<hbm>>
        tpu.wait_dma2 semaphore(%arg38 : memref<!tpu.dma_semaphore, #tpu.memory_space<semaphore_mem>>) src(%dma_wait3A_310 : memref<800xi32, #tpu.memory_space<hbm>>) dst(%arg14 : memref<800xi32, #tpu.memory_space<vmem>>)
        %dma_wait3A_311 = arith.constant 0 : i32
        %dma_wait3A_312 = tpu.memref_slice %arg5[%dma_wait3A_311] : memref<6400000xf32, #tpu.memory_space<hbm>> -> memref<800xf32, #tpu.memory_space<hbm>>
        %dma_wait3A_313 = arith.constant 0 : i32
        %dma_wait3A_314 = tpu.memref_slice %arg5[%dma_wait3A_313] : memref<6400000xf32, #tpu.memory_space<hbm>> -> memref<800xf32, #tpu.memory_space<hbm>>
        tpu.wait_dma2 semaphore(%arg38 : memref<!tpu.dma_semaphore, #tpu.memory_space<semaphore_mem>>) src(%dma_wait3A_314 : memref<800xf32, #tpu.memory_space<hbm>>) dst(%arg18 : memref<800xf32, #tpu.memory_space<vmem>>)
        %dma_wait3A_315 = arith.constant 0 : i32
        %dma_wait3A_316 = tpu.memref_slice %arg5[%dma_wait3A_315] : memref<6400000xf32, #tpu.memory_space<hbm>> -> memref<800xf32, #tpu.memory_space<hbm>>
        %dma_wait3A_317 = arith.constant 0 : i32
        %dma_wait3A_318 = tpu.memref_slice %arg5[%dma_wait3A_317] : memref<6400000xf32, #tpu.memory_space<hbm>> -> memref<800xf32, #tpu.memory_space<hbm>>
        tpu.wait_dma2 semaphore(%arg38 : memref<!tpu.dma_semaphore, #tpu.memory_space<semaphore_mem>>) src(%dma_wait3A_318 : memref<800xf32, #tpu.memory_space<hbm>>) dst(%arg22 : memref<800xf32, #tpu.memory_space<vmem>>)
        %parallel_loop3A_319 = arith.constant 0 : i32
        %parallel_loop3A_320 = arith.constant 800 : i32
        %parallel_loop3A_321 = arith.constant 16 : i32
        scf.for %parallel_loop3A_333 = %parallel_loop3A_319 to %parallel_loop3A_320 step %parallel_loop3A_321  : i32 {
          %parallel_loop3A_334 = arith.index_cast %parallel_loop3A_333 : i32 to index
          %parallel_loop3A_335 = tpu.vector_load %arg10[%parallel_loop3A_334] {strides = array<i32>} : memref<800xi32, #tpu.memory_space<vmem>>, vector<16xi32>,
          %parallel_loop3A_336 = arith.constant 64000 : i32
          %parallel_loop3A_337 = vector.broadcast %parallel_loop3A_336 : i32 to vector<16xi32>
          %parallel_loop3A_338 = arith.cmpi slt, %parallel_loop3A_335, %parallel_loop3A_337 : vector<16xi32>
          %parallel_loop3A_339 = arith.constant -1 : i32
          %parallel_loop3A_340 = vector.broadcast %parallel_loop3A_339 : i32 to vector<16xi32>
          %parallel_loop3A_341 = arith.select %parallel_loop3A_338, %parallel_loop3A_335, %parallel_loop3A_340 : vector<16xi1>, vector<16xi32>
          %parallel_loop3A_342 = arith.index_cast %parallel_loop3A_333 : i32 to index
          %parallel_loop3A_343 = tpu.vector_load %arg30[%parallel_loop3A_342] {strides = array<i32>} : memref<800xi32, #tpu.memory_space<vmem>>, vector<16xi32>,
          tpu.vector_store %arg30[%parallel_loop3A_342], %parallel_loop3A_341 {strides = array<i32>} : memref<800xi32, #tpu.memory_space<vmem>>, vector<16xi32>,
          %parallel_loop3A_344 = arith.constant -1 : i32
          %parallel_loop3A_345 = vector.broadcast %parallel_loop3A_344 : i32 to vector<16xi32>
          %parallel_loop3A_346 = arith.select %parallel_loop3A_338, %parallel_loop3A_345, %parallel_loop3A_335 : vector<16xi1>, vector<16xi32>
          %parallel_loop3A_347 = arith.index_cast %parallel_loop3A_333 : i32 to index
          %parallel_loop3A_348 = tpu.vector_load %arg34[%parallel_loop3A_347] {strides = array<i32>} : memref<800xi32, #tpu.memory_space<vmem>>, vector<16xi32>,
          tpu.vector_store %arg34[%parallel_loop3A_347], %parallel_loop3A_346 {strides = array<i32>} : memref<800xi32, #tpu.memory_space<vmem>>, vector<16xi32>,
        } {sc.loop_unroll_factor = 8 : i64, sc.parallel_access}
        %dma_start3A_322 = arith.constant 0 : i32
        %dma_start3A_323 = arith.constant 0 : i32
        %dma_start3A_324 = tpu.memref_slice %arg9[%dma_start3A_322, %dma_start3A_323] : memref<64000x8xf32, #tpu.memory_space<vmem_shared>> -> memref<64000x8xf32, #tpu.memory_space<vmem_shared>>
        %dma_start3A_325 = arith.constant -1 : i32
        tpu.enqueue_indirect_dma source(%dma_start3A_324 : memref<64000x8xf32, #tpu.memory_space<vmem_shared>>) target(%arg26 : memref<800x8xf32, #tpu.memory_space<vmem>>) offsets(%arg30 : memref<800xi32, #tpu.memory_space<vmem>>) offset_filter(%dma_start3A_325) semaphore(%arg42 : memref<!tpu.dma_semaphore, #tpu.memory_space<semaphore_mem>>)
        %dma_start3A_326 = arith.constant 0 : i32
        %dma_start3A_327 = arith.constant 0 : i32
        %dma_start3A_328 = tpu.memref_slice %arg2[%dma_start3A_326, %dma_start3A_327] : memref<100000x8xf32, #tpu.memory_space<hbm>> -> memref<100000x8xf32, #tpu.memory_space<hbm>>
        %dma_start3A_329 = arith.constant -1 : i32
        tpu.enqueue_indirect_dma source(%dma_start3A_328 : memref<100000x8xf32, #tpu.memory_space<hbm>>) target(%arg26 : memref<800x8xf32, #tpu.memory_space<vmem>>) offsets(%arg34 : memref<800xi32, #tpu.memory_space<vmem>>) offset_filter(%dma_start3A_329) semaphore(%arg46 : memref<!tpu.dma_semaphore, #tpu.memory_space<semaphore_mem>>)
        %parallel_loop3A_330 = arith.constant 0 : i32
        %parallel_loop3A_331 = arith.constant 800 : i32
        %parallel_loop3A_332 = arith.constant 16 : i32
        scf.for %parallel_loop3A_333 = %parallel_loop3A_330 to %parallel_loop3A_331 step %parallel_loop3A_332  : i32 {
          %parallel_loop3A_334 = arith.index_cast %parallel_loop3A_333 : i32 to index
          %parallel_loop3A_335 = tpu.vector_load %arg18[%parallel_loop3A_334] {strides = array<i32>} : memref<800xf32, #tpu.memory_space<vmem>>, vector<16xf32>,
          %parallel_loop3A_336 = arith.index_cast %parallel_loop3A_333 : i32 to index
          %parallel_loop3A_337 = tpu.vector_load %arg22[%parallel_loop3A_336] {strides = array<i32>} : memref<800xf32, #tpu.memory_space<vmem>>, vector<16xf32>,
          %parallel_loop3A_338 = arith.mulf %parallel_loop3A_335, %parallel_loop3A_337 : vector<16xf32>
          %parallel_loop3A_339 = arith.index_cast %parallel_loop3A_333 : i32 to index
          %parallel_loop3A_340 = tpu.vector_load %arg18[%parallel_loop3A_339] {strides = array<i32>} : memref<800xf32, #tpu.memory_space<vmem>>, vector<16xf32>,
          tpu.vector_store %arg18[%parallel_loop3A_339], %parallel_loop3A_338 {strides = array<i32>} : memref<800xf32, #tpu.memory_space<vmem>>, vector<16xf32>,
        } {sc.loop_unroll_factor = 8 : i64, sc.parallel_access}
      } else {
      }
      %add3A_284 = arith.constant 2 : i32
      %add3A_285 = arith.addi %add3A_276, %add3A_284 : i32
      %lt3A_286 = arith.constant 250 : i32
      %lt3A_287 = arith.cmpi slt, %add3A_285, %lt3A_286 : i32
      %convert_element_type3A_288 = arith.extui %lt3A_287 : i1 to i32
      %cond3A_289 = arith.constant 0 : i32
      %cond3A_290 = arith.cmpi ne, %convert_element_type3A_288, %cond3A_289 : i32
      scf.if %cond3A_290 {
        %ge3A = arith.constant 2 : i32
        %ge3A_303 = arith.cmpi sge, %add3A_276, %ge3A : i32
        %convert_element_type3A_304 = arith.extui %ge3A_303 : i1 to i32
        %cond3A_305 = arith.constant 0 : i32
        %cond3A_306 = arith.cmpi ne, %convert_element_type3A_304, %cond3A_305 : i32
        scf.if %cond3A_306 {
          %dma_wait3A_320 = arith.constant 0 : i32
          %dma_wait3A_321 = arith.constant 0 : i32
          %dma_wait3A_322 = tpu.memref_slice %arg8[%dma_wait3A_320, %dma_wait3A_321] : memref<100000x8xf32, #tpu.memory_space<vmem_shared>> -> memref<100000x8xf32, #tpu.memory_space<vmem_shared>>
          tpu.wait_indirect_dma semaphore(%arg51 : memref<!tpu.dma_semaphore, #tpu.memory_space<semaphore_mem>>) src(%arg27 : memref<800x8xf32, #tpu.memory_space<vmem>>) dst(%dma_wait3A_322 : memref<100000x8xf32, #tpu.memory_space<vmem_shared>>)
        } else {
        }
        %add3A_307 = arith.constant 2 : i32
        %add3A_308 = arith.addi %add3A_276, %add3A_307 : i32
        %mul3A_309 = arith.constant 800 : i32
        %mul3A_310 = arith.muli %add3A_308, %mul3A_309 : i32
        %add3A_311 = arith.addi %mul3A_2, %mul3A_310 : i32
        %dma_start3A_312 = tpu.memref_slice %arg3[%add3A_311] : memref<6400000xi32, #tpu.memory_space<hbm>> -> memref<800xi32, #tpu.memory_space<hbm>>
        %dma_start3A_313 = tpu.memref_slice %arg3[%add3A_311] : memref<6400000xi32, #tpu.memory_space<hbm>> -> memref<800xi32, #tpu.memory_space<hbm>>
        tpu.enqueue_dma source(%dma_start3A_313 : memref<800xi32, #tpu.memory_space<hbm>>) target(%arg11 : memref<800xi32, #tpu.memory_space<vmem>>) target_semaphore(%arg39 : memref<!tpu.dma_semaphore, #tpu.memory_space<semaphore_mem>>)
        %dma_start3A_314 = tpu.memref_slice %arg4[%add3A_311] : memref<6400000xi32, #tpu.memory_space<hbm>> -> memref<800xi32, #tpu.memory_space<hbm>>
        %dma_start3A_315 = tpu.memref_slice %arg4[%add3A_311] : memref<6400000xi32, #tpu.memory_space<hbm>> -> memref<800xi32, #tpu.memory_space<hbm>>
        tpu.enqueue_dma source(%dma_start3A_315 : memref<800xi32, #tpu.memory_space<hbm>>) target(%arg15 : memref<800xi32, #tpu.memory_space<vmem>>) target_semaphore(%arg39 : memref<!tpu.dma_semaphore, #tpu.memory_space<semaphore_mem>>)
        %dma_start3A_316 = tpu.memref_slice %arg5[%add3A_311] : memref<6400000xf32, #tpu.memory_space<hbm>> -> memref<800xf32, #tpu.memory_space<hbm>>
        %dma_start3A_317 = tpu.memref_slice %arg5[%add3A_311] : memref<6400000xf32, #tpu.memory_space<hbm>> -> memref<800xf32, #tpu.memory_space<hbm>>
        tpu.enqueue_dma source(%dma_start3A_317 : memref<800xf32, #tpu.memory_space<hbm>>) target(%arg19 : memref<800xf32, #tpu.memory_space<vmem>>) target_semaphore(%arg39 : memref<!tpu.dma_semaphore, #tpu.memory_space<semaphore_mem>>)
        %dma_start3A_318 = tpu.memref_slice %arg6[%add3A_311] : memref<6400000xf32, #tpu.memory_space<hbm>> -> memref<800xf32, #tpu.memory_space<hbm>>
        %dma_start3A_319 = tpu.memref_slice %arg6[%add3A_311] : memref<6400000xf32, #tpu.memory_space<hbm>> -> memref<800xf32, #tpu.memory_space<hbm>>
        tpu.enqueue_dma source(%dma_start3A_319 : memref<800xf32, #tpu.memory_space<hbm>>) target(%arg23 : memref<800xf32, #tpu.memory_space<vmem>>) target_semaphore(%arg39 : memref<!tpu.dma_semaphore, #tpu.memory_space<semaphore_mem>>)
      } else {
      }
      %dma_wait3A_291 = arith.constant 0 : i32
      %dma_wait3A_292 = arith.constant 0 : i32
      %dma_wait3A_293 = tpu.memref_slice %arg9[%dma_wait3A_291, %dma_wait3A_292] : memref<64000x8xf32, #tpu.memory_space<vmem_shared>> -> memref<64000x8xf32, #tpu.memory_space<vmem_shared>>
      tpu.wait_indirect_dma semaphore(%arg45 : memref<!tpu.dma_semaphore, #tpu.memory_space<semaphore_mem>>) src(%dma_wait3A_293 : memref<64000x8xf32, #tpu.memory_space<vmem_shared>>) dst(%arg29 : memref<800x8xf32, #tpu.memory_space<vmem>>)
      %dma_wait3A_294 = arith.constant 0 : i32
      %dma_wait3A_295 = arith.constant 0 : i32
      %dma_wait3A_296 = tpu.memref_slice %arg2[%dma_wait3A_294, %dma_wait3A_295] : memref<100000x8xf32, #tpu.memory_space<hbm>> -> memref<100000x8xf32, #tpu.memory_space<hbm>>
      tpu.wait_indirect_dma semaphore(%arg49 : memref<!tpu.dma_semaphore, #tpu.memory_space<semaphore_mem>>) src(%dma_wait3A_296 : memref<100000x8xf32, #tpu.memory_space<hbm>>) dst(%arg29 : memref<800x8xf32, #tpu.memory_space<vmem>>)
      %parallel_loop3A_297 = arith.constant 0 : i32
      %parallel_loop3A_298 = arith.constant 400 : i32
      %parallel_loop3A_299 = arith.constant 1 : i32
      scf.for %parallel_loop3A_303 = %parallel_loop3A_297 to %parallel_loop3A_298 step %parallel_loop3A_299  : i32 {
        %parallel_loop3A_304 = arith.constant 2 : i32
        %parallel_loop3A_305 = arith.muli %parallel_loop3A_304, %parallel_loop3A_303 : i32
        %parallel_loop3A_306 = vector.broadcast %parallel_loop3A_305 : i32 to vector<16xi32>
        %parallel_loop3A_307 = arith.addi %select_n3A, %parallel_loop3A_306 : vector<16xi32>
        %parallel_loop3A_308 = tpu.vector_load_idx %arg21[%parallel_loop3A_307] : memref<800xf32, #tpu.memory_space<vmem>>[vector<16xi32>], vector<16xf32>,
        %parallel_loop3A_309 = tpu.vector_load_idx %arg29[%parallel_loop3A_307, %select_n3A_45] : memref<800x8xf32, #tpu.memory_space<vmem>>[vector<16xi32>, vector<16xi32>], vector<16xf32>,
        %parallel_loop3A_310 = arith.mulf %parallel_loop3A_309, %parallel_loop3A_308 : vector<16xf32>
        tpu.vector_store_idx %arg29[%parallel_loop3A_307, %select_n3A_45], %parallel_loop3A_310 : memref<800x8xf32, #tpu.memory_space<vmem>>[vector<16xi32>, vector<16xi32>], vector<16xf32>,
      } {sc.loop_unroll_factor = 8 : i64, sc.parallel_access}
      %dma_start3A_300 = arith.constant 0 : i32
      %dma_start3A_301 = arith.constant 0 : i32
      %dma_start3A_302 = tpu.memref_slice %arg8[%dma_start3A_300, %dma_start3A_301] : memref<100000x8xf32, #tpu.memory_space<vmem_shared>> -> memref<100000x8xf32, #tpu.memory_space<vmem_shared>>
      tpu.enqueue_indirect_dma source(%arg29 : memref<800x8xf32, #tpu.memory_space<vmem>>) target(%dma_start3A_302 : memref<100000x8xf32, #tpu.memory_space<vmem_shared>>) offsets(%arg17 : memref<800xi32, #tpu.memory_space<vmem>>) semaphore(%arg53 : memref<!tpu.dma_semaphore, #tpu.memory_space<semaphore_mem>>) {add = true}
    }
    %scan3A_120 = arith.constant 62 : i32
    %dma_wait3A_121 = arith.constant 0 : i32
    %dma_wait3A_122 = tpu.memref_slice %arg3[%dma_wait3A_121] : memref<6400000xi32, #tpu.memory_space<hbm>> -> memref<800xi32, #tpu.memory_space<hbm>>
    %dma_wait3A_123 = arith.constant 0 : i32
    %dma_wait3A_124 = tpu.memref_slice %arg3[%dma_wait3A_123] : memref<6400000xi32, #tpu.memory_space<hbm>> -> memref<800xi32, #tpu.memory_space<hbm>>
    tpu.wait_dma2 semaphore(%arg39 : memref<!tpu.dma_semaphore, #tpu.memory_space<semaphore_mem>>) src(%dma_wait3A_124 : memref<800xi32, #tpu.memory_space<hbm>>) dst(%arg11 : memref<800xi32, #tpu.memory_space<vmem>>)
    %dma_wait3A_125 = arith.constant 0 : i32
    %dma_wait3A_126 = tpu.memref_slice %arg3[%dma_wait3A_125] : memref<6400000xi32, #tpu.memory_space<hbm>> -> memref<800xi32, #tpu.memory_space<hbm>>
    %dma_wait3A_127 = arith.constant 0 : i32
    %dma_wait3A_128 = tpu.memref_slice %arg3[%dma_wait3A_127] : memref<6400000xi32, #tpu.memory_space<hbm>> -> memref<800xi32, #tpu.memory_space<hbm>>
    tpu.wait_dma2 semaphore(%arg39 : memref<!tpu.dma_semaphore, #tpu.memory_space<semaphore_mem>>) src(%dma_wait3A_128 : memref<800xi32, #tpu.memory_space<hbm>>) dst(%arg15 : memref<800xi32, #tpu.memory_space<vmem>>)
    %dma_wait3A_129 = arith.constant 0 : i32
    %dma_wait3A_130 = tpu.memref_slice %arg5[%dma_wait3A_129] : memref<6400000xf32, #tpu.memory_space<hbm>> -> memref<800xf32, #tpu.memory_space<hbm>>
    %dma_wait3A_131 = arith.constant 0 : i32
    %dma_wait3A_132 = tpu.memref_slice %arg5[%dma_wait3A_131] : memref<6400000xf32, #tpu.memory_space<hbm>> -> memref<800xf32, #tpu.memory_space<hbm>>
    tpu.wait_dma2 semaphore(%arg39 : memref<!tpu.dma_semaphore, #tpu.memory_space<semaphore_mem>>) src(%dma_wait3A_132 : memref<800xf32, #tpu.memory_space<hbm>>) dst(%arg19 : memref<800xf32, #tpu.memory_space<vmem>>)
    %dma_wait3A_133 = arith.constant 0 : i32
    %dma_wait3A_134 = tpu.memref_slice %arg5[%dma_wait3A_133] : memref<6400000xf32, #tpu.memory_space<hbm>> -> memref<800xf32, #tpu.memory_space<hbm>>
    %dma_wait3A_135 = arith.constant 0 : i32
    %dma_wait3A_136 = tpu.memref_slice %arg5[%dma_wait3A_135] : memref<6400000xf32, #tpu.memory_space<hbm>> -> memref<800xf32, #tpu.memory_space<hbm>>
    tpu.wait_dma2 semaphore(%arg39 : memref<!tpu.dma_semaphore, #tpu.memory_space<semaphore_mem>>) src(%dma_wait3A_136 : memref<800xf32, #tpu.memory_space<hbm>>) dst(%arg23 : memref<800xf32, #tpu.memory_space<vmem>>)
    %parallel_loop3A_137 = arith.constant 0 : i32
    %parallel_loop3A_138 = arith.constant 800 : i32
    %parallel_loop3A_139 = arith.constant 16 : i32
    scf.for %parallel_loop3A_188 = %parallel_loop3A_137 to %parallel_loop3A_138 step %parallel_loop3A_139  : i32 {
      %parallel_loop3A_189 = arith.index_cast %parallel_loop3A_188 : i32 to index
      %parallel_loop3A_190 = tpu.vector_load %arg11[%parallel_loop3A_189] {strides = array<i32>} : memref<800xi32, #tpu.memory_space<vmem>>, vector<16xi32>,
      %parallel_loop3A_191 = arith.constant 64000 : i32
      %parallel_loop3A_192 = vector.broadcast %parallel_loop3A_191 : i32 to vector<16xi32>
      %parallel_loop3A_193 = arith.cmpi slt, %parallel_loop3A_190, %parallel_loop3A_192 : vector<16xi32>
      %parallel_loop3A_194 = arith.constant -1 : i32
      %parallel_loop3A_195 = vector.broadcast %parallel_loop3A_194 : i32 to vector<16xi32>
      %parallel_loop3A_196 = arith.select %parallel_loop3A_193, %parallel_loop3A_190, %parallel_loop3A_195 : vector<16xi1>, vector<16xi32>
      %parallel_loop3A_197 = arith.index_cast %parallel_loop3A_188 : i32 to index
      %parallel_loop3A_198 = tpu.vector_load %arg31[%parallel_loop3A_197] {strides = array<i32>} : memref<800xi32, #tpu.memory_space<vmem>>, vector<16xi32>,
      tpu.vector_store %arg31[%parallel_loop3A_197], %parallel_loop3A_196 {strides = array<i32>} : memref<800xi32, #tpu.memory_space<vmem>>, vector<16xi32>,
      %parallel_loop3A_199 = arith.constant -1 : i32
      %parallel_loop3A_200 = vector.broadcast %parallel_loop3A_199 : i32 to vector<16xi32>
      %parallel_loop3A_201 = arith.select %parallel_loop3A_193, %parallel_loop3A_200, %parallel_loop3A_190 : vector<16xi1>, vector<16xi32>
      %parallel_loop3A_202 = arith.index_cast %parallel_loop3A_188 : i32 to index
      %parallel_loop3A_203 = tpu.vector_load %arg35[%parallel_loop3A_202] {strides = array<i32>} : memref<800xi32, #tpu.memory_space<vmem>>, vector<16xi32>,
      tpu.vector_store %arg35[%parallel_loop3A_202], %parallel_loop3A_201 {strides = array<i32>} : memref<800xi32, #tpu.memory_space<vmem>>, vector<16xi32>,
    } {sc.loop_unroll_factor = 8 : i64, sc.parallel_access}
    %dma_start3A_140 = arith.constant 0 : i32
    %dma_start3A_141 = arith.constant 0 : i32
    %dma_start3A_142 = tpu.memref_slice %arg9[%dma_start3A_140, %dma_start3A_141] : memref<64000x8xf32, #tpu.memory_space<vmem_shared>> -> memref<64000x8xf32, #tpu.memory_space<vmem_shared>>
    %dma_start3A_143 = arith.constant -1 : i32
    tpu.enqueue_indirect_dma source(%dma_start3A_142 : memref<64000x8xf32, #tpu.memory_space<vmem_shared>>) target(%arg27 : memref<800x8xf32, #tpu.memory_space<vmem>>) offsets(%arg31 : memref<800xi32, #tpu.memory_space<vmem>>) offset_filter(%dma_start3A_143) semaphore(%arg43 : memref<!tpu.dma_semaphore, #tpu.memory_space<semaphore_mem>>)
    %dma_start3A_144 = arith.constant 0 : i32
    %dma_start3A_145 = arith.constant 0 : i32
    %dma_start3A_146 = tpu.memref_slice %arg2[%dma_start3A_144, %dma_start3A_145] : memref<100000x8xf32, #tpu.memory_space<hbm>> -> memref<100000x8xf32, #tpu.memory_space<hbm>>
    %dma_start3A_147 = arith.constant -1 : i32
    tpu.enqueue_indirect_dma source(%dma_start3A_146 : memref<100000x8xf32, #tpu.memory_space<hbm>>) target(%arg27 : memref<800x8xf32, #tpu.memory_space<vmem>>) offsets(%arg35 : memref<800xi32, #tpu.memory_space<vmem>>) offset_filter(%dma_start3A_147) semaphore(%arg47 : memref<!tpu.dma_semaphore, #tpu.memory_space<semaphore_mem>>)
    %parallel_loop3A_148 = arith.constant 0 : i32
    %parallel_loop3A_149 = arith.constant 800 : i32
    %parallel_loop3A_150 = arith.constant 16 : i32
    scf.for %parallel_loop3A_188 = %parallel_loop3A_148 to %parallel_loop3A_149 step %parallel_loop3A_150  : i32 {
      %parallel_loop3A_189 = arith.index_cast %parallel_loop3A_188 : i32 to index
      %parallel_loop3A_190 = tpu.vector_load %arg19[%parallel_loop3A_189] {strides = array<i32>} : memref<800xf32, #tpu.memory_space<vmem>>, vector<16xf32>,
      %parallel_loop3A_191 = arith.index_cast %parallel_loop3A_188 : i32 to index
      %parallel_loop3A_192 = tpu.vector_load %arg23[%parallel_loop3A_191] {strides = array<i32>} : memref<800xf32, #tpu.memory_space<vmem>>, vector<16xf32>,
      %parallel_loop3A_193 = arith.mulf %parallel_loop3A_190, %parallel_loop3A_192 : vector<16xf32>
      %parallel_loop3A_194 = arith.index_cast %parallel_loop3A_188 : i32 to index
      %parallel_loop3A_195 = tpu.vector_load %arg19[%parallel_loop3A_194] {strides = array<i32>} : memref<800xf32, #tpu.memory_space<vmem>>, vector<16xf32>,
      tpu.vector_store %arg19[%parallel_loop3A_194], %parallel_loop3A_193 {strides = array<i32>} : memref<800xf32, #tpu.memory_space<vmem>>, vector<16xf32>,
    } {sc.loop_unroll_factor = 8 : i64, sc.parallel_access}
    %dma_wait3A_151 = arith.constant 0 : i32
    %dma_wait3A_152 = arith.constant 0 : i32
    %dma_wait3A_153 = tpu.memref_slice %arg9[%dma_wait3A_151, %dma_wait3A_152] : memref<64000x8xf32, #tpu.memory_space<vmem_shared>> -> memref<64000x8xf32, #tpu.memory_space<vmem_shared>>
    tpu.wait_indirect_dma semaphore(%arg42 : memref<!tpu.dma_semaphore, #tpu.memory_space<semaphore_mem>>) src(%dma_wait3A_153 : memref<64000x8xf32, #tpu.memory_space<vmem_shared>>) dst(%arg26 : memref<800x8xf32, #tpu.memory_space<vmem>>)
    %dma_wait3A_154 = arith.constant 0 : i32
    %dma_wait3A_155 = arith.constant 0 : i32
    %dma_wait3A_156 = tpu.memref_slice %arg2[%dma_wait3A_154, %dma_wait3A_155] : memref<100000x8xf32, #tpu.memory_space<hbm>> -> memref<100000x8xf32, #tpu.memory_space<hbm>>
    tpu.wait_indirect_dma semaphore(%arg46 : memref<!tpu.dma_semaphore, #tpu.memory_space<semaphore_mem>>) src(%dma_wait3A_156 : memref<100000x8xf32, #tpu.memory_space<hbm>>) dst(%arg26 : memref<800x8xf32, #tpu.memory_space<vmem>>)
    %parallel_loop3A_157 = arith.constant 0 : i32
    %parallel_loop3A_158 = arith.constant 400 : i32
    %parallel_loop3A_159 = arith.constant 1 : i32
    scf.for %parallel_loop3A_188 = %parallel_loop3A_157 to %parallel_loop3A_158 step %parallel_loop3A_159  : i32 {
      %parallel_loop3A_189 = arith.constant 2 : i32
      %parallel_loop3A_190 = arith.muli %parallel_loop3A_189, %parallel_loop3A_188 : i32
      %parallel_loop3A_191 = vector.broadcast %parallel_loop3A_190 : i32 to vector<16xi32>
      %parallel_loop3A_192 = arith.addi %select_n3A, %parallel_loop3A_191 : vector<16xi32>
      %parallel_loop3A_193 = tpu.vector_load_idx %arg18[%parallel_loop3A_192] : memref<800xf32, #tpu.memory_space<vmem>>[vector<16xi32>], vector<16xf32>,
      %parallel_loop3A_194 = tpu.vector_load_idx %arg26[%parallel_loop3A_192, %select_n3A_45] : memref<800x8xf32, #tpu.memory_space<vmem>>[vector<16xi32>, vector<16xi32>], vector<16xf32>,
      %parallel_loop3A_195 = arith.mulf %parallel_loop3A_194, %parallel_loop3A_193 : vector<16xf32>
      tpu.vector_store_idx %arg26[%parallel_loop3A_192, %select_n3A_45], %parallel_loop3A_195 : memref<800x8xf32, #tpu.memory_space<vmem>>[vector<16xi32>, vector<16xi32>], vector<16xf32>,
    } {sc.loop_unroll_factor = 8 : i64, sc.parallel_access}
    %dma_start3A_160 = arith.constant 0 : i32
    %dma_start3A_161 = arith.constant 0 : i32
    %dma_start3A_162 = tpu.memref_slice %arg8[%dma_start3A_160, %dma_start3A_161] : memref<100000x8xf32, #tpu.memory_space<vmem_shared>> -> memref<100000x8xf32, #tpu.memory_space<vmem_shared>>
    tpu.enqueue_indirect_dma source(%arg26 : memref<800x8xf32, #tpu.memory_space<vmem>>) target(%dma_start3A_162 : memref<100000x8xf32, #tpu.memory_space<vmem_shared>>) offsets(%arg14 : memref<800xi32, #tpu.memory_space<vmem>>) semaphore(%arg50 : memref<!tpu.dma_semaphore, #tpu.memory_space<semaphore_mem>>) {add = true}
    %dma_wait3A_163 = arith.constant 0 : i32
    %dma_wait3A_164 = arith.constant 0 : i32
    %dma_wait3A_165 = tpu.memref_slice %arg9[%dma_wait3A_163, %dma_wait3A_164] : memref<64000x8xf32, #tpu.memory_space<vmem_shared>> -> memref<64000x8xf32, #tpu.memory_space<vmem_shared>>
    tpu.wait_indirect_dma semaphore(%arg43 : memref<!tpu.dma_semaphore, #tpu.memory_space<semaphore_mem>>) src(%dma_wait3A_165 : memref<64000x8xf32, #tpu.memory_space<vmem_shared>>) dst(%arg27 : memref<800x8xf32, #tpu.memory_space<vmem>>)
    %dma_wait3A_166 = arith.constant 0 : i32
    %dma_wait3A_167 = arith.constant 0 : i32
    %dma_wait3A_168 = tpu.memref_slice %arg2[%dma_wait3A_166, %dma_wait3A_167] : memref<100000x8xf32, #tpu.memory_space<hbm>> -> memref<100000x8xf32, #tpu.memory_space<hbm>>
    tpu.wait_indirect_dma semaphore(%arg47 : memref<!tpu.dma_semaphore, #tpu.memory_space<semaphore_mem>>) src(%dma_wait3A_168 : memref<100000x8xf32, #tpu.memory_space<hbm>>) dst(%arg27 : memref<800x8xf32, #tpu.memory_space<vmem>>)
    %parallel_loop3A_169 = arith.constant 0 : i32
    %parallel_loop3A_170 = arith.constant 400 : i32
    %parallel_loop3A_171 = arith.constant 1 : i32
    scf.for %parallel_loop3A_188 = %parallel_loop3A_169 to %parallel_loop3A_170 step %parallel_loop3A_171  : i32 {
      %parallel_loop3A_189 = arith.constant 2 : i32
      %parallel_loop3A_190 = arith.muli %parallel_loop3A_189, %parallel_loop3A_188 : i32
      %parallel_loop3A_191 = vector.broadcast %parallel_loop3A_190 : i32 to vector<16xi32>
      %parallel_loop3A_192 = arith.addi %select_n3A, %parallel_loop3A_191 : vector<16xi32>
      %parallel_loop3A_193 = tpu.vector_load_idx %arg19[%parallel_loop3A_192] : memref<800xf32, #tpu.memory_space<vmem>>[vector<16xi32>], vector<16xf32>,
      %parallel_loop3A_194 = tpu.vector_load_idx %arg27[%parallel_loop3A_192, %select_n3A_45] : memref<800x8xf32, #tpu.memory_space<vmem>>[vector<16xi32>, vector<16xi32>], vector<16xf32>,
      %parallel_loop3A_195 = arith.mulf %parallel_loop3A_194, %parallel_loop3A_193 : vector<16xf32>
      tpu.vector_store_idx %arg27[%parallel_loop3A_192, %select_n3A_45], %parallel_loop3A_195 : memref<800x8xf32, #tpu.memory_space<vmem>>[vector<16xi32>, vector<16xi32>], vector<16xf32>,
    } {sc.loop_unroll_factor = 8 : i64, sc.parallel_access}
    %dma_start3A_172 = arith.constant 0 : i32
    %dma_start3A_173 = arith.constant 0 : i32
    %dma_start3A_174 = tpu.memref_slice %arg8[%dma_start3A_172, %dma_start3A_173] : memref<100000x8xf32, #tpu.memory_space<vmem_shared>> -> memref<100000x8xf32, #tpu.memory_space<vmem_shared>>
    tpu.enqueue_indirect_dma source(%arg27 : memref<800x8xf32, #tpu.memory_space<vmem>>) target(%dma_start3A_174 : memref<100000x8xf32, #tpu.memory_space<vmem_shared>>) offsets(%arg15 : memref<800xi32, #tpu.memory_space<vmem>>) semaphore(%arg51 : memref<!tpu.dma_semaphore, #tpu.memory_space<semaphore_mem>>) {add = true}
    %dma_wait3A_175 = arith.constant 0 : i32
    %dma_wait3A_176 = arith.constant 0 : i32
    %dma_wait3A_177 = tpu.memref_slice %arg8[%dma_wait3A_175, %dma_wait3A_176] : memref<100000x8xf32, #tpu.memory_space<vmem_shared>> -> memref<100000x8xf32, #tpu.memory_space<vmem_shared>>
    tpu.wait_indirect_dma semaphore(%arg52 : memref<!tpu.dma_semaphore, #tpu.memory_space<semaphore_mem>>) src(%arg28 : memref<800x8xf32, #tpu.memory_space<vmem>>) dst(%dma_wait3A_177 : memref<100000x8xf32, #tpu.memory_space<vmem_shared>>)
    %dma_wait3A_178 = arith.constant 0 : i32
    %dma_wait3A_179 = arith.constant 0 : i32
    %dma_wait3A_180 = tpu.memref_slice %arg8[%dma_wait3A_178, %dma_wait3A_179] : memref<100000x8xf32, #tpu.memory_space<vmem_shared>> -> memref<100000x8xf32, #tpu.memory_space<vmem_shared>>
    tpu.wait_indirect_dma semaphore(%arg53 : memref<!tpu.dma_semaphore, #tpu.memory_space<semaphore_mem>>) src(%arg29 : memref<800x8xf32, #tpu.memory_space<vmem>>) dst(%dma_wait3A_180 : memref<100000x8xf32, #tpu.memory_space<vmem_shared>>)
    %dma_wait3A_181 = arith.constant 0 : i32
    %dma_wait3A_182 = arith.constant 0 : i32
    %dma_wait3A_183 = tpu.memref_slice %arg8[%dma_wait3A_181, %dma_wait3A_182] : memref<100000x8xf32, #tpu.memory_space<vmem_shared>> -> memref<100000x8xf32, #tpu.memory_space<vmem_shared>>
    tpu.wait_indirect_dma semaphore(%arg50 : memref<!tpu.dma_semaphore, #tpu.memory_space<semaphore_mem>>) src(%arg26 : memref<800x8xf32, #tpu.memory_space<vmem>>) dst(%dma_wait3A_183 : memref<100000x8xf32, #tpu.memory_space<vmem_shared>>)
    %dma_wait3A_184 = arith.constant 0 : i32
    %dma_wait3A_185 = arith.constant 0 : i32
    %dma_wait3A_186 = tpu.memref_slice %arg8[%dma_wait3A_184, %dma_wait3A_185] : memref<100000x8xf32, #tpu.memory_space<vmem_shared>> -> memref<100000x8xf32, #tpu.memory_space<vmem_shared>>
    tpu.wait_indirect_dma semaphore(%arg51 : memref<!tpu.dma_semaphore, #tpu.memory_space<semaphore_mem>>) src(%arg27 : memref<800x8xf32, #tpu.memory_space<vmem>>) dst(%dma_wait3A_186 : memref<100000x8xf32, #tpu.memory_space<vmem_shared>>)
    %barrier3A_187 = arith.constant 0 : index
    tpu.barrier barrier_id(%barrier3A_187)
    "tpu.region"() ({
      %run_scoped3A = tpu.sem_alloc : memref<!tpu.dma_semaphore, #tpu.memory_space<semaphore_mem>>
      %dma_start3A_188 = arith.constant 0 : i32
      %dma_start3A_189 = tpu.memref_slice %arg7[%arg0, %mul3A_71, %dma_start3A_188] : memref<2x100000x8xf32, #tpu.memory_space<hbm>> -> memref<1x6250x8xf32, #tpu.memory_space<hbm>>
      %dma_start3A_190 = tpu.memref_squeeze %dma_start3A_189 : memref<1x6250x8xf32, #tpu.memory_space<hbm>> -> memref<6250x8xf32, #tpu.memory_space<hbm>>
      %dma_start3A_191 = arith.constant 0 : i32
      %dma_start3A_192 = tpu.memref_slice %arg8[%mul3A_71, %dma_start3A_191] : memref<100000x8xf32, #tpu.memory_space<vmem_shared>> -> memref<6250x8xf32, #tpu.memory_space<vmem_shared>>
      tpu.enqueue_dma source(%dma_start3A_192 : memref<6250x8xf32, #tpu.memory_space<vmem_shared>>) target(%dma_start3A_190 : memref<6250x8xf32, #tpu.memory_space<hbm>>) target_semaphore(%run_scoped3A : memref<!tpu.dma_semaphore, #tpu.memory_space<semaphore_mem>>)
      %dma_wait3A_193 = arith.constant 0 : i32
      %dma_wait3A_194 = tpu.memref_slice %arg7[%arg0, %mul3A_71, %dma_wait3A_193] : memref<2x100000x8xf32, #tpu.memory_space<hbm>> -> memref<1x6250x8xf32, #tpu.memory_space<hbm>>
      %dma_wait3A_195 = tpu.memref_squeeze %dma_wait3A_194 : memref<1x6250x8xf32, #tpu.memory_space<hbm>> -> memref<6250x8xf32, #tpu.memory_space<hbm>>
      %dma_wait3A_196 = arith.constant 0 : i32
      %dma_wait3A_197 = tpu.memref_slice %arg8[%mul3A_71, %dma_wait3A_196] : memref<100000x8xf32, #tpu.memory_space<vmem_shared>> -> memref<6250x8xf32, #tpu.memory_space<vmem_shared>>
      tpu.wait_dma2 semaphore(%run_scoped3A : memref<!tpu.dma_semaphore, #tpu.memory_space<semaphore_mem>>) src(%dma_wait3A_197 : memref<6250x8xf32, #tpu.memory_space<vmem_shared>>) dst(%dma_wait3A_195 : memref<6250x8xf32, #tpu.memory_space<hbm>>)
      tpu.yield
    }) : () -> ()
    return
  }
}

module attributes {stable_mosaic.version = 14 : i64} {
  func.func @body(%arg0: memref<1x1xf32, #tpu.memory_space<smem>>, %arg1: memref<8x100000xf32, #tpu.memory_space<vmem>>, %arg2: memref<8x100000xf32, #tpu.memory_space<vmem>>, %arg3: memref<1x100000xf32, #tpu.memory_space<vmem>>, %arg4: memref<8x100000xf32, #tpu.memory_space<vmem>>, %arg5: memref<8x100000xf32, #tpu.memory_space<vmem>>, %arg6: memref<8x100000xf32, #tpu.memory_space<vmem>>) attributes {dimension_semantics = [], scalar_prefetch = 0 : i64, scratch_operands = 0 : i64, tpu.core_type = #tpu.core_type<tc>} {
    %get3A = arith.constant 0 : index
    %get3A_0 = arith.constant 0 : index
    %get3A_1 = memref.load %arg0[%get3A, %get3A_0] : memref<1x1xf32, #tpu.memory_space<smem>>
    %logistic3A = arith.negf %get3A_1 : f32
    %logistic3A_2 = math.exp %logistic3A : f32
    %logistic3A_3 = arith.constant 1.000000e+00 : f32
    %logistic3A_4 = arith.addf %logistic3A_3, %logistic3A_2 : f32
    %logistic3A_5 = arith.divf %logistic3A_3, %logistic3A_4 : f32
    %get3A_6 = arith.constant 0 : index
    %get3A_7 = arith.constant 0 : index
    %get3A_8 = vector.load %arg1[%get3A_6, %get3A_7] : memref<8x100000xf32, #tpu.memory_space<vmem>>, vector<8x100000xf32>
    %mul3A = vector.broadcast %logistic3A_5 : f32 to vector<8x100000xf32>
    %mul3A_9 = arith.mulf %mul3A, %get3A_8 : vector<8x100000xf32>
    %get3A_10 = arith.constant 0 : index
    %get3A_11 = arith.constant 0 : index
    %get3A_12 = vector.load %arg2[%get3A_10, %get3A_11] : memref<8x100000xf32, #tpu.memory_space<vmem>>, vector<8x100000xf32>
    %add3A = arith.addf %mul3A_9, %get3A_12 : vector<8x100000xf32>
    %get3A_13 = arith.constant 0 : index
    %get3A_14 = arith.constant 0 : index
    %get3A_15 = vector.load %arg3[%get3A_13, %get3A_14] : memref<1x100000xf32, #tpu.memory_space<vmem>>, vector<1x100000xf32>
    %add3A_16 = vector.broadcast %get3A_15 : vector<1x100000xf32> to vector<8x100000xf32>
    %add3A_17 = arith.addf %add3A, %add3A_16 : vector<8x100000xf32>
    %get3A_18 = arith.constant 0 : index
    %get3A_19 = arith.constant 0 : index
    %get3A_20 = vector.load %arg4[%get3A_18, %get3A_19] : memref<8x100000xf32, #tpu.memory_space<vmem>>, vector<8x100000xf32>
    %add3A_21 = arith.addf %add3A_17, %get3A_20 : vector<8x100000xf32>
    %get3A_22 = arith.constant 0 : index
    %get3A_23 = arith.constant 0 : index
    %get3A_24 = vector.load %arg5[%get3A_22, %get3A_23] : memref<8x100000xf32, #tpu.memory_space<vmem>>, vector<8x100000xf32>
    %add3A_25 = arith.addf %add3A_21, %get3A_24 : vector<8x100000xf32>
    %jit3A = arith.constant -5.000000e+00 : f32
    %jit3A_26 = arith.constant 5.000000e+00 : f32
    %max3A = vector.broadcast %jit3A : f32 to vector<8x100000xf32>
    %max3A_27 = arith.maximumf %max3A, %add3A_25 : vector<8x100000xf32>
    %min3A = vector.broadcast %jit3A_26 : f32 to vector<8x100000xf32>
    %min3A_28 = arith.minimumf %min3A, %max3A_27 : vector<8x100000xf32>
    %tanh3A = math.tanh %min3A_28 : vector<8x100000xf32>
    %swap3A = arith.constant 0 : index
    %swap3A_29 = arith.constant 0 : index
    %swap3A_30 = vector.load %arg6[%swap3A, %swap3A_29] : memref<8x100000xf32, #tpu.memory_space<vmem>>, vector<8x100000xf32>
    tpu.vector_store %arg6[%swap3A, %swap3A_29], %tanh3A {strides = array<i32>} : memref<8x100000xf32, #tpu.memory_space<vmem>>, vector<8x100000xf32>,
    return
  }
}

</mosaic_0001>

<sc_bundles>
// kernel: kernel.4.cloned.1.call-start
scs
__scs_entry_jumppad:
0x0: {  	(pc) =	sbr.rel $0x88, $3  }
0x1: {  	(tag) =	ssettag $0x0;
	lr =	simm.s32 $0x1  }
0x2: {  	[smem:$0x3F99] =	sst lr;
	_ =	strace $0xD0000000  }
0x3: {  	_ = 	snop  }
0x4: {  	_ = 	snop  }
0x5: {  	_ = 	snop  }
0x6: {  	_ = 	snop  }
0x7: {  	_ = 	snop  }
__scs_overlays_trampoline_lowered:
0x8: {  	[smem:$0x3FA8] =	sst s0  }
0x9: {  	[smem:$0x3FA9] =	sst s1  }
0xa: {  	[smem:$0x3FAA] =	sst s2  }
0xb: {  	[smem:$0x3FAB] =	sst s3  }
0xc: {  	[smem:$0x3FAC] =	sst s4  }
0xd: {  	[smem:$0x3FAD] =	sst s5  }
0xe: {  	[smem:$0x3FAE] =	sst s6  }
0xf: {  	[smem:$0x3FAF] =	sst s7  }
0x10: {  	[smem:$0x3FB0] =	sst s8  }
0x11: {  	[smem:$0x3FB1] =	sst s9;
	s0 =	simm.s32 @!p0 $0x0  }
0x12: {  	s1 =	sld [smem:$0x3F97];
	s0 =	simm.s32 @p0 $0x1  }
0x13: {  	[smem:$0x3FB2] =	sst s0;
	s0 =	simm.s32 @!p1 $0x0  }
0x14: {  	s2 =	sld [smem:$0x3F96];
	s0 =	simm.s32 @p1 $0x1  }
0x15: {  	[smem:$0x3FB3] =	sst s0;
	s0 =	simm.s32 @!p2 $0x0  }
0x16: {  	s3 =	sld [smem:$0x3FDB];
	s0 =	simm.s32 @p2 $0x1  }
0x17: {  	s4 =	simm.s32 $0x1BF5;
	[smem:$0x3FB5] =	sst s0  }
0x18: {  	s0 =	sld [smem:$0x3F98];
	_ =	swait.ge [sflag:s4], $0x0  }
0x19: {  	s7 =	sld [smem:$0x3F99]  }
0x1a: {  	s8 =	sadd.s32 $0xFFFFE003, lr  }
0x1b: {  	s9 =	sadd.s32 $0xFFFFFEF7, lr;
	s5 =	simm.s32 $0xFFFFFFFF;
	p2 =	slt.u32 s8, $0xFFFFF086  }
0x1c: {  	p1 =	slt.u32 s9, $0xF7A;
	s5 =	simm.s32 @!p2 $0x0  }
0x1d: {  	s5 =	simm.s32 @p1 $0x1;
	p0 =	seq.s32 s7, s2  }
0x1e: {  	s7 =	smul.u32 @!p0 $0xF7A, s2;
	p2 =	seq.s32 @!p0 s5, $0x0  }
0x1f: {  	s9 =	smul.u32 $0xF7A, s1;
	s8 =	simm.s32 @!p0 $0x1BF5;
	p2 =	por !p2, p0  }
0x20: {  	[sflag:s8] =	ssyncset.s32 @!p0 $0xFFFFF086;
	s6 =	sadd.s32 @!p0 s3, s7;
	s7 =	simm.s32 @!p0 $0x108  }
0x21: {  	s3 =	sadd.s32 s3, s9;
	s6 =	sadd.s32 @!p0 $0x88, s6;
	s7 =	simm.s32 @p2 $0x1082  }
0x22: {  	[simem:s7], [sflag:s8] =	dma.local @!p0 [hbm:s6], $0xF7A  }
0x23: {  	s9 =	sor.u32 $0xD0000000, s2;
	s6 =	simm.s32 $0x108;
	_ =	swait.ge @!p0 [sflag:s8], $0x0  }
0x24: {  	s3 =	sadd.s32 $0x88, s3;
	s6 =	simm.s32 @!p1 $0x1082;
	[sflag:s4] =	ssyncset.s32 $0xFFFFF086  }
0x25: {  	[simem:s6], [sflag:s4] =	dma.local [hbm:s3], $0xF7A  }
0x26: {  	[smem:$0x3F99] =	sst s1;
	(tag) =	ssettag s2;
	_ =	strace s9  }
0x27: {  	s1 =	sld [smem:$0x3FA9]  }
0x28: {  	s2 =	sld [smem:$0x3FAA]  }
0x29: {  	s4 =	sld [smem:$0x3FAC]  }
0x2a: {  	p0 =	seq.s32 s5, $0x0;
	s5 =	sld [smem:$0x3FAD]  }
0x2b: {  	s6 =	sld [smem:$0x3FAE]  }
0x2c: {  	s7 =	sld [smem:$0x3FAF]  }
0x2d: {  	s3 =	simm.s32 $0x108;
	s8 =	sld [smem:$0x3FB0]  }
0x2e: {  	s3 =	simm.s32 @!p0 $0x1082;
	s9 =	sld [smem:$0x3FB1]  }
0x2f: {  	lr =	sadd.s32 s0, s3;
	s0 =	sld [smem:$0x3FA8]  }
0x30: {  	s3 =	sld [smem:$0x3FAB]  }
0x31: {  	[smem:$0x3FB4] =	sst s10  }
0x32: {  	s10 =	sld [smem:$0x3FB2];
	_ =	sdelay $0x3  }
0x33: {  	p0 =	seq.s32 s10, $0x1;
	s10 =	sld [smem:$0x3FB4];
	_ =	sdelay $0x3  }
0x34: {  	[smem:$0x3FB4] =	sst s10  }
0x35: {  	s10 =	sld [smem:$0x3FB3];
	_ =	sdelay $0x3  }
0x36: {  	p1 =	seq.s32 s10, $0x1;
	s10 =	sld [smem:$0x3FB4];
	_ =	sdelay $0x3  }
0x37: {  	[smem:$0x3FB4] =	sst s10  }
0x38: {  	s10 =	sld [smem:$0x3FB5]  }
0x39: {  	_ = 	snop;
	(pc) =	sbr.ind lr, $3  }
0x3a: {  	_ = 	snop  }
0x3b: {  	_ = 	snop  }
0x3c: {  	p2 =	seq.s32 s10, $0x1;
	s10 =	sld [smem:$0x3FB4]  }
0x3d: {  	_ =	shalt  }
0x3e: {  	_ =	shalt  }
0x3f: {  	_ =	shalt  }
0x40: {  	_ =	shalt  }
0x41: {  	_ =	shalt  }
0x42: {  	_ =	shalt  }
0x43: {  	_ =	shalt  }
0x44: {  	_ =	shalt  }
0x45: {  	_ =	shalt  }
0x46: {  	_ =	shalt  }
0x47: {  	_ =	shalt  }
0x48: {  	_ =	shalt  }
0x49: {  	_ =	shalt  }
0x4a: {  	_ =	shalt  }
0x4b: {  	_ =	shalt  }
0x4c: {  	_ =	shalt  }
0x4d: {  	_ =	shalt  }
0x4e: {  	_ =	shalt  }
0x4f: {  	_ =	shalt  }
0x50: {  	_ =	shalt  }
0x51: {  	_ =	shalt  }
0x52: {  	_ =	shalt  }
0x53: {  	_ =	shalt  }
0x54: {  	_ =	shalt  }
0x55: {  	_ =	shalt  }
0x56: {  	_ =	shalt  }
0x57: {  	_ =	shalt  }
0x58: {  	_ =	shalt  }
0x59: {  	_ =	shalt  }
0x5a: {  	_ =	shalt  }
0x5b: {  	_ =	shalt  }
0x5c: {  	_ =	shalt  }
0x5d: {  	_ =	shalt  }
0x5e: {  	_ =	shalt  }
0x5f: {  	_ =	shalt  }
0x60: {  	_ =	shalt  }
0x61: {  	_ =	shalt  }
0x62: {  	_ =	shalt  }
0x63: {  	_ =	shalt  }
0x64: {  	_ =	shalt  }
0x65: {  	_ =	shalt  }
0x66: {  	_ =	shalt  }
0x67: {  	_ =	shalt  }
0x68: {  	_ =	shalt  }
0x69: {  	_ =	shalt  }
0x6a: {  	_ =	shalt  }
0x6b: {  	_ =	shalt  }
0x6c: {  	_ =	shalt  }
0x6d: {  	_ =	shalt  }
0x6e: {  	_ =	shalt  }
0x6f: {  	_ =	shalt  }
0x70: {  	_ =	shalt  }
0x71: {  	_ =	shalt  }
0x72: {  	_ =	shalt  }
0x73: {  	_ =	shalt  }
0x74: {  	_ =	shalt  }
0x75: {  	_ =	shalt  }
0x76: {  	_ =	shalt  }
0x77: {  	_ =	shalt  }
0x78: {  	_ =	shalt  }
0x79: {  	_ =	shalt  }
0x7a: {  	_ =	shalt  }
0x7b: {  	_ =	shalt  }
0x7c: {  	_ =	shalt  }
0x7d: {  	_ =	shalt  }
0x7e: {  	_ =	shalt  }
0x7f: {  	_ =	shalt  }
0x80: {  	_ =	shalt  }
0x81: {  	_ =	shalt  }
0x82: {  	_ =	shalt  }
0x83: {  	_ =	shalt  }
0x84: {  	_ =	shalt  }
0x85: {  	_ =	shalt  }
0x86: {  	_ =	shalt  }
0x87: {  	_ =	shalt  }
.Lfunc_end0:
.L_simem_size_0:
called_computation_lowered:
.L_overlay_start_0:
0x88: {  	s2 =	sld [smem:$0x3FD9]  }
0x89: {  	s3 =	sld [smem:$0x3FFE];
	_ =	sdelay $0x1  }
0x8a: {  	s1 =	srdreg.scid  }
0x8b: {  	s0 =	sand.u32 $0x1, s1  }
0x8c: {  	s17 =	sshll.u32 s0, $0xA;
	s2 =	sadd.s32 s3, s2  }
0x8d: {  	s2 =	sadd.s32 s2, s17  }
0x8e: {  	[smem:$0x3FC0] =	sst s2  }
0x8f: {  	_ = 	snop  }
0x90: {  	s2 =	sld [smem:$0x3FC6]  }
0x91: {  	s18 =	sld [smem:$0x3FC5]  }
0x92: {  	s4 =	sld [smem:$0x3FC3]  }
0x93: {  	s5 =	sld [smem:$0x3FC2]  }
0x94: {  	s6 =	sld [smem:$0x3FD0];
	(tm) =	ssettm $0x1  }
0x95: {  	s7 =	sld [smem:$0x3FFB];
	_ =	sdelay $0x3  }
0x96: {  	_ =	strace s7  }
0x97: {  	s7 =	sld [smem:$0x3FFC];
	_ =	sdelay $0x3  }
0x98: {  	_ =	strace s7  }
0x99: {  	s7 =	sld [smem:$0x3FFD];
	_ =	sdelay $0x3  }
0x9a: {  	_ =	strace s7  }
0x9b: {  	_ =	strace $0x8FFFFFFF  }
0x9c: {  	s19 =	sld [smem:$0x3FDB];
	_ =	sdelay $0x1  }
0x9d: {  	s8 =	simm.s32 $_scs_section_size  }
0x9e: {  	s9 =	simm.s32 $_size__tile_overlayer_lowered;
	s10 =	simm.s32 $_tile_overlayer_lowered  }
0x9f: {  	s22 =	simm.s32 $0x1BFF;
	s21 =	sshll.u32 s10, $0x1;
	s7 =	sadd.s32 s8, s19  }
0xa0: {  	s11 =	simm.s32 $0x0;
	s20 =	sshll.u32 s9, $0x1;
	s9 =	sadd.s32 s21, s7  }
0xa1: {  	[timem:s11], [sflag:s22] =	dma.local [hbm:s9], s20  }
0xa2: {  	_ =	swait.ge [sflag:s22], s20  }
0xa3: {  	s8 =	ssub.s32 $0x0, s20;
	[sflag:s22] =	ssyncset.done $0x0  }
0xa4: {  	[sflag:s22] =	ssyncadd.s32 s8;
	_ =	sdelay $0x1  }
0xa5: {  	s23 =	simm.s32 $0x1B8B  }
0xa6: {  	_ =	swait.ge [sflag:s23], $0x1  }
0xa7: {  	[sflag:s23] =	ssyncset.done $0x0  }
0xa8: {  	s25 =	simm.s32 $0x1B8E;
	s24 =	sld [smem:$0x3FFE];
	[sflag:s23] =	ssyncadd.s32 $0xFFFFFFFF  }
0xa9: {  	s26 =	simm.s32 $execute0_lowered;
	[smem:$0x3FD2] =	sst s25  }
0xaa: {  	s9 =	sshll.u32 s26, $0x1;
	_ =	strace $0x80000046;
	[dreg:$0x1] =	wrdreg $0xFFFFFFFF  }
0xab: {  	s28 =	simm.s32 $_size_execute0_lowered;
	s7 =	sadd.s32 s7, s9;
	[dreg:$0x0] =	wrdreg $0x0  }
0xac: {  	s9 =	sshll.u32 s28, $0x1;
	[dreg:$0x2] =	wrdreg s7  }
0xad: {  	[dreg:$0x3] =	wrdreg s9  }
0xae: {  	[dreg:$0x4] =	wrdreg $0xC0  }
0xaf: {  	_ =	task [dreg:s11], $0x5FFFF  }
0xb0: {  	[dreg:$0x1] =	wrdreg $0xFFFFFFFF  }
0xb1: {  	[dreg:$0x0] =	wrdreg $0x60  }
0xb2: {  	[dreg:$0x2] =	wrdreg s6  }
0xb3: {  	[dreg:$0x3] =	wrdreg s4  }
0xb4: {  	[dreg:$0x4] =	wrdreg s5  }
0xb5: {  	[dreg:$0x5] =	wrdreg s2  }
0xb6: {  	[dreg:$0x6] =	wrdreg s18  }
0xb7: {  	[dreg:$0x7] =	wrdreg s24  }
0xb8: {  	[dreg:$0x8] =	wrdreg $0xC3500  }
0xb9: {  	[dreg:$0x9] =	wrdreg $0x0  }
0xba: {  	[dreg:$0xa] =	wrdreg $0x9  }
0xbb: {  	_ =	task.clear_ibuf [dreg:s11], $0xBFFFF;
	_ =	strace $0x90000046  }
0xbc: {  	s29 =	simm.s32 $0x9;
	_ =	strace $0x80000048  }
0xbd: {  	_ =	swait.ge [sflag:s29], $0x1  }
0xbe: {  	[sflag:s29] =	ssyncadd.s32 $0xFFFFFFFF  }
0xbf: {  	_ =	strace $0x90000048  }
0xc0: {  	_ =	sfence  }
0xc1: {  	s30 =	sld [smem:$0x0];
	_ =	sdelay $0x2  }
0xc2: {  	s31 =	sshll.u32 s1, $0xD;
	s1 =	sshrl.u32 s1, $0x2  }
0xc3: {  	s3 =	sand.u32 $0x4000, s31;
	s1 =	sadd.s32 s1, s30  }
0xc4: {  	s0 =	sor.u32 s3, s0;
	s1 =	sshll.u32 s1, $0x11  }
0xc5: {  	s0 =	sor.u32 s1, s0  }
0xc6: {  	s0 =	sadd.s32 $0x8F2B, s0  }
0xc7: {  	[sflag:s0] =	ssyncadd.remote.s32 $0x1  }
0xc8: {  	_ =	sfence.sel $0xFFFF  }
0xc9: {  	[dreg:$0x0] =	wrdreg $0xFFFFFFFF;
	(pc) =	sbr.abs _section_cstart, $3  }
0xca: {  	[dreg:$0x1] =	wrdreg $0xFFFFFFFF  }
0xcb: {  	_ =	task.clear_ibuf [dreg:s11], $0x2FFFF;
	_ =	strace $0x9FFFFFFF  }
0xcc: {  	(tm) =	ssettm $0x7FFFFFFF  }
0xcd: {  	_ =	shalt  }
tec
execute0_lowered:
.L_overlay_start_1:
0x0: {  	(tag) =	ssettag $0x1  }
0x1: {  	s0 =	rddreg [dreg:$0x0]  }
0x2: {  	s1 =	rddreg [dreg:$0x1]  }
0x3: {  	s2 =	rddreg [dreg:$0x2]  }
0x4: {  	s3 =	rddreg [dreg:$0x3]  }
0x5: {  	s5 =	rddreg [dreg:$0x4]  }
0x6: {  	s4 =	rddreg [dreg:$0x5]  }
0x7: {  	s7 =	rddreg [dreg:$0x6];
	s14 =	stileid.u32  }
0x8: {  	s6 =	srdreg.scid;
	s10 =	smul.u32 $0xC350, s14  }
0x9: {  	s8 =	rddreg [dreg:$0x7];
	s6 =	sand.u32 $0x1, s6;
	s22 =	smul.u32 $0x30D40, s14  }
0xa: {  	s9 =	simm.s32 $0x0;
	s11 =	smul.u32 $0xC3500, s6;
	s12 =	sshll.u32 s6, $0x4  }
0xb: {  	s6 =	ssub.s32 $0x2, s6;
	s12 =	sor.u32 s14, s12;
	s14 =	smul.u32 $0x7D00, s14  }
0xc: {  	[smem:$0x7FF] =	sst s9;
	s13 =	sshrl.u32 s6, $0x1;
	s12 =	smul.u32 $0x30D40, s12  }
0xd: {  	s6 =	ssub.s32 s6, s13;
	s13 =	sadd.s32 s14, s7;
	s14 =	sshrl.u32 s14, $0x3  }
0xe: {  	_ =	strace $0x80000047;
	s25 =	sshrl.u32 s22, $0x2;
	s14 =	sadd.s32 s0, s14  }
0xf: {  	s17 =	sshrl.u32 s12, $0x3;
	s22 =	sadd.s32 $0xC80, s12;
	[dreg:$0x11] =	wrdreg s14  }
0x10: {  	s18 =	sadd.s32 s1, s17;
	[dreg:$0x1c] =	wrdreg s22  }
0x11: {  	s11 =	sadd.s32 s10, s11;
	s19 =	sadd.s32 s2, s17;
	[dreg:$0x9] =	wrdreg s18  }
0x12: {  	s11 =	sshrl.u32 s11, $0x3;
	s20 =	sadd.s32 s3, s17;
	[dreg:$0xa] =	wrdreg s19  }
0x13: {  	s4 =	sadd.s32 s11, s4;
	s21 =	sadd.s32 s5, s17;
	[dreg:$0xb] =	wrdreg s20  }
0x14: {  	s4 =	sadd.s32 $0xC00, s4;
	[dreg:$0xc] =	wrdreg s21  }
0x15: {  	s11 =	sadd.s32 $0x64, s17;
	s14 =	sadd.s32 s10, s8;
	[dreg:$0x1a] =	wrdreg s4  }
0x16: {  	s15 =	sadd.s32 s1, s11;
	[dreg:$0x12] =	wrdreg s14  }
0x17: {  	s23 =	sadd.s32 s2, s11;
	[dreg:$0xd] =	wrdreg s15  }
0x18: {  	s24 =	sadd.s32 s3, s11;
	[dreg:$0xe] =	wrdreg s23  }
0x19: {  	s11 =	sadd.s32 s5, s11;
	[dreg:$0xf] =	wrdreg s24  }
0x1a: {  	s21 =	smax.u32 s6, $0x1;
	[dreg:$0x10] =	wrdreg s11  }
0x1b: {  	[dreg:$0x1b] =	wrdreg s21;
	s23 =	sadd.s32 $0xFA0, s12  }
0x1c: {  	s28 =	simm.s32 $0x14FF0;
	s24 =	sadd.s32 $0x640, s12;
	[dreg:$0x1d] =	wrdreg s23  }
0x1d: {  	s11 =	sadd.s32 s25, s8;
	s25 =	sadd.s32 $0x960, s12;
	[dreg:$0x1e] =	wrdreg s24  }
0x1e: {  	s29 =	simm.s32 $0x18B50;
	s26 =	sadd.s32 $0x1900, s11;
	[dreg:$0x1f] =	wrdreg s25  }
0x1f: {  	s30 =	simm.s32 $0x4;
	s15 =	sadd.s32 $0x3200, s11;
	[dreg:$0x13] =	wrdreg s26  }
0x20: {  	s31 =	simm.s32 $0x1BD50;
	s16 =	sadd.s32 $0x4B00, s11;
	[dreg:$0x14] =	wrdreg s15  }
0x21: {  	s22 =	simm.s32 $0x1;
	s17 =	sadd.s32 $0x6400, s11;
	[dreg:$0x15] =	wrdreg s16  }
0x22: {  	s10 =	simm.s32 $0xE;
	s18 =	sadd.s32 $0x7D00, s11;
	[dreg:$0x16] =	wrdreg s17  }
0x23: {  	s6 =	simm.s32 $0x0;
	s19 =	sadd.s32 $0x9600, s11;
	[dreg:$0x17] =	wrdreg s18  }
0x24: {  	s20 =	sadd.s32 $0xAF00, s11;
	s23 =	simm.s32 $0x320;
	[dreg:$0x18] =	wrdreg s19  }
0x25: {  	s25 =	simm.s32 $0x162B0;
	[dreg:$0x19] =	wrdreg s20;
	s26 =	sshrl.u32 s13, $0x3  }
0x26: {  	v2 =	vlaneseq.u32;
	s13 =	simm.s32 $0x15950;
	s17 =	simm.s32 $0x15C70;
	s20 =	simm.s32 $0x17250  }
0x27: {  	v0 =	vshrl.u32 v2, $0x3;
	s16 =	simm.s32 $0x11;
	s19 =	simm.s32 $0x15F90;
	s15 =	simm.s32 $0x3  }
0x28: {  	v3 =	vimm.f32 $0.0e+00;
	v2 =	vand.u32 $0x7, v2;
	v1 =	vmul.u32 $0x8, v0;
	s18 =	simm.s32 $0x1A450;
	[smem:$0x7FD] =	sst s26;
	s26 =	simm.s32 $0x2  }
.LBB2_1:
0x29: {  	[smem:$0x7FC] =	sst s6  }
0x2a: {  	s4 =	rddreg [dreg:$0x9];
	s24 =	simm.s32 $0x14050  }
0x2b: {  	[tilespmem:s24], [sflag:$0x1] =	stream.linear.gather [hbm4b:s4+s9], $0x320, $0x38;
	[tilespmem:$0x1EF50] =	vst v63  }
0x2c: {  	s6 =	rddreg [dreg:$0xa];
	s11 =	simm.s32 $0x14CD0  }
0x2d: {  	[tilespmem:s11], [sflag:$0x1] =	stream.linear.gather [hbm4b:s6+s9], $0x320, $0x38;
	[tilespmem:$0x1EF50] =	vst v63  }
0x2e: {  	s12 =	rddreg [dreg:$0xb]  }
0x2f: {  	[tilespmem:s13], [sflag:$0x1] =	stream.linear.gather [hbm4b:s12+s9], $0x320, $0x38;
	[tilespmem:$0x1EF50] =	vst v63  }
0x30: {  	s21 =	rddreg [dreg:$0xc];
	v4 =	vmov s10;
	s10 =	simm.s32 $0x4;
	s24 =	simm.s32 $0x165D0  }
0x31: {  	[tilespmem:s24], [sflag:$0x1] =	stream.linear.gather [hbm4b:s21+s9], $0x320, $0x38;
	[tilespmem:$0x1EF50] =	vst v63  }
0x32: {  	s11 =	rddreg [dreg:$0xd];
	s21 =	simm.s32 $0x2;
	s24 =	simm.s32 $0xC  }
0x33: {  	s12 =	simm.s32 $0x14370;
	v5 =	vmov s21;
	v6 =	vmov s24;
	s21 =	simm.s32 $0x8;
	s24 =	simm.s32 $0xA  }
0x34: {  	v4 =	vshll.u32 v4, $0x3;
	v7 =	vmov s10;
	[tilespmem:s12], [sflag:$0x2] =	stream.linear.gather [hbm4b:s11+s9], $0x320, $0x38;
	v6 =	vshll.u32 v6, $0x3;
	[tilespmem:$0x1EF50] =	vst v63  }
0x35: {  	s11 =	simm.s32 $0x6;
	s12 =	simm.s32 $0x0;
	v10 =	vmov s21;
	v11 =	vmov s24;
	v5 =	vshll.u32 v5, $0x3  }
0x36: {  	v8 =	vmov s11;
	v9 =	vmov s12;
	v6 =	vor.u32 v1, v6  }
0x37: {  	v5 =	vor.u32 v1, v5;
	v9 =	vshll.u32 v9, $0x3;
	v12 =	vor.u32 v2, v6  }
0x38: {  	s10 =	rddreg [dreg:$0xf];
	v6 =	vshll.u32 v7, $0x3;
	v7 =	vshll.u32 v8, $0x3;
	v13 =	vor.u32 v2, v5  }
0x39: {  	s6 =	rddreg [dreg:$0xe];
	s21 =	simm.s32 $0x1E;
	v8 =	vor.u32 v1, v9;
	v9 =	vshll.u32 v10, $0x3;
	v10 =	vshll.u32 v11, $0x3  }
0x3a: {  	[tilespmem:s28], [sflag:$0x2] =	stream.linear.gather [hbm4b:s6+s9], $0x320, $0x38;
	v6 =	vor.u32 v1, v6;
	v7 =	vor.u32 v1, v7;
	v11 =	vor.u32 v1, v4;
	[tilespmem:$0x1EF50] =	vst v63  }
0x3b: {  	s24 =	simm.s32 $0x12;
	s11 =	rddreg [dreg:$0x10];
	s28 =	simm.s32 $0x1C;
	v9 =	vor.u32 v1, v9;
	v10 =	vor.u32 v1, v10;
	v8 =	vor.u32 v2, v8  }
0x3c: {  	[tilespmem:s17], [sflag:$0x2] =	stream.linear.gather [hbm4b:s10+s9], $0x320, $0x38;
	v14 =	vor.u32 v2, v6;
	v7 =	vor.u32 v2, v7;
	v6 =	vor.u32 v2, v11;
	[tilespmem:$0x1EF50] =	vst v63  }
0x3d: {  	s12 =	simm.s32 $0x168F0;
	v11 =	vmov s28;
	s28 =	simm.s32 $0x1A;
	v4 =	vor.u32 v2, v9;
	v9 =	vmov s21;
	s21 =	simm.s32 $0x10  }
0x3e: {  	v5 =	vor.u32 v2, v10;
	v10 =	vmov s24;
	v11 =	vshll.u32 v11, $0x3;
	[tilespmem:s12], [sflag:$0x2] =	stream.linear.gather [hbm4b:s11+s9], $0x320, $0x38;
	[tilespmem:$0x1EF50] =	vst v63  }
0x3f: {  	s24 =	simm.s32 $0x18;
	v62 =	vmov s28;
	v9 =	vshll.u32 v9, $0x3;
	v16 =	vmov s21;
	[tilespmem:v12+s20+$0x0] =	vst.idx.msk $0xffff, v3  }
0x40: {  	s11 =	simm.s32 $0x14;
	s12 =	simm.s32 $0x16;
	v17 =	vmov s24;
	v11 =	vor.u32 v1, v11;
	v10 =	vshll.u32 v10, $0x3;
	[tilespmem:v13+s20+$0x0] =	vst.idx.msk $0xffff, v3  }
0x41: {  	v12 =	vmov s11;
	v15 =	vmov s12;
	v18 =	vor.u32 v2, v11;
	[tilespmem:v8+s20+$0x0] =	vst.idx.msk $0xffff, v3  }
0x42: {  	v13 =	vshll.u32 v17, $0x3;
	v11 =	vshll.u32 v12, $0x3;
	v12 =	vshll.u32 v15, $0x3;
	[tilespmem:v14+s20+$0x0] =	vst.idx.msk $0xffff, v3  }
0x43: {  	v13 =	vor.u32 v1, v13;
	v8 =	vshll.u32 v16, $0x3;
	v14 =	vshll.u32 v62, $0x3;
	[tilespmem:v7+s20+$0x0] =	vst.idx.msk $0xffff, v3  }
0x44: {  	v7 =	vor.u32 v1, v10;
	v15 =	vor.u32 v1, v11;
	v63 =	vor.u32 v1, v12  }
0x45: {  	v11 =	vor.u32 v1, v9;
	v13 =	vor.u32 v2, v13;
	v8 =	vor.u32 v1, v8  }
0x46: {  	v12 =	vor.u32 v1, v14;
	v9 =	vor.u32 v2, v15;
	v10 =	vor.u32 v2, v8  }
0x47: {  	s6 =	simm.s32 $0x8;
	s10 =	simm.s32 $0x2E;
	v8 =	vor.u32 v2, v7;
	v7 =	vor.u32 v2, v63;
	[tilespmem:v18+s20+$0x0] =	vst.idx.msk $0xffff, v3  }
.LBB2_2:
0x48: {  	s4 =	sadd.s32 $0xFFFFFFF4, s10;
	s11 =	sadd.s32 $0xFFFFFFFE, s10;
	v14 =	vmov s10;
	s6 =	sadd.s32 $0x8, s6;
	v12 =	vor.u32 v2, v12;
	v11 =	vor.u32 v2, v11;
	[tilespmem:v4+s20+$0x0] =	vst.idx.msk $0xffff, v3;
	v4 =	vmovc v13  }
0x49: {  	s12 =	sadd.s32 $0xFFFFFFF8, s10;
	v13 =	vmov s4;
	s4 =	sadd.s32 $0xFFFFFFF6, s10;
	v15 =	vmov s11;
	v14 =	vshll.u32 v14, $0x3;
	p0 =	slt.u32 s6, $0x188;
	[tilespmem:v5+s20+$0x0] =	vst.idx.msk $0xffff, v3;
	v5 =	vmovc v12  }
0x4a: {  	s11 =	sadd.s32 $0xFFFFFFF2, s10;
	v16 =	vmov s12;
	s12 =	sadd.s32 $0xFFFFFFFC, s10;
	v12 =	vmov s4;
	s4 =	sadd.s32 $0xFFFFFFFA, s10;
	v15 =	vshll.u32 v15, $0x3;
	[tilespmem:v6+s20+$0x0] =	vst.idx.msk $0xffff, v3;
	v6 =	vmovc v11  }
0x4b: {  	v11 =	vmov s11;
	v17 =	vmov s4;
	v15 =	vor.u32 v1, v15;
	[tilespmem:v10+s20+$0x0] =	vst.idx.msk $0xffff, v3  }
0x4c: {  	v10 =	vshll.u32 v11, $0x3;
	v11 =	vmov s12;
	v15 =	vor.u32 v2, v15;
	[tilespmem:v8+s20+$0x0] =	vst.idx.msk $0xffff, v3  }
0x4d: {  	v12 =	vshll.u32 v12, $0x3;
	v8 =	vshll.u32 v13, $0x3;
	v13 =	vshll.u32 v16, $0x3;
	[tilespmem:v9+s20+$0x0] =	vst.idx.msk $0xffff, v3  }
.Ltmp0:
0x4e: {  	v11 =	vshll.u32 v11, $0x3;
	v9 =	vor.u32 v1, v10;
	v10 =	vshll.u32 v17, $0x3;
	[tilespmem:v7+s20+$0x0] =	vst.idx.msk $0xffff, v3;
	(pc) =	sbr.rel @p0 .LBB2_2-.Ltmp0, $4  }
0x4f: {  	v16 =	vor.u32 v1, v12;
	v13 =	vor.u32 v1, v13;
	v7 =	vor.u32 v1, v8  }
0x50: {  	v12 =	vor.u32 v1, v11;
	v11 =	vor.u32 v1, v14;
	v17 =	vor.u32 v1, v10  }
0x51: {  	v10 =	vor.u32 v2, v9;
	v8 =	vor.u32 v2, v7;
	[tilespmem:v15+s20+$0x0] =	vst.idx.msk $0xffff, v3  }
0x52: {  	s10 =	sadd.s32 $0x10, s10;
	v9 =	vor.u32 v2, v16;
	v7 =	vor.u32 v2, v13;
	v13 =	vor.u32 v2, v17  }
0x53: {  	_ =	sdelay $0x3  }
0x54: {  	[tilespmem:v4+s20+$0x0] =	vst.idx.msk $0xffff, v3  }
0x55: {  	[tilespmem:v5+s20+$0x0] =	vst.idx.msk $0xffff, v3  }
0x56: {  	[tilespmem:v6+s20+$0x0] =	vst.idx.msk $0xffff, v3  }
0x57: {  	v4 =	vor.u32 v2, v12;
	[tilespmem:v10+s20+$0x0] =	vst.idx.msk $0xffff, v3  }
0x58: {  	v5 =	vor.u32 v2, v11;
	[tilespmem:v8+s20+$0x0] =	vst.idx.msk $0xffff, v3  }
0x59: {  	[tilespmem:v9+s20+$0x0] =	vst.idx.msk $0xffff, v3  }
0x5a: {  	[tilespmem:v7+s20+$0x0] =	vst.idx.msk $0xffff, v3  }
0x5b: {  	[tilespmem:v13+s20+$0x0] =	vst.idx.msk $0xffff, v3  }
0x5c: {  	[tilespmem:v4+s20+$0x0] =	vst.idx.msk $0xffff, v3  }
0x5d: {  	s4 =	stileid.u32;
	[tilespmem:v5+s20+$0x0] =	vst.idx.msk $0xffff, v3  }
0x5e: {  	s4 =	sshll.u32 s4, $0x6;
	s6 =	sld [smem:$0x7FD]  }
0x5f: {  	s10 =	sor.u32 $0x1C11, s4;
	s28 =	rddreg [dreg:$0x11]  }
0x60: {  	[smem:$0x7FB] =	sst s10  }
0x61: {  	[spmem:s6], [sflag:s10] =	dma.local [hbm:s28], $0xFA0  }
0x62: {  	_ =	swait.ge [sflag:s16], $0xFA0  }
0x63: {  	[sflag:s16] =	ssyncset.done $0x0  }
0x64: {  	[sflag:s16] =	ssyncadd.s32 $0xFFFFF060  }
0x65: {  	[spmem:s14] =	stream.linear.scatter [tilespmem:s20], [sflag:$0x11], $0x1900, $0x38;
	[tilespmem:$0x1EF50] =	vst v63  }
0x66: {  	_ =	swait.ge [sflag:s16], $0x1900  }
0x67: {  	[sflag:s16] =	ssyncset.done $0x0  }
0x68: {  	s6 =	rddreg [dreg:$0x13];
	[sflag:s16] =	ssyncadd.s32 $0xFFFFE700  }
0x69: {  	[spmem:s6] =	stream.linear.scatter [tilespmem:s20], [sflag:$0x11], $0x1900, $0x38;
	[tilespmem:$0x1EF50] =	vst v63  }
0x6a: {  	_ =	swait.ge [sflag:s16], $0x1900  }
0x6b: {  	[sflag:s16] =	ssyncset.done $0x0  }
0x6c: {  	s10 =	rddreg [dreg:$0x14];
	[sflag:s16] =	ssyncadd.s32 $0xFFFFE700  }
0x6d: {  	[spmem:s10] =	stream.linear.scatter [tilespmem:s20], [sflag:$0x11], $0x1900, $0x38;
	[tilespmem:$0x1EF50] =	vst v63  }
0x6e: {  	_ =	swait.ge [sflag:s16], $0x1900  }
0x6f: {  	[sflag:s16] =	ssyncset.done $0x0  }
0x70: {  	s11 =	rddreg [dreg:$0x15];
	[sflag:s16] =	ssyncadd.s32 $0xFFFFE700  }
0x71: {  	[spmem:s11] =	stream.linear.scatter [tilespmem:s20], [sflag:$0x11], $0x1900, $0x38;
	[tilespmem:$0x1EF50] =	vst v63  }
0x72: {  	_ =	swait.ge [sflag:s16], $0x1900  }
0x73: {  	[sflag:s16] =	ssyncset.done $0x0  }
0x74: {  	s12 =	rddreg [dreg:$0x16];
	[sflag:s16] =	ssyncadd.s32 $0xFFFFE700  }
0x75: {  	[spmem:s12] =	stream.linear.scatter [tilespmem:s20], [sflag:$0x11], $0x1900, $0x38;
	[tilespmem:$0x1EF50] =	vst v63  }
0x76: {  	_ =	swait.ge [sflag:s16], $0x1900  }
0x77: {  	[sflag:s16] =	ssyncset.done $0x0  }
0x78: {  	s14 =	rddreg [dreg:$0x17];
	[sflag:s16] =	ssyncadd.s32 $0xFFFFE700  }
0x79: {  	[spmem:s14] =	stream.linear.scatter [tilespmem:s20], [sflag:$0x11], $0x1900, $0x38;
	[tilespmem:$0x1EF50] =	vst v63  }
0x7a: {  	_ =	swait.ge [sflag:s16], $0x1900  }
0x7b: {  	[sflag:s16] =	ssyncset.done $0x0  }
0x7c: {  	s21 =	rddreg [dreg:$0x18];
	[sflag:s16] =	ssyncadd.s32 $0xFFFFE700  }
0x7d: {  	[spmem:s21] =	stream.linear.scatter [tilespmem:s20], [sflag:$0x11], $0x1900, $0x38;
	[tilespmem:$0x1EF50] =	vst v63  }
0x7e: {  	_ =	swait.ge [sflag:s16], $0x1900  }
0x7f: {  	[sflag:s16] =	ssyncset.done $0x0  }
0x80: {  	s24 =	rddreg [dreg:$0x19];
	[sflag:s16] =	ssyncadd.s32 $0xFFFFE700  }
0x81: {  	[spmem:s24] =	stream.linear.scatter [tilespmem:s20], [sflag:$0x11], $0x1450, $0x38;
	[tilespmem:$0x1EF50] =	vst v63  }
0x82: {  	_ =	swait.ge [sflag:s16], $0x1450  }
0x83: {  	[sflag:s16] =	ssyncset.done $0x0  }
0x84: {  	[sflag:s16] =	ssyncadd.s32 $0xFFFFEBB0  }
0x85: {  	[bflag:$0x0] =	sbarrier.arrive $0xFFFF  }
0x86: {  	_ =	swait.ge [sflag:s22], $0x320  }
0x87: {  	[sflag:s22] =	ssyncset.done $0x0  }
0x88: {  	[sflag:s22] =	ssyncadd.s32 $0xFFFFFCE0  }
0x89: {  	_ =	swait.ge [sflag:s22], $0x320  }
0x8a: {  	[sflag:s22] =	ssyncset.done $0x0  }
0x8b: {  	[sflag:s22] =	ssyncadd.s32 $0xFFFFFCE0  }
0x8c: {  	_ =	swait.ge [sflag:s22], $0x320  }
0x8d: {  	[sflag:s22] =	ssyncset.done $0x0  }
0x8e: {  	[sflag:s22] =	ssyncadd.s32 $0xFFFFFCE0  }
0x8f: {  	_ =	swait.ge [sflag:s22], $0x320  }
0x90: {  	[sflag:s22] =	ssyncset.done $0x0  }
0x91: {  	s28 =	simm.s32 $0x14090;
	[sflag:s22] =	ssyncadd.s32 $0xFFFFFCE0  }
0x92: {  	v4 =	vld [tilespmem:s28+$0x30]  }
0x93: {  	v5 =	vld [tilespmem:s28+$0xFFFFFFD0];
	_ =	sdelay $0x1  }
0x94: {  	v7 =	vld [tilespmem:s28+$0xFFFFFFF0]  }
0x95: {  	v6 =	vld [tilespmem:s28+$0xFFFFFFE0]  }
0x96: {  	v8 =	vld [tilespmem:s28+$0x0];
	vm0 =	vlt.s32 v4, $0xFA00  }
0x97: {  	s6 =	simm.s32 $0x1D690;
	v10 =	vld [tilespmem:s28+$0xFFFFFFC0];
	vm1 =	vlt.s32 v5, $0xFA00;
	v9 =	vnsel vm0, $0xFFFFFFFF, v4  }
0x98: {  	v63 =	vld [tilespmem:s28+$0x20];
	v11 =	vnsel vm1, $0xFFFFFFFF, v5;
	[tilespmem:s6+$0x30] =	vst v9  }
0x99: {  	s16 =	simm.s32 $0x1E310;
	vm12 =	vlt.s32 v7, $0xFA00;
	v4 =	vsel vm0, $0xFFFFFFFF, v4;
	[tilespmem:s6+$0xFFFFFFD0] =	vst v11  }
0x9a: {  	v9 =	vld [tilespmem:s28+$0x10];
	v11 =	vnsel vm12, $0xFFFFFFFF, v7;
	[tilespmem:s16+$0x30] =	vst v4  }
0x9b: {  	vm11 =	vlt.s32 v6, $0xFA00;
	v4 =	vsel vm1, $0xFFFFFFFF, v5;
	[tilespmem:s6+$0xFFFFFFF0] =	vst v11  }
0x9c: {  	vm13 =	vlt.s32 v8, $0xFA00;
	vm14 =	vlt.s32 v10, $0xFA00;
	v5 =	vnsel vm11, $0xFFFFFFFF, v6;
	[tilespmem:s16+$0xFFFFFFD0] =	vst v4  }
0x9d: {  	vm15 =	vlt.s32 v63, $0xFA00;
	v6 =	vsel vm11, $0xFFFFFFFF, v6;
	v11 =	vsel vm14, $0xFFFFFFFF, v10;
	[tilespmem:s6+$0xFFFFFFE0] =	vst v5  }
0x9e: {  	v4 =	vnsel vm13, $0xFFFFFFFF, v8;
	[tilespmem:s16+$0xFFFFFFE0] =	vst v6;
	v6 =	vsel vm13, $0xFFFFFFFF, v8;
	v8 =	vnsel vm14, $0xFFFFFFFF, v10  }
0x9f: {  	s10 =	simm.s32 $0x14110;
	s11 =	simm.s32 $0x1E5D0;
	s12 =	simm.s32 $0x2F0;
	v5 =	vsel vm12, $0xFFFFFFFF, v7;
	[tilespmem:s6+$0xFFFFFFC0] =	vst v8;
	v8 =	vnsel vm15, $0xFFFFFFFF, v63;
	vm2 =	vlt.s32 v9, $0xFA00  }
0xa0: {  	s14 =	simm.s32 $0x1D950;
	s21 =	simm.s32 $0x14350;
	s24 =	simm.s32 $0x0;
	[tilespmem:s16+$0xFFFFFFC0] =	vst v11;
	v7 =	vnsel vm2, $0xFFFFFFFF, v9;
	v10 =	vsel vm2, $0xFFFFFFFF, v9;
	v9 =	vsel vm15, $0xFFFFFFFF, v63  }
.LBB2_4:
0xa1: {  	v11 =	vld [tilespmem:s10+$0x30];
	[tilespmem:s16+$0xFFFFFFF0] =	vst v5  }
0xa2: {  	s24 =	sadd.s32 $0x80, s24;
	v5 =	vld [tilespmem:s10+$0xFFFFFFD0];
	[tilespmem:s6+$0x0] =	vst v4  }
0xa3: {  	p0 =	slt.u32 s24, $0x280;
	v4 =	vld [tilespmem:s10+$0xFFFFFFE0];
	[tilespmem:s16+$0x0] =	vst v6  }
0xa4: {  	v6 =	vld [tilespmem:s10+$0xFFFFFFF0];
	[tilespmem:s6+$0x10] =	vst v7  }
0xa5: {  	v7 =	vld [tilespmem:s10+$0x0];
	[tilespmem:s16+$0x10] =	vst v10  }
0xa6: {  	v10 =	vld [tilespmem:s10+$0x10];
	vm0 =	vlt.s32 v11, $0xFA00;
	[tilespmem:s6+$0x20] =	vst v8  }
0xa7: {  	s6 =	sadd.s32 $0x80, s6;
	vm1 =	vlt.s32 v5, $0xFA00;
	v12 =	vld [tilespmem:s10+$0x20];
	v8 =	vnsel vm0, $0xFFFFFFFF, v11;
	[tilespmem:s16+$0x20] =	vst v9  }
0xa8: {  	s16 =	sadd.s32 $0x80, s16;
	v9 =	vld [tilespmem:s10+$0xFFFFFFC0];
	v13 =	vnsel vm1, $0xFFFFFFFF, v5;
	vm2 =	vlt.s32 v4, $0xFA00;
	[tilespmem:s6+$0x30] =	vst v8;
	v8 =	vsel vm0, $0xFFFFFFFF, v11  }
0xa9: {  	v5 =	vsel vm1, $0xFFFFFFFF, v5;
	v11 =	vnsel vm2, $0xFFFFFFFF, v4;
	vm0 =	vlt.s32 v6, $0xFA00;
	[tilespmem:s16+$0x30] =	vst v8  }
0xaa: {  	v8 =	vsel vm2, $0xFFFFFFFF, v4;
	[tilespmem:s6+$0xFFFFFFD0] =	vst v13;
	v13 =	vnsel vm0, $0xFFFFFFFF, v6;
	vm1 =	vlt.s32 v7, $0xFA00  }
0xab: {  	[tilespmem:s16+$0xFFFFFFD0] =	vst v5;
	v5 =	vsel vm0, $0xFFFFFFFF, v6;
	v4 =	vnsel vm1, $0xFFFFFFFF, v7;
	vm0 =	vlt.s32 v10, $0xFA00  }
.Ltmp1:
0xac: {  	v6 =	vsel vm1, $0xFFFFFFFF, v7;
	[tilespmem:s6+$0xFFFFFFE0] =	vst v11;
	v7 =	vnsel vm0, $0xFFFFFFFF, v10;
	vm1 =	vlt.s32 v12, $0xFA00;
	(pc) =	sbr.rel @p0 .LBB2_4-.Ltmp1, $4  }
0xad: {  	v10 =	vsel vm0, $0xFFFFFFFF, v10;
	vm2 =	vlt.s32 v9, $0xFA00;
	[tilespmem:s16+$0xFFFFFFE0] =	vst v8;
	v8 =	vnsel vm1, $0xFFFFFFFF, v12  }
0xae: {  	v11 =	vnsel vm2, $0xFFFFFFFF, v9;
	v14 =	vsel vm2, $0xFFFFFFFF, v9;
	[tilespmem:s6+$0xFFFFFFF0] =	vst v13;
	v9 =	vsel vm1, $0xFFFFFFFF, v12  }
0xaf: {  	[tilespmem:s6+$0xFFFFFFC0] =	vst v11  }
0xb0: {  	s10 =	sadd.s32 $0x80, s10;
	[tilespmem:s16+$0xFFFFFFC0] =	vst v14  }
0xb1: {  	[tilespmem:s16+$0xFFFFFFF0] =	vst v5  }
0xb2: {  	[tilespmem:s6+$0x0] =	vst v4  }
0xb3: {  	[tilespmem:s6+$0x10] =	vst v7  }
0xb4: {  	[tilespmem:s6+$0x20] =	vst v8  }
0xb5: {  	[tilespmem:s16+$0x0] =	vst v6  }
0xb6: {  	[tilespmem:s16+$0x10] =	vst v10  }
0xb7: {  	[tilespmem:s16+$0x20] =	vst v9  }
.LBB2_6:
0xb8: {  	v4 =	vld [tilespmem:s21+$0x0];
	_ =	sdelay $0x1  }
0xb9: {  	s12 =	sadd.s32 $0x10, s12  }
0xba: {  	p0 =	slt.u32 s12, $0x310  }
.Ltmp2:
0xbb: {  	_ = 	snop;
	(pc) =	sbr.rel @p0 .LBB2_6-.Ltmp2, $4  }
0xbc: {  	vm0 =	vlt.s32 v4, $0xFA00  }
0xbd: {  	v5 =	vnsel vm0, $0xFFFFFFFF, v4  }
0xbe: {  	v4 =	vsel vm0, $0xFFFFFFFF, v4;
	[tilespmem:s14+$0x0] =	vst v5  }
0xbf: {  	s21 =	sadd.s32 $0x10, s21;
	s14 =	sadd.s32 $0x10, s14;
	[tilespmem:s11+$0x0] =	vst v4;
	s11 =	sadd.s32 $0x10, s11  }
0xc0: {  	(ifvalue) =	ssetifvalue $0xFFFFFFFF  }
0xc1: {  	s4 =	simm.s32 $0x1D650;
	(ifvalue) =	ssetifvalue $0xFFFFFFFF  }
0xc2: {  	[tilespmem:s20], [sflag:$0x5] =	stream.indirect.gather [spmem:s7], $0x8, s4, s23, $0x40b8;
	[tilespmem:$0x1EF50] =	vst v63  }
0xc3: {  	(ifvalue) =	ssetifvalue $0xFFFFFFFF  }
0xc4: {  	s28 =	simm.s32 $0x1E2D0;
	s6 =	simm.s32 $0x15990;
	(ifvalue) =	ssetifvalue $0xFFFFFFFF  }
0xc5: {  	[tilespmem:s20], [sflag:$0x9] =	stream.indirect.gather [hbm4b:s0+s23], $0x8, s28, s23, $0x40b8;
	[tilespmem:$0x1EF50] =	vst v63  }
0xc6: {  	s11 =	simm.s32 $0x16610;
	v5 =	vld [tilespmem:s6+$0x30]  }
0xc7: {  	v6 =	vld [tilespmem:s11+$0x30]  }
0xc8: {  	v4 =	vld [tilespmem:s11+$0xFFFFFFC0]  }
0xc9: {  	v7 =	vld [tilespmem:s6+$0xFFFFFFD0]  }
0xca: {  	v8 =	vld [tilespmem:s11+$0xFFFFFFD0]  }
0xcb: {  	v9 =	vld [tilespmem:s6+$0xFFFFFFE0]  }
0xcc: {  	v10 =	vld [tilespmem:s11+$0xFFFFFFE0]  }
0xcd: {  	v11 =	vld [tilespmem:s6+$0xFFFFFFF0]  }
0xce: {  	v12 =	vld [tilespmem:s11+$0xFFFFFFF0]  }
0xcf: {  	v13 =	vld [tilespmem:s6+$0x0]  }
0xd0: {  	v14 =	vld [tilespmem:s11+$0x0];
	v6 =	vmul.f32 v6, v5  }
0xd1: {  	v8 =	vmul.f32 v8, v7;
	v5 =	vld [tilespmem:s6+$0x10]  }
0xd2: {  	v9 =	vmul.f32 v10, v9;
	v7 =	vld [tilespmem:s11+$0x10];
	[tilespmem:s6+$0x30] =	vst v6  }
0xd3: {  	v10 =	vmul.f32 v12, v11;
	[tilespmem:s6+$0xFFFFFFD0] =	vst v8;
	v6 =	vld [tilespmem:s6+$0x20]  }
0xd4: {  	s10 =	simm.s32 $0x0;
	[tilespmem:s6+$0xFFFFFFE0] =	vst v9;
	v8 =	vld [tilespmem:s11+$0x20]  }
0xd5: {  	s12 =	simm.s32 $0x168D0;
	s14 =	simm.s32 $0x15C50;
	s16 =	simm.s32 $0x15A10;
	v9 =	vld [tilespmem:s6+$0xFFFFFFC0];
	[tilespmem:s6+$0xFFFFFFF0] =	vst v10;
	v10 =	vmul.f32 v14, v13  }
.LBB2_8:
0xd6: {  	v11 =	vld [tilespmem:s16+$0x30];
	s11 =	sadd.s32 $0x80, s11  }
0xd7: {  	s10 =	sadd.s32 $0x80, s10;
	v12 =	vld [tilespmem:s11+$0x30];
	[tilespmem:s6+$0x0] =	vst v10;
	v5 =	vmul.f32 v7, v5  }
0xd8: {  	p0 =	slt.u32 s10, $0x280;
	v7 =	vld [tilespmem:s11+$0xFFFFFFC0]  }
0xd9: {  	v10 =	vld [tilespmem:s16+$0xFFFFFFD0];
	[tilespmem:s6+$0x10] =	vst v5;
	v5 =	vmul.f32 v8, v6  }
0xda: {  	v6 =	vld [tilespmem:s11+$0xFFFFFFD0];
	v13 =	vmul.f32 v4, v9  }
0xdb: {  	v8 =	vld [tilespmem:s16+$0xFFFFFFE0];
	[tilespmem:s6+$0x20] =	vst v5  }
0xdc: {  	v5 =	vld [tilespmem:s11+$0xFFFFFFE0];
	v9 =	vmul.f32 v12, v11;
	[tilespmem:s6+$0xFFFFFFC0] =	vst v13;
	s6 =	smov.u32 s16  }
0xdd: {  	v11 =	vld [tilespmem:s16+$0xFFFFFFF0];
	v4 =	vmov v7  }
0xde: {  	s4 =	simm.s32 $0x2F0;
	v12 =	vld [tilespmem:s11+$0xFFFFFFF0];
	[tilespmem:s16+$0x30] =	vst v9  }
0xdf: {  	v6 =	vmul.f32 v6, v10;
	v10 =	vld [tilespmem:s16+$0x0]  }
0xe0: {  	v13 =	vld [tilespmem:s11+$0x0]  }
.Ltmp3:
0xe1: {  	[tilespmem:s16+$0xFFFFFFD0] =	vst v6;
	v6 =	vmul.f32 v5, v8;
	v5 =	vld [tilespmem:s16+$0x10];
	(pc) =	sbr.rel @p0 .LBB2_8-.Ltmp3, $4  }
0xe2: {  	v7 =	vld [tilespmem:s11+$0x10]  }
0xe3: {  	[tilespmem:s16+$0xFFFFFFE0] =	vst v6;
	v11 =	vmul.f32 v12, v11;
	v6 =	vld [tilespmem:s16+$0x20]  }
0xe4: {  	v8 =	vld [tilespmem:s11+$0x20]  }
0xe5: {  	s16 =	sadd.s32 $0x80, s16;
	v9 =	vld [tilespmem:s6+$0xFFFFFFC0];
	[tilespmem:s6+$0xFFFFFFF0] =	vst v11;
	v10 =	vmul.f32 v13, v10  }
0xe6: {  	_ =	sdelay $0x1  }
0xe7: {  	v5 =	vmul.f32 v7, v5  }
0xe8: {  	[tilespmem:s6+$0x0] =	vst v10;
	v6 =	vmul.f32 v8, v6  }
0xe9: {  	[tilespmem:s6+$0x10] =	vst v5;
	v4 =	vmul.f32 v4, v9  }
0xea: {  	[tilespmem:s6+$0x20] =	vst v6  }
0xeb: {  	[tilespmem:s6+$0xFFFFFFC0] =	vst v4  }
.LBB2_10:
0xec: {  	v4 =	vld [tilespmem:s14+$0x0]  }
0xed: {  	v5 =	vld [tilespmem:s12+$0x0]  }
0xee: {  	s4 =	sadd.s32 $0x10, s4  }
0xef: {  	p0 =	slt.u32 s4, $0x310  }
.Ltmp4:
0xf0: {  	_ = 	snop;
	(pc) =	sbr.rel @p0 .LBB2_10-.Ltmp4, $3  }
0xf1: {  	_ = 	snop  }
0xf2: {  	v4 =	vmul.f32 v5, v4;
	_ =	sdelay $0x1  }
0xf3: {  	s12 =	sadd.s32 $0x10, s12;
	s16 =	simm.s32 $0x0;
	[tilespmem:s14+$0x0] =	vst v4;
	s14 =	sadd.s32 $0x10, s14  }
.LBB2_11:
0xf4: {  	_ =	swait.ge [sflag:s26], $0x320  }
0xf5: {  	[sflag:s26] =	ssyncset.done $0x0  }
0xf6: {  	[sflag:s26] =	ssyncadd.s32 $0xFFFFFCE0  }
0xf7: {  	_ =	swait.ge [sflag:s26], $0x320  }
0xf8: {  	[sflag:s26] =	ssyncset.done $0x0  }
0xf9: {  	[sflag:s26] =	ssyncadd.s32 $0xFFFFFCE0  }
0xfa: {  	_ =	swait.ge [sflag:s26], $0x320  }
0xfb: {  	[sflag:s26] =	ssyncset.done $0x0  }
0xfc: {  	[sflag:s26] =	ssyncadd.s32 $0xFFFFFCE0  }
0xfd: {  	_ =	swait.ge [sflag:s26], $0x320  }
0xfe: {  	[sflag:s26] =	ssyncset.done $0x0  }
0xff: {  	s4 =	simm.s32 $0x143B0;
	[sflag:s26] =	ssyncadd.s32 $0xFFFFFCE0  }
0x100: {  	v4 =	vld [tilespmem:s4+$0x30]  }
0x101: {  	v5 =	vld [tilespmem:s4+$0xFFFFFFD0];
	_ =	sdelay $0x1  }
0x102: {  	v7 =	vld [tilespmem:s4+$0xFFFFFFF0]  }
0x103: {  	v6 =	vld [tilespmem:s4+$0xFFFFFFE0]  }
0x104: {  	v8 =	vld [tilespmem:s4+$0x0];
	vm0 =	vlt.s32 v4, $0xFA00  }
0x105: {  	s6 =	simm.s32 $0x1D9B0;
	v10 =	vld [tilespmem:s4+$0xFFFFFFC0];
	vm1 =	vlt.s32 v5, $0xFA00;
	v9 =	vnsel vm0, $0xFFFFFFFF, v4  }
0x106: {  	v12 =	vld [tilespmem:s4+$0x20];
	v11 =	vnsel vm1, $0xFFFFFFFF, v5;
	[tilespmem:s6+$0x30] =	vst v9  }
0x107: {  	s21 =	simm.s32 $0x1E630;
	vm12 =	vlt.s32 v7, $0xFA00;
	v4 =	vsel vm0, $0xFFFFFFFF, v4;
	[tilespmem:s6+$0xFFFFFFD0] =	vst v11  }
0x108: {  	v9 =	vld [tilespmem:s4+$0x10];
	v11 =	vnsel vm12, $0xFFFFFFFF, v7;
	[tilespmem:s21+$0x30] =	vst v4  }
0x109: {  	vm11 =	vlt.s32 v6, $0xFA00;
	v4 =	vsel vm1, $0xFFFFFFFF, v5;
	[tilespmem:s6+$0xFFFFFFF0] =	vst v11  }
0x10a: {  	vm13 =	vlt.s32 v8, $0xFA00;
	vm14 =	vlt.s32 v10, $0xFA00;
	v5 =	vnsel vm11, $0xFFFFFFFF, v6;
	[tilespmem:s21+$0xFFFFFFD0] =	vst v4  }
0x10b: {  	vm15 =	vlt.s32 v12, $0xFA00;
	v6 =	vsel vm11, $0xFFFFFFFF, v6;
	v11 =	vsel vm14, $0xFFFFFFFF, v10;
	[tilespmem:s6+$0xFFFFFFE0] =	vst v5  }
0x10c: {  	v4 =	vnsel vm13, $0xFFFFFFFF, v8;
	[tilespmem:s21+$0xFFFFFFE0] =	vst v6;
	v6 =	vsel vm13, $0xFFFFFFFF, v8;
	v8 =	vnsel vm14, $0xFFFFFFFF, v10  }
0x10d: {  	s14 =	simm.s32 $0x0;
	s24 =	simm.s32 $0x14670;
	v5 =	vsel vm12, $0xFFFFFFFF, v7;
	[tilespmem:s6+$0xFFFFFFC0] =	vst v8;
	v8 =	vnsel vm15, $0xFFFFFFFF, v12;
	vm2 =	vlt.s32 v9, $0xFA00  }
0x10e: {  	s12 =	simm.s32 $0x1E8F0;
	s11 =	simm.s32 $0x1DC70;
	s28 =	simm.s32 $0x14430;
	[tilespmem:s21+$0xFFFFFFC0] =	vst v11;
	v7 =	vnsel vm2, $0xFFFFFFFF, v9;
	v10 =	vsel vm2, $0xFFFFFFFF, v9;
	v9 =	vsel vm15, $0xFFFFFFFF, v12  }
.LBB2_12:
0x10f: {  	v11 =	vld [tilespmem:s28+$0x30];
	[tilespmem:s21+$0xFFFFFFF0] =	vst v5  }
0x110: {  	s14 =	sadd.s32 $0x80, s14;
	v5 =	vld [tilespmem:s28+$0xFFFFFFD0];
	[tilespmem:s6+$0x0] =	vst v4  }
0x111: {  	p0 =	slt.u32 s14, $0x280;
	v4 =	vld [tilespmem:s28+$0xFFFFFFE0];
	[tilespmem:s21+$0x0] =	vst v6  }
0x112: {  	v6 =	vld [tilespmem:s28+$0xFFFFFFF0];
	[tilespmem:s6+$0x10] =	vst v7  }
0x113: {  	v7 =	vld [tilespmem:s28+$0x0];
	[tilespmem:s21+$0x10] =	vst v10  }
0x114: {  	v10 =	vld [tilespmem:s28+$0x10];
	vm0 =	vlt.s32 v11, $0xFA00;
	[tilespmem:s6+$0x20] =	vst v8  }
0x115: {  	s6 =	sadd.s32 $0x80, s6;
	vm1 =	vlt.s32 v5, $0xFA00;
	v12 =	vld [tilespmem:s28+$0x20];
	v8 =	vnsel vm0, $0xFFFFFFFF, v11;
	[tilespmem:s21+$0x20] =	vst v9  }
0x116: {  	s21 =	sadd.s32 $0x80, s21;
	v9 =	vld [tilespmem:s28+$0xFFFFFFC0];
	v13 =	vnsel vm1, $0xFFFFFFFF, v5;
	vm2 =	vlt.s32 v4, $0xFA00;
	[tilespmem:s6+$0x30] =	vst v8;
	v8 =	vsel vm0, $0xFFFFFFFF, v11  }
0x117: {  	s10 =	simm.s32 $0x2F0;
	v5 =	vsel vm1, $0xFFFFFFFF, v5;
	v11 =	vnsel vm2, $0xFFFFFFFF, v4;
	vm0 =	vlt.s32 v6, $0xFA00;
	[tilespmem:s21+$0x30] =	vst v8  }
0x118: {  	v8 =	vsel vm2, $0xFFFFFFFF, v4;
	[tilespmem:s6+$0xFFFFFFD0] =	vst v13;
	v13 =	vnsel vm0, $0xFFFFFFFF, v6;
	vm1 =	vlt.s32 v7, $0xFA00  }
0x119: {  	[tilespmem:s21+$0xFFFFFFD0] =	vst v5;
	v5 =	vsel vm0, $0xFFFFFFFF, v6;
	v4 =	vnsel vm1, $0xFFFFFFFF, v7;
	vm0 =	vlt.s32 v10, $0xFA00  }
.Ltmp5:
0x11a: {  	v6 =	vsel vm1, $0xFFFFFFFF, v7;
	[tilespmem:s6+$0xFFFFFFE0] =	vst v11;
	v7 =	vnsel vm0, $0xFFFFFFFF, v10;
	vm1 =	vlt.s32 v12, $0xFA00;
	(pc) =	sbr.rel @p0 .LBB2_12-.Ltmp5, $4  }
0x11b: {  	v10 =	vsel vm0, $0xFFFFFFFF, v10;
	vm2 =	vlt.s32 v9, $0xFA00;
	[tilespmem:s21+$0xFFFFFFE0] =	vst v8;
	v8 =	vnsel vm1, $0xFFFFFFFF, v12  }
0x11c: {  	v11 =	vnsel vm2, $0xFFFFFFFF, v9;
	v14 =	vsel vm2, $0xFFFFFFFF, v9;
	[tilespmem:s6+$0xFFFFFFF0] =	vst v13;
	v9 =	vsel vm1, $0xFFFFFFFF, v12  }
0x11d: {  	[tilespmem:s6+$0xFFFFFFC0] =	vst v11  }
0x11e: {  	s28 =	sadd.s32 $0x80, s28;
	[tilespmem:s21+$0xFFFFFFC0] =	vst v14  }
0x11f: {  	[tilespmem:s21+$0xFFFFFFF0] =	vst v5  }
0x120: {  	[tilespmem:s6+$0x0] =	vst v4  }
0x121: {  	[tilespmem:s6+$0x10] =	vst v7  }
0x122: {  	[tilespmem:s6+$0x20] =	vst v8  }
0x123: {  	[tilespmem:s21+$0x0] =	vst v6  }
0x124: {  	[tilespmem:s21+$0x10] =	vst v10  }
0x125: {  	[tilespmem:s21+$0x20] =	vst v9  }
.LBB2_14:
0x126: {  	v4 =	vld [tilespmem:s24+$0x0];
	_ =	sdelay $0x1  }
0x127: {  	s10 =	sadd.s32 $0x10, s10  }
0x128: {  	p0 =	slt.u32 s10, $0x310  }
.Ltmp6:
0x129: {  	_ = 	snop;
	(pc) =	sbr.rel @p0 .LBB2_14-.Ltmp6, $4  }
0x12a: {  	vm0 =	vlt.s32 v4, $0xFA00  }
0x12b: {  	v5 =	vnsel vm0, $0xFFFFFFFF, v4  }
0x12c: {  	v4 =	vsel vm0, $0xFFFFFFFF, v4;
	[tilespmem:s11+$0x0] =	vst v5  }
0x12d: {  	s24 =	sadd.s32 $0x10, s24;
	s11 =	sadd.s32 $0x10, s11;
	[tilespmem:s12+$0x0] =	vst v4;
	s12 =	sadd.s32 $0x10, s12  }
0x12e: {  	(ifvalue) =	ssetifvalue $0xFFFFFFFF  }
0x12f: {  	s4 =	simm.s32 $0x1D970;
	(ifvalue) =	ssetifvalue $0xFFFFFFFF  }
0x130: {  	[tilespmem:s29], [sflag:$0x6] =	stream.indirect.gather [spmem:s7], $0x8, s4, s23, $0x40b8;
	[tilespmem:$0x1EF50] =	vst v63  }
0x131: {  	(ifvalue) =	ssetifvalue $0xFFFFFFFF  }
0x132: {  	s28 =	simm.s32 $0x1E5F0;
	s6 =	simm.s32 $0x15CB0;
	(ifvalue) =	ssetifvalue $0xFFFFFFFF  }
0x133: {  	[tilespmem:s29], [sflag:$0xA] =	stream.indirect.gather [hbm4b:s0+s23], $0x8, s28, s23, $0x40b8;
	[tilespmem:$0x1EF50] =	vst v63  }
0x134: {  	s11 =	simm.s32 $0x16930;
	v5 =	vld [tilespmem:s6+$0x30]  }
0x135: {  	v6 =	vld [tilespmem:s11+$0x30]  }
0x136: {  	v4 =	vld [tilespmem:s11+$0xFFFFFFC0]  }
0x137: {  	v7 =	vld [tilespmem:s6+$0xFFFFFFD0]  }
0x138: {  	v8 =	vld [tilespmem:s11+$0xFFFFFFD0]  }
0x139: {  	v9 =	vld [tilespmem:s6+$0xFFFFFFE0]  }
0x13a: {  	v10 =	vld [tilespmem:s11+$0xFFFFFFE0]  }
0x13b: {  	v11 =	vld [tilespmem:s6+$0xFFFFFFF0]  }
0x13c: {  	v12 =	vld [tilespmem:s11+$0xFFFFFFF0]  }
0x13d: {  	v13 =	vld [tilespmem:s6+$0x0]  }
0x13e: {  	v14 =	vld [tilespmem:s11+$0x0];
	v6 =	vmul.f32 v6, v5  }
0x13f: {  	v8 =	vmul.f32 v8, v7;
	v5 =	vld [tilespmem:s6+$0x10]  }
0x140: {  	v9 =	vmul.f32 v10, v9;
	v7 =	vld [tilespmem:s11+$0x10];
	[tilespmem:s6+$0x30] =	vst v6  }
0x141: {  	v10 =	vmul.f32 v12, v11;
	[tilespmem:s6+$0xFFFFFFD0] =	vst v8;
	v6 =	vld [tilespmem:s6+$0x20]  }
0x142: {  	s10 =	simm.s32 $0x0;
	[tilespmem:s6+$0xFFFFFFE0] =	vst v9;
	v8 =	vld [tilespmem:s11+$0x20]  }
0x143: {  	s12 =	simm.s32 $0x16BF0;
	s14 =	simm.s32 $0x15F70;
	s21 =	simm.s32 $0x15D30;
	v9 =	vld [tilespmem:s6+$0xFFFFFFC0];
	[tilespmem:s6+$0xFFFFFFF0] =	vst v10;
	v10 =	vmul.f32 v14, v13  }
.LBB2_16:
0x144: {  	v11 =	vld [tilespmem:s21+$0x30];
	s11 =	sadd.s32 $0x80, s11  }
0x145: {  	s10 =	sadd.s32 $0x80, s10;
	v12 =	vld [tilespmem:s11+$0x30];
	[tilespmem:s6+$0x0] =	vst v10;
	v5 =	vmul.f32 v7, v5  }
0x146: {  	p0 =	slt.u32 s10, $0x280;
	v7 =	vld [tilespmem:s11+$0xFFFFFFC0]  }
0x147: {  	v10 =	vld [tilespmem:s21+$0xFFFFFFD0];
	[tilespmem:s6+$0x10] =	vst v5;
	v5 =	vmul.f32 v8, v6  }
0x148: {  	v6 =	vld [tilespmem:s11+$0xFFFFFFD0];
	v13 =	vmul.f32 v4, v9  }
0x149: {  	v8 =	vld [tilespmem:s21+$0xFFFFFFE0];
	[tilespmem:s6+$0x20] =	vst v5  }
0x14a: {  	v5 =	vld [tilespmem:s11+$0xFFFFFFE0];
	v9 =	vmul.f32 v12, v11;
	[tilespmem:s6+$0xFFFFFFC0] =	vst v13;
	s6 =	smov.u32 s21  }
0x14b: {  	v11 =	vld [tilespmem:s21+$0xFFFFFFF0];
	v4 =	vmov v7  }
0x14c: {  	s4 =	simm.s32 $0x2F0;
	v12 =	vld [tilespmem:s11+$0xFFFFFFF0];
	[tilespmem:s21+$0x30] =	vst v9  }
0x14d: {  	v6 =	vmul.f32 v6, v10;
	v10 =	vld [tilespmem:s21+$0x0]  }
0x14e: {  	v13 =	vld [tilespmem:s11+$0x0]  }
.Ltmp7:
0x14f: {  	[tilespmem:s21+$0xFFFFFFD0] =	vst v6;
	v6 =	vmul.f32 v5, v8;
	v5 =	vld [tilespmem:s21+$0x10];
	(pc) =	sbr.rel @p0 .LBB2_16-.Ltmp7, $4  }
0x150: {  	v7 =	vld [tilespmem:s11+$0x10]  }
0x151: {  	[tilespmem:s21+$0xFFFFFFE0] =	vst v6;
	v11 =	vmul.f32 v12, v11;
	v6 =	vld [tilespmem:s21+$0x20]  }
0x152: {  	v8 =	vld [tilespmem:s11+$0x20]  }
0x153: {  	s21 =	sadd.s32 $0x80, s21;
	v9 =	vld [tilespmem:s6+$0xFFFFFFC0];
	[tilespmem:s6+$0xFFFFFFF0] =	vst v11;
	v10 =	vmul.f32 v13, v10  }
0x154: {  	_ =	sdelay $0x1  }
0x155: {  	v5 =	vmul.f32 v7, v5  }
0x156: {  	[tilespmem:s6+$0x0] =	vst v10;
	v6 =	vmul.f32 v8, v6  }
0x157: {  	[tilespmem:s6+$0x10] =	vst v5;
	v4 =	vmul.f32 v4, v9  }
0x158: {  	[tilespmem:s6+$0x20] =	vst v6  }
0x159: {  	[tilespmem:s6+$0xFFFFFFC0] =	vst v4  }
.LBB2_18:
0x15a: {  	v4 =	vld [tilespmem:s14+$0x0]  }
0x15b: {  	v5 =	vld [tilespmem:s12+$0x0]  }
0x15c: {  	s4 =	sadd.s32 $0x10, s4  }
0x15d: {  	p0 =	slt.u32 s4, $0x310  }
.Ltmp8:
0x15e: {  	_ = 	snop;
	(pc) =	sbr.rel @p0 .LBB2_18-.Ltmp8, $3  }
0x15f: {  	_ = 	snop  }
0x160: {  	v4 =	vmul.f32 v5, v4;
	_ =	sdelay $0x1  }
0x161: {  	s12 =	sadd.s32 $0x10, s12;
	[tilespmem:s14+$0x0] =	vst v4;
	s14 =	sadd.s32 $0x10, s14  }
0x162: {  	p0 =	seq.s32 s16, $0x0  }
0x163: {  	s4 =	simm.s32 @!p0 $0xF  }
0x164: {  	s6 =	smul.u32 $0xC80, s16;
	_ =	swait.ge @!p0 [sflag:s4], $0x1900  }
0x165: {  	s10 =	rddreg [dreg:$0x1e]  }
0x166: {  	s10 =	sadd.s32 s10, s6  }
0x167: {  	[sflag:s4] =	ssyncset.done @!p0 $0x0;
	s10 =	sshrl.u32 s10, $0x3  }
0x168: {  	s11 =	simm.s32 $0x14690;
	[sflag:s4] =	ssyncadd.s32 @!p0 $0xFFFFE700;
	s28 =	sadd.s32 s1, s10  }
0x169: {  	[tilespmem:s11], [sflag:$0x3] =	stream.linear.gather [hbm4b:s28+s9], $0x320, $0x38;
	[tilespmem:$0x1EF50] =	vst v63  }
0x16a: {  	s14 =	simm.s32 $0x15310;
	s12 =	sadd.s32 s2, s10  }
0x16b: {  	[tilespmem:s14], [sflag:$0x3] =	stream.linear.gather [hbm4b:s12+s9], $0x320, $0x38;
	[tilespmem:$0x1EF50] =	vst v63  }
0x16c: {  	s21 =	sadd.s32 s3, s10  }
0x16d: {  	[tilespmem:s19], [sflag:$0x3] =	stream.linear.gather [hbm4b:s21+s9], $0x320, $0x38;
	[tilespmem:$0x1EF50] =	vst v63  }
0x16e: {  	s24 =	sadd.s32 s5, s10;
	s28 =	simm.s32 $0x16C10;
	s12 =	simm.s32 $0x5  }
0x16f: {  	[tilespmem:s28], [sflag:$0x3] =	stream.linear.gather [hbm4b:s24+s9], $0x320, $0x38;
	[tilespmem:$0x1EF50] =	vst v63  }
0x170: {  	s10 =	simm.s32 $0xE;
	_ =	swait.ge [sflag:s12], $0x1900  }
0x171: {  	s11 =	simm.s32 $0x2;
	v4 =	vor.u32 s10, v0;
	s14 =	simm.s32 $0xC;
	[sflag:s12] =	ssyncset.done $0x0  }
0x172: {  	v5 =	vor.u32 s11, v0;
	v6 =	vor.u32 s14, v0;
	s21 =	simm.s32 $0x9;
	[sflag:s12] =	ssyncadd.s32 $0xFFFFE700  }
0x173: {  	v7 =	vshll.u32 v6, $0x3;
	_ =	swait.ge [sflag:s21], $0x1900  }
0x174: {  	v7 =	vor.u32 v2, v7;
	s24 =	simm.s32 $0x0;
	[sflag:s21] =	ssyncset.done $0x0  }
0x175: {  	s28 =	simm.s32 $0x4;
	v8 =	vor.u32 s24, v0;
	[sflag:s21] =	ssyncadd.s32 $0xFFFFE700  }
0x176: {  	v11 =	vshll.u32 v5, $0x3;
	v9 =	vor.u32 s28, v0;
	v18 =	vld.idx.msk [tilespmem:v4+s13+$0x0], $0xffff  }
0x177: {  	v20 =	vor.u32 v2, v11;
	s14 =	simm.s32 $0xA;
	v10 =	vshll.u32 v8, $0x3;
	v16 =	vld.idx.msk [tilespmem:v5+s13+$0x0], $0xffff  }
0x178: {  	v14 =	vor.u32 s14, v0;
	s28 =	simm.s32 $0x1C;
	v17 =	vor.u32 v2, v10;
	v10 =	vshll.u32 v9, $0x3;
	v6 =	vld.idx.msk [tilespmem:v6+s13+$0x0], $0xffff  }
0x179: {  	v31 =	vor.u32 s28, v0;
	v21 =	vor.u32 v2, v10;
	v10 =	vld.idx.msk [tilespmem:v7+s20+$0x0], $0xffff  }
0x17a: {  	s12 =	simm.s32 $0x8;
	v8 =	vld.idx.msk [tilespmem:v8+s13+$0x0], $0xffff  }
0x17b: {  	v11 =	vor.u32 s12, v0;
	v19 =	vld.idx.msk [tilespmem:v9+s13+$0x0], $0xffff  }
0x17c: {  	v13 =	vshll.u32 v11, $0x3;
	v23 =	vld.idx.msk [tilespmem:v20+s20+$0x0], $0xffff  }
0x17d: {  	s11 =	simm.s32 $0x6;
	v24 =	vor.u32 v2, v13;
	v36 =	vld.idx.msk [tilespmem:v14+s13+$0x0], $0xffff  }
0x17e: {  	s21 =	simm.s32 $0x1E;
	v5 =	vor.u32 s11, v0;
	v9 =	vshll.u32 v31, $0x3;
	v31 =	vld.idx.msk [tilespmem:v31+s13+$0x0], $0xffff  }
0x17f: {  	s14 =	simm.s32 $0x14;
	v29 =	vor.u32 s21, v0;
	v15 =	vld.idx.msk [tilespmem:v17+s20+$0x0], $0xffff  }
0x180: {  	v37 =	vor.u32 s14, v0;
	v4 =	vshll.u32 v4, $0x3;
	v25 =	vld.idx.msk [tilespmem:v21+s20+$0x0], $0xffff  }
0x181: {  	v4 =	vor.u32 v2, v4;
	v34 =	vld.idx.msk [tilespmem:v11+s13+$0x0], $0xffff  }
0x182: {  	v12 =	vshll.u32 v5, $0x3;
	v13 =	vor.u32 v2, v9;
	v27 =	vld.idx.msk [tilespmem:v24+s20+$0x0], $0xffff  }
0x183: {  	v22 =	vor.u32 v2, v12;
	v12 =	vshll.u32 v14, $0x3;
	v33 =	vld.idx.msk [tilespmem:v5+s13+$0x0], $0xffff  }
0x184: {  	s24 =	simm.s32 $0x12;
	s12 =	simm.s32 $0x10;
	v28 =	vor.u32 v2, v12;
	v5 =	vld.idx.msk [tilespmem:v29+s13+$0x0], $0xffff  }
0x185: {  	v35 =	vor.u32 s12, v0;
	v12 =	vor.u32 s24, v0;
	v23 =	vmul.f32 v23, v16;
	v16 =	vld.idx.msk [tilespmem:v37+s13+$0x0], $0xffff  }
0x186: {  	v9 =	vshll.u32 v35, $0x3;
	v32 =	vld.idx.msk [tilespmem:v4+s20+$0x0], $0xffff  }
0x187: {  	s21 =	simm.s32 $0x16;
	v9 =	vor.u32 v2, v9;
	v10 =	vmul.f32 v10, v6;
	v39 =	vld.idx.msk [tilespmem:v13+s20+$0x0], $0xffff  }
0x188: {  	v11 =	vshll.u32 v12, $0x3;
	v6 =	vor.u32 s21, v0;
	v40 =	vmul.f32 v15, v8;
	v26 =	vld.idx.msk [tilespmem:v22+s20+$0x0], $0xffff  }
0x189: {  	s24 =	simm.s32 $0x18;
	v38 =	vshll.u32 v6, $0x3;
	[tilespmem:v7+s20+$0x0] =	vst.idx.msk $0xffff, v10;
	v7 =	vshll.u32 v37, $0x3;
	v10 =	vor.u32 v2, v11;
	v30 =	vld.idx.msk [tilespmem:v28+s20+$0x0], $0xffff  }
0x18a: {  	s28 =	simm.s32 $0x1A;
	v25 =	vmul.f32 v25, v19;
	v14 =	vld.idx.msk [tilespmem:v12+s13+$0x0], $0xffff;
	v12 =	vor.u32 s24, v0;
	v11 =	vor.u32 v2, v7  }
0x18b: {  	v15 =	vld.idx.msk [tilespmem:v35+s13+$0x0], $0xffff;
	v7 =	vor.u32 v2, v38;
	[tilespmem:v17+s20+$0x0] =	vst.idx.msk $0xffff, v40;
	v17 =	vor.u32 s28, v0;
	v8 =	vshll.u32 v12, $0x3  }
0x18c: {  	v19 =	vld.idx.msk [tilespmem:v9+s20+$0x0], $0xffff;
	[tilespmem:v21+s20+$0x0] =	vst.idx.msk $0xffff, v25;
	v25 =	vshll.u32 v17, $0x3;
	v8 =	vor.u32 v2, v8  }
0x18d: {  	[tilespmem:v20+s20+$0x0] =	vst.idx.msk $0xffff, v23;
	v23 =	vshll.u32 v29, $0x3;
	v27 =	vmul.f32 v27, v34;
	v25 =	vor.u32 v2, v25  }
0x18e: {  	v23 =	vor.u32 v2, v23;
	v26 =	vmul.f32 v26, v33;
	v20 =	vld.idx.msk [tilespmem:v10+s20+$0x0], $0xffff  }
0x18f: {  	[tilespmem:v24+s20+$0x0] =	vst.idx.msk $0xffff, v27;
	v29 =	vmul.f32 v30, v36;
	v21 =	vld.idx.msk [tilespmem:v11+s20+$0x0], $0xffff  }
0x190: {  	v27 =	vmul.f32 v39, v31;
	[tilespmem:v22+s20+$0x0] =	vst.idx.msk $0xffff, v26;
	v22 =	vld.idx.msk [tilespmem:v7+s20+$0x0], $0xffff  }
0x191: {  	s12 =	simm.s32 $0x2E;
	s11 =	simm.s32 $0x8;
	v26 =	vmul.f32 v32, v18;
	v18 =	vmov v25;
	v24 =	vld.idx.msk [tilespmem:v8+s20+$0x0], $0xffff;
	[tilespmem:v28+s20+$0x0] =	vst.idx.msk $0xffff, v29  }
.LBB2_20:
0x192: {  	s4 =	sadd.s32 $0xFFFFFFF4, s12;
	s10 =	sadd.s32 $0xFFFFFFFE, s12;
	v28 =	vor.u32 s12, v0;
	s11 =	sadd.s32 $0x8, s11;
	v29 =	vld.idx.msk [tilespmem:v25+s20+$0x0], $0xffff;
	[tilespmem:v13+s20+$0x0] =	vst.idx.msk $0xffff, v27  }
0x193: {  	s14 =	sadd.s32 $0xFFFFFFF8, s12;
	v25 =	vor.u32 s4, v0;
	s4 =	sadd.s32 $0xFFFFFFF6, s12;
	v27 =	vor.u32 s10, v0;
	v30 =	vshll.u32 v28, $0x3;
	p1 =	slt.u32 s11, $0x188;
	v31 =	vld.idx.msk [tilespmem:v23+s20+$0x0], $0xffff;
	[tilespmem:v4+s20+$0x0] =	vst.idx.msk $0xffff, v26;
	v4 =	vmovc v23  }
0x194: {  	s21 =	sadd.s32 $0xFFFFFFFC, s12;
	s10 =	sadd.s32 $0xFFFFFFF2, s12;
	v26 =	vor.u32 s4, v0;
	s4 =	sadd.s32 $0xFFFFFFFA, s12;
	v13 =	vshll.u32 v27, $0x3;
	v32 =	vld.idx.msk [tilespmem:v6+s13+$0x0], $0xffff;
	v6 =	vor.u32 s14, v0  }
0x195: {  	v33 =	vor.u32 s10, v0;
	v13 =	vor.u32 v2, v13;
	v34 =	vld.idx.msk [tilespmem:v12+s13+$0x0], $0xffff;
	v12 =	vor.u32 s4, v0  }
0x196: {  	v35 =	vshll.u32 v25, $0x3;
	v23 =	vshll.u32 v33, $0x3;
	v36 =	vld.idx.msk [tilespmem:v17+s13+$0x0], $0xffff;
	v17 =	vor.u32 s21, v0  }
0x197: {  	v37 =	vshll.u32 v26, $0x3;
	v38 =	vshll.u32 v6, $0x3;
	v39 =	vshll.u32 v12, $0x3;
	v28 =	vld.idx.msk [tilespmem:v28+s13+$0x0], $0xffff  }
0x198: {  	v35 =	vor.u32 v2, v35;
	v40 =	vor.u32 v2, v23;
	v23 =	vshll.u32 v17, $0x3;
	v41 =	vld.idx.msk [tilespmem:v25+s13+$0x0], $0xffff  }
0x199: {  	v37 =	vor.u32 v2, v37;
	v38 =	vor.u32 v2, v38;
	v39 =	vor.u32 v2, v39;
	v27 =	vld.idx.msk [tilespmem:v27+s13+$0x0], $0xffff  }
0x19a: {  	v19 =	vmul.f32 v19, v15;
	v25 =	vor.u32 v2, v23;
	v23 =	vor.u32 v2, v30;
	v42 =	vld.idx.msk [tilespmem:v13+s20+$0x0], $0xffff  }
0x19b: {  	v21 =	vmul.f32 v21, v16;
	v30 =	vmul.f32 v20, v14;
	v15 =	vld.idx.msk [tilespmem:v33+s13+$0x0], $0xffff  }
0x19c: {  	v22 =	vmul.f32 v22, v32;
	v24 =	vmul.f32 v24, v34;
	v16 =	vld.idx.msk [tilespmem:v26+s13+$0x0], $0xffff;
	[tilespmem:v9+s20+$0x0] =	vst.idx.msk $0xffff, v19  }
.Ltmp9:
0x19d: {  	v29 =	vmul.f32 v29, v36;
	v26 =	vmul.f32 v31, v5;
	v19 =	vld.idx.msk [tilespmem:v40+s20+$0x0], $0xffff;
	[tilespmem:v10+s20+$0x0] =	vst.idx.msk $0xffff, v30;
	(pc) =	sbr.rel @p1 .LBB2_20-.Ltmp9, $4  }
0x19e: {  	v5 =	vmovc v28;
	v9 =	vmov v40;
	v14 =	vmov v41;
	v10 =	vmov v35;
	v20 =	vld.idx.msk [tilespmem:v35+s20+$0x0], $0xffff;
	[tilespmem:v11+s20+$0x0] =	vst.idx.msk $0xffff, v21  }
0x19f: {  	v11 =	vmov v37;
	v21 =	vld.idx.msk [tilespmem:v37+s20+$0x0], $0xffff;
	[tilespmem:v7+s20+$0x0] =	vst.idx.msk $0xffff, v22;
	v7 =	vmov v38  }
0x1a0: {  	v27 =	vmul.f32 v42, v27;
	v22 =	vld.idx.msk [tilespmem:v38+s20+$0x0], $0xffff;
	[tilespmem:v8+s20+$0x0] =	vst.idx.msk $0xffff, v24;
	v8 =	vmov v39  }
0x1a1: {  	s12 =	sadd.s32 $0x10, s12;
	v24 =	vld.idx.msk [tilespmem:v39+s20+$0x0], $0xffff;
	[tilespmem:v18+s20+$0x0] =	vst.idx.msk $0xffff, v29;
	v18 =	vmov v25  }
0x1a2: {  	_ =	sdelay $0x3  }
0x1a3: {  	v25 =	vld.idx.msk [tilespmem:v25+s20+$0x0], $0xffff  }
0x1a4: {  	v6 =	vld.idx.msk [tilespmem:v6+s13+$0x0], $0xffff  }
0x1a5: {  	v12 =	vld.idx.msk [tilespmem:v12+s13+$0x0], $0xffff  }
0x1a6: {  	[tilespmem:v13+s20+$0x0] =	vst.idx.msk $0xffff, v27;
	v60 =	vld.idx.msk [tilespmem:v17+s13+$0x0], $0xffff;
	v15 =	vmul.f32 v19, v15  }
0x1a7: {  	v61 =	vld.idx.msk [tilespmem:v23+s20+$0x0], $0xffff;
	[tilespmem:v4+s20+$0x0] =	vst.idx.msk $0xffff, v26;
	v4 =	vmul.f32 v20, v14  }
0x1a8: {  	v62 =	vmul.f32 v21, v16;
	[tilespmem:v9+s20+$0x0] =	vst.idx.msk $0xffff, v15  }
0x1a9: {  	[tilespmem:v10+s20+$0x0] =	vst.idx.msk $0xffff, v4;
	v6 =	vmul.f32 v22, v6  }
0x1aa: {  	[tilespmem:v11+s20+$0x0] =	vst.idx.msk $0xffff, v62;
	v4 =	vmul.f32 v24, v12  }
0x1ab: {  	v9 =	vmul.f32 v25, v60;
	[tilespmem:v7+s20+$0x0] =	vst.idx.msk $0xffff, v6  }
0x1ac: {  	v5 =	vmul.f32 v61, v5;
	[tilespmem:v8+s20+$0x0] =	vst.idx.msk $0xffff, v4  }
0x1ad: {  	[tilespmem:v18+s20+$0x0] =	vst.idx.msk $0xffff, v9  }
0x1ae: {  	s4 =	simm.s32 $0x14CD0;
	[tilespmem:v23+s20+$0x0] =	vst.idx.msk $0xffff, v5  }
0x1af: {  	[spmem:s8] =	stream.indirect.scatter.add.f32 [tilespmem:s20], [sflag:$0xD], $0x8, s4, s23, $0xb8;
	[tilespmem:$0x1EF50] =	vst v63  }
0x1b0: {  	_ =	swait.ge [sflag:s15], $0x320  }
0x1b1: {  	[sflag:s15] =	ssyncset.done $0x0  }
0x1b2: {  	[sflag:s15] =	ssyncadd.s32 $0xFFFFFCE0  }
0x1b3: {  	_ =	swait.ge [sflag:s15], $0x320  }
0x1b4: {  	[sflag:s15] =	ssyncset.done $0x0  }
0x1b5: {  	[sflag:s15] =	ssyncadd.s32 $0xFFFFFCE0  }
0x1b6: {  	_ =	swait.ge [sflag:s15], $0x320  }
0x1b7: {  	[sflag:s15] =	ssyncset.done $0x0  }
0x1b8: {  	[sflag:s15] =	ssyncadd.s32 $0xFFFFFCE0  }
0x1b9: {  	_ =	swait.ge [sflag:s15], $0x320  }
0x1ba: {  	[sflag:s15] =	ssyncset.done $0x0  }
0x1bb: {  	s14 =	simm.s32 $0x146D0;
	[sflag:s15] =	ssyncadd.s32 $0xFFFFFCE0  }
0x1bc: {  	v4 =	vld [tilespmem:s14+$0x30]  }
0x1bd: {  	v5 =	vld [tilespmem:s14+$0xFFFFFFD0];
	_ =	sdelay $0x1  }
0x1be: {  	v7 =	vld [tilespmem:s14+$0xFFFFFFF0]  }
0x1bf: {  	v6 =	vld [tilespmem:s14+$0xFFFFFFE0]  }
0x1c0: {  	v8 =	vld [tilespmem:s14+$0x0];
	vm0 =	vlt.s32 v4, $0xFA00  }
0x1c1: {  	s21 =	simm.s32 $0x1DCD0;
	v10 =	vld [tilespmem:s14+$0xFFFFFFC0];
	vm1 =	vlt.s32 v5, $0xFA00;
	v9 =	vnsel vm0, $0xFFFFFFFF, v4  }
0x1c2: {  	v63 =	vld [tilespmem:s14+$0x20];
	v11 =	vnsel vm1, $0xFFFFFFFF, v5;
	[tilespmem:s21+$0x30] =	vst v9  }
0x1c3: {  	s24 =	simm.s32 $0x1E950;
	vm12 =	vlt.s32 v7, $0xFA00;
	v4 =	vsel vm0, $0xFFFFFFFF, v4;
	[tilespmem:s21+$0xFFFFFFD0] =	vst v11  }
0x1c4: {  	v9 =	vld [tilespmem:s14+$0x10];
	v11 =	vnsel vm12, $0xFFFFFFFF, v7;
	[tilespmem:s24+$0x30] =	vst v4  }
0x1c5: {  	vm11 =	vlt.s32 v6, $0xFA00;
	v4 =	vsel vm1, $0xFFFFFFFF, v5;
	[tilespmem:s21+$0xFFFFFFF0] =	vst v11  }
0x1c6: {  	vm13 =	vlt.s32 v8, $0xFA00;
	vm14 =	vlt.s32 v10, $0xFA00;
	v5 =	vnsel vm11, $0xFFFFFFFF, v6;
	[tilespmem:s24+$0xFFFFFFD0] =	vst v4  }
0x1c7: {  	vm15 =	vlt.s32 v63, $0xFA00;
	v6 =	vsel vm11, $0xFFFFFFFF, v6;
	v11 =	vsel vm14, $0xFFFFFFFF, v10;
	[tilespmem:s21+$0xFFFFFFE0] =	vst v5  }
0x1c8: {  	v4 =	vnsel vm13, $0xFFFFFFFF, v8;
	[tilespmem:s24+$0xFFFFFFE0] =	vst v6;
	v6 =	vsel vm13, $0xFFFFFFFF, v8;
	v8 =	vnsel vm14, $0xFFFFFFFF, v10  }
0x1c9: {  	s28 =	simm.s32 $0x0;
	s12 =	simm.s32 $0x14990;
	v5 =	vsel vm12, $0xFFFFFFFF, v7;
	[tilespmem:s21+$0xFFFFFFC0] =	vst v8;
	v8 =	vnsel vm15, $0xFFFFFFFF, v63;
	vm2 =	vlt.s32 v9, $0xFA00  }
0x1ca: {  	s11 =	simm.s32 $0x1EC10;
	s10 =	simm.s32 $0x14750;
	s14 =	simm.s32 $0x1DF90;
	[tilespmem:s24+$0xFFFFFFC0] =	vst v11;
	v7 =	vnsel vm2, $0xFFFFFFFF, v9;
	v10 =	vsel vm2, $0xFFFFFFFF, v9;
	v9 =	vsel vm15, $0xFFFFFFFF, v63  }
.LBB2_22:
0x1cb: {  	v11 =	vld [tilespmem:s10+$0x30];
	[tilespmem:s24+$0xFFFFFFF0] =	vst v5  }
0x1cc: {  	s28 =	sadd.s32 $0x80, s28;
	v5 =	vld [tilespmem:s10+$0xFFFFFFD0];
	[tilespmem:s21+$0x0] =	vst v4  }
0x1cd: {  	p1 =	slt.u32 s28, $0x280;
	v4 =	vld [tilespmem:s10+$0xFFFFFFE0];
	[tilespmem:s24+$0x0] =	vst v6  }
0x1ce: {  	v6 =	vld [tilespmem:s10+$0xFFFFFFF0];
	[tilespmem:s21+$0x10] =	vst v7  }
0x1cf: {  	v7 =	vld [tilespmem:s10+$0x0];
	[tilespmem:s24+$0x10] =	vst v10  }
0x1d0: {  	v10 =	vld [tilespmem:s10+$0x10];
	vm0 =	vlt.s32 v11, $0xFA00;
	[tilespmem:s21+$0x20] =	vst v8  }
0x1d1: {  	s21 =	sadd.s32 $0x80, s21;
	vm1 =	vlt.s32 v5, $0xFA00;
	v12 =	vld [tilespmem:s10+$0x20];
	v8 =	vnsel vm0, $0xFFFFFFFF, v11;
	[tilespmem:s24+$0x20] =	vst v9  }
0x1d2: {  	s24 =	sadd.s32 $0x80, s24;
	v9 =	vld [tilespmem:s10+$0xFFFFFFC0];
	v13 =	vnsel vm1, $0xFFFFFFFF, v5;
	vm2 =	vlt.s32 v4, $0xFA00;
	[tilespmem:s21+$0x30] =	vst v8;
	v8 =	vsel vm0, $0xFFFFFFFF, v11  }
0x1d3: {  	s4 =	simm.s32 $0x2F0;
	v5 =	vsel vm1, $0xFFFFFFFF, v5;
	v11 =	vnsel vm2, $0xFFFFFFFF, v4;
	vm0 =	vlt.s32 v6, $0xFA00;
	[tilespmem:s24+$0x30] =	vst v8  }
0x1d4: {  	v8 =	vsel vm2, $0xFFFFFFFF, v4;
	[tilespmem:s21+$0xFFFFFFD0] =	vst v13;
	v13 =	vnsel vm0, $0xFFFFFFFF, v6;
	vm1 =	vlt.s32 v7, $0xFA00  }
0x1d5: {  	[tilespmem:s24+$0xFFFFFFD0] =	vst v5;
	v5 =	vsel vm0, $0xFFFFFFFF, v6;
	v4 =	vnsel vm1, $0xFFFFFFFF, v7;
	vm0 =	vlt.s32 v10, $0xFA00  }
.Ltmp10:
0x1d6: {  	v6 =	vsel vm1, $0xFFFFFFFF, v7;
	[tilespmem:s21+$0xFFFFFFE0] =	vst v11;
	v7 =	vnsel vm0, $0xFFFFFFFF, v10;
	vm1 =	vlt.s32 v12, $0xFA00;
	(pc) =	sbr.rel @p1 .LBB2_22-.Ltmp10, $4  }
0x1d7: {  	v10 =	vsel vm0, $0xFFFFFFFF, v10;
	vm2 =	vlt.s32 v9, $0xFA00;
	[tilespmem:s24+$0xFFFFFFE0] =	vst v8;
	v8 =	vnsel vm1, $0xFFFFFFFF, v12  }
0x1d8: {  	v11 =	vnsel vm2, $0xFFFFFFFF, v9;
	v14 =	vsel vm2, $0xFFFFFFFF, v9;
	[tilespmem:s21+$0xFFFFFFF0] =	vst v13;
	v9 =	vsel vm1, $0xFFFFFFFF, v12  }
0x1d9: {  	[tilespmem:s21+$0xFFFFFFC0] =	vst v11  }
0x1da: {  	s10 =	sadd.s32 $0x80, s10;
	[tilespmem:s24+$0xFFFFFFC0] =	vst v14  }
0x1db: {  	[tilespmem:s24+$0xFFFFFFF0] =	vst v5  }
0x1dc: {  	[tilespmem:s21+$0x0] =	vst v4  }
0x1dd: {  	[tilespmem:s21+$0x10] =	vst v7  }
0x1de: {  	[tilespmem:s21+$0x20] =	vst v8  }
0x1df: {  	[tilespmem:s24+$0x0] =	vst v6  }
0x1e0: {  	[tilespmem:s24+$0x10] =	vst v10  }
0x1e1: {  	[tilespmem:s24+$0x20] =	vst v9  }
.LBB2_24:
0x1e2: {  	v4 =	vld [tilespmem:s12+$0x0];
	_ =	sdelay $0x1  }
0x1e3: {  	s4 =	sadd.s32 $0x10, s4  }
0x1e4: {  	p1 =	slt.u32 s4, $0x310  }
.Ltmp11:
0x1e5: {  	_ = 	snop;
	(pc) =	sbr.rel @p1 .LBB2_24-.Ltmp11, $4  }
0x1e6: {  	vm0 =	vlt.s32 v4, $0xFA00  }
0x1e7: {  	v5 =	vnsel vm0, $0xFFFFFFFF, v4  }
0x1e8: {  	v4 =	vsel vm0, $0xFFFFFFFF, v4;
	[tilespmem:s14+$0x0] =	vst v5  }
0x1e9: {  	s12 =	sadd.s32 $0x10, s12;
	s14 =	sadd.s32 $0x10, s14;
	[tilespmem:s11+$0x0] =	vst v4;
	s11 =	sadd.s32 $0x10, s11  }
0x1ea: {  	(ifvalue) =	ssetifvalue $0xFFFFFFFF  }
0x1eb: {  	s4 =	simm.s32 $0x1DC90;
	(ifvalue) =	ssetifvalue $0xFFFFFFFF  }
0x1ec: {  	[tilespmem:s18], [sflag:$0x7] =	stream.indirect.gather [spmem:s7], $0x8, s4, s23, $0x40b8;
	[tilespmem:$0x1EF50] =	vst v63  }
0x1ed: {  	(ifvalue) =	ssetifvalue $0xFFFFFFFF  }
0x1ee: {  	s24 =	simm.s32 $0x1E910;
	s11 =	simm.s32 $0x15FD0;
	(ifvalue) =	ssetifvalue $0xFFFFFFFF  }
0x1ef: {  	[tilespmem:s18], [sflag:$0xB] =	stream.indirect.gather [hbm4b:s0+s23], $0x8, s24, s23, $0x40b8;
	[tilespmem:$0x1EF50] =	vst v63  }
0x1f0: {  	s12 =	simm.s32 $0x16C50;
	v5 =	vld [tilespmem:s11+$0x30]  }
0x1f1: {  	v6 =	vld [tilespmem:s12+$0x30]  }
0x1f2: {  	v4 =	vld [tilespmem:s12+$0xFFFFFFC0]  }
0x1f3: {  	v7 =	vld [tilespmem:s11+$0xFFFFFFD0]  }
0x1f4: {  	v8 =	vld [tilespmem:s12+$0xFFFFFFD0]  }
0x1f5: {  	v9 =	vld [tilespmem:s11+$0xFFFFFFE0]  }
0x1f6: {  	v10 =	vld [tilespmem:s12+$0xFFFFFFE0]  }
0x1f7: {  	v11 =	vld [tilespmem:s11+$0xFFFFFFF0]  }
0x1f8: {  	v12 =	vld [tilespmem:s12+$0xFFFFFFF0]  }
0x1f9: {  	v13 =	vld [tilespmem:s11+$0x0]  }
0x1fa: {  	v14 =	vld [tilespmem:s12+$0x0];
	v6 =	vmul.f32 v6, v5  }
0x1fb: {  	v8 =	vmul.f32 v8, v7;
	v5 =	vld [tilespmem:s11+$0x10]  }
0x1fc: {  	v9 =	vmul.f32 v10, v9;
	v7 =	vld [tilespmem:s12+$0x10];
	[tilespmem:s11+$0x30] =	vst v6  }
0x1fd: {  	v10 =	vmul.f32 v12, v11;
	[tilespmem:s11+$0xFFFFFFD0] =	vst v8;
	v6 =	vld [tilespmem:s11+$0x20]  }
0x1fe: {  	s10 =	simm.s32 $0x0;
	s14 =	simm.s32 $0x16F10;
	[tilespmem:s11+$0xFFFFFFE0] =	vst v9;
	v8 =	vld [tilespmem:s12+$0x20]  }
0x1ff: {  	s21 =	simm.s32 $0x16290;
	s28 =	simm.s32 $0x14FF0;
	s24 =	simm.s32 $0x16050;
	v9 =	vld [tilespmem:s11+$0xFFFFFFC0];
	[tilespmem:s11+$0xFFFFFFF0] =	vst v10;
	v10 =	vmul.f32 v14, v13  }
.LBB2_26:
0x200: {  	v11 =	vld [tilespmem:s24+$0x30];
	s12 =	sadd.s32 $0x80, s12  }
0x201: {  	s10 =	sadd.s32 $0x80, s10;
	v12 =	vld [tilespmem:s12+$0x30];
	[tilespmem:s11+$0x0] =	vst v10;
	v5 =	vmul.f32 v7, v5  }
0x202: {  	p1 =	slt.u32 s10, $0x280;
	v7 =	vld [tilespmem:s12+$0xFFFFFFC0]  }
0x203: {  	v10 =	vld [tilespmem:s24+$0xFFFFFFD0];
	[tilespmem:s11+$0x10] =	vst v5;
	v5 =	vmul.f32 v8, v6  }
0x204: {  	v6 =	vld [tilespmem:s12+$0xFFFFFFD0];
	v13 =	vmul.f32 v4, v9  }
0x205: {  	v8 =	vld [tilespmem:s24+$0xFFFFFFE0];
	[tilespmem:s11+$0x20] =	vst v5  }
0x206: {  	v5 =	vld [tilespmem:s12+$0xFFFFFFE0];
	v9 =	vmul.f32 v12, v11;
	[tilespmem:s11+$0xFFFFFFC0] =	vst v13;
	s11 =	smov.u32 s24  }
0x207: {  	v11 =	vld [tilespmem:s24+$0xFFFFFFF0];
	v4 =	vmov v7  }
0x208: {  	s4 =	simm.s32 $0x2F0;
	v12 =	vld [tilespmem:s12+$0xFFFFFFF0];
	[tilespmem:s24+$0x30] =	vst v9  }
0x209: {  	v6 =	vmul.f32 v6, v10;
	v10 =	vld [tilespmem:s24+$0x0]  }
0x20a: {  	v13 =	vld [tilespmem:s12+$0x0]  }
.Ltmp12:
0x20b: {  	[tilespmem:s24+$0xFFFFFFD0] =	vst v6;
	v6 =	vmul.f32 v5, v8;
	v5 =	vld [tilespmem:s24+$0x10];
	(pc) =	sbr.rel @p1 .LBB2_26-.Ltmp12, $4  }
0x20c: {  	v7 =	vld [tilespmem:s12+$0x10]  }
0x20d: {  	[tilespmem:s24+$0xFFFFFFE0] =	vst v6;
	v11 =	vmul.f32 v12, v11;
	v6 =	vld [tilespmem:s24+$0x20]  }
0x20e: {  	v8 =	vld [tilespmem:s12+$0x20]  }
0x20f: {  	s24 =	sadd.s32 $0x80, s24;
	v9 =	vld [tilespmem:s11+$0xFFFFFFC0];
	[tilespmem:s11+$0xFFFFFFF0] =	vst v11;
	v10 =	vmul.f32 v13, v10  }
0x210: {  	_ =	sdelay $0x1  }
0x211: {  	v5 =	vmul.f32 v7, v5  }
0x212: {  	[tilespmem:s11+$0x0] =	vst v10;
	v6 =	vmul.f32 v8, v6  }
0x213: {  	[tilespmem:s11+$0x10] =	vst v5;
	v4 =	vmul.f32 v4, v9  }
0x214: {  	[tilespmem:s11+$0x20] =	vst v6  }
0x215: {  	[tilespmem:s11+$0xFFFFFFC0] =	vst v4  }
.LBB2_28:
0x216: {  	v4 =	vld [tilespmem:s21+$0x0]  }
0x217: {  	v5 =	vld [tilespmem:s14+$0x0]  }
0x218: {  	s4 =	sadd.s32 $0x10, s4  }
0x219: {  	p1 =	slt.u32 s4, $0x310  }
.Ltmp13:
0x21a: {  	_ = 	snop;
	(pc) =	sbr.rel @p1 .LBB2_28-.Ltmp13, $3  }
0x21b: {  	_ = 	snop  }
0x21c: {  	v4 =	vmul.f32 v5, v4;
	_ =	sdelay $0x1  }
0x21d: {  	s14 =	sadd.s32 $0x10, s14;
	[tilespmem:s21+$0x0] =	vst v4;
	s21 =	sadd.s32 $0x10, s21  }
0x21e: {  	s4 =	simm.s32 @!p0 $0x10  }
0x21f: {  	_ =	swait.ge @!p0 [sflag:s4], $0x1900  }
0x220: {  	s10 =	rddreg [dreg:$0x1f]  }
0x221: {  	s10 =	sadd.s32 s10, s6  }
0x222: {  	[sflag:s4] =	ssyncset.done @!p0 $0x0;
	s10 =	sshrl.u32 s10, $0x3  }
0x223: {  	s11 =	simm.s32 $0x149B0;
	[sflag:s4] =	ssyncadd.s32 @!p0 $0xFFFFE700;
	s12 =	sadd.s32 s1, s10  }
0x224: {  	[tilespmem:s11], [sflag:$0x4] =	stream.linear.gather [hbm4b:s12+s9], $0x320, $0x38;
	[tilespmem:$0x1EF50] =	vst v63  }
0x225: {  	s21 =	simm.s32 $0x15630;
	s14 =	sadd.s32 s2, s10  }
0x226: {  	[tilespmem:s21], [sflag:$0x4] =	stream.linear.gather [hbm4b:s14+s9], $0x320, $0x38;
	[tilespmem:$0x1EF50] =	vst v63  }
0x227: {  	s24 =	sadd.s32 s3, s10  }
0x228: {  	[tilespmem:s25], [sflag:$0x4] =	stream.linear.gather [hbm4b:s24+s9], $0x320, $0x38;
	[tilespmem:$0x1EF50] =	vst v63  }
0x229: {  	s11 =	sadd.s32 s5, s10;
	s12 =	simm.s32 $0x16F30  }
0x22a: {  	[tilespmem:s12], [sflag:$0x4] =	stream.linear.gather [hbm4b:s11+s9], $0x320, $0x38;
	[tilespmem:$0x1EF50] =	vst v63  }
0x22b: {  	s12 =	simm.s32 $0x6  }
0x22c: {  	s14 =	simm.s32 $0xE;
	_ =	swait.ge [sflag:s12], $0x1900  }
0x22d: {  	s21 =	simm.s32 $0x2;
	v4 =	vor.u32 s14, v0;
	s24 =	simm.s32 $0xC;
	[sflag:s12] =	ssyncset.done $0x0  }
0x22e: {  	v5 =	vor.u32 s21, v0;
	s14 =	simm.s32 $0xA;
	v6 =	vor.u32 s24, v0;
	[sflag:s12] =	ssyncadd.s32 $0xFFFFE700  }
0x22f: {  	v7 =	vshll.u32 v6, $0x3;
	_ =	swait.ge [sflag:s14], $0x1900  }
0x230: {  	s21 =	simm.s32 $0x0;
	v7 =	vor.u32 v2, v7;
	[sflag:s14] =	ssyncset.done $0x0  }
0x231: {  	v8 =	vor.u32 s21, v0;
	s24 =	simm.s32 $0x4;
	[sflag:s14] =	ssyncadd.s32 $0xFFFFE700  }
0x232: {  	v10 =	vshll.u32 v8, $0x3;
	v9 =	vor.u32 s24, v0;
	v18 =	vld.idx.msk [tilespmem:v4+s17+$0x0], $0xffff  }
0x233: {  	v11 =	vshll.u32 v5, $0x3;
	v17 =	vor.u32 v2, v10;
	v16 =	vld.idx.msk [tilespmem:v5+s17+$0x0], $0xffff  }
0x234: {  	v20 =	vor.u32 v2, v11;
	v10 =	vshll.u32 v9, $0x3;
	v6 =	vld.idx.msk [tilespmem:v6+s17+$0x0], $0xffff  }
0x235: {  	s11 =	simm.s32 $0x8;
	v21 =	vor.u32 v2, v10;
	v10 =	vld.idx.msk [tilespmem:v7+s29+$0x0], $0xffff  }
0x236: {  	s24 =	simm.s32 $0x1C;
	v11 =	vor.u32 s11, v0;
	v8 =	vld.idx.msk [tilespmem:v8+s17+$0x0], $0xffff  }
0x237: {  	v31 =	vor.u32 s24, v0;
	v13 =	vshll.u32 v11, $0x3;
	v19 =	vld.idx.msk [tilespmem:v9+s17+$0x0], $0xffff  }
0x238: {  	s12 =	simm.s32 $0xA;
	v24 =	vor.u32 v2, v13;
	v15 =	vld.idx.msk [tilespmem:v17+s29+$0x0], $0xffff  }
0x239: {  	s10 =	simm.s32 $0x6;
	v14 =	vor.u32 s12, v0;
	v23 =	vld.idx.msk [tilespmem:v20+s29+$0x0], $0xffff  }
0x23a: {  	s14 =	simm.s32 $0x1E;
	v5 =	vor.u32 s10, v0;
	v25 =	vld.idx.msk [tilespmem:v21+s29+$0x0], $0xffff  }
0x23b: {  	s11 =	simm.s32 $0x10;
	v29 =	vor.u32 s14, v0;
	v34 =	vld.idx.msk [tilespmem:v11+s17+$0x0], $0xffff  }
0x23c: {  	v35 =	vor.u32 s11, v0;
	s12 =	simm.s32 $0x14;
	v9 =	vshll.u32 v31, $0x3;
	v31 =	vld.idx.msk [tilespmem:v31+s17+$0x0], $0xffff  }
0x23d: {  	v37 =	vor.u32 s12, v0;
	v4 =	vshll.u32 v4, $0x3;
	v27 =	vld.idx.msk [tilespmem:v24+s29+$0x0], $0xffff  }
0x23e: {  	v12 =	vshll.u32 v5, $0x3;
	v4 =	vor.u32 v2, v4;
	v36 =	vld.idx.msk [tilespmem:v14+s17+$0x0], $0xffff  }
0x23f: {  	v22 =	vor.u32 v2, v12;
	v12 =	vshll.u32 v14, $0x3;
	v33 =	vld.idx.msk [tilespmem:v5+s17+$0x0], $0xffff  }
0x240: {  	s21 =	simm.s32 $0x12;
	v28 =	vor.u32 v2, v12;
	v5 =	vld.idx.msk [tilespmem:v29+s17+$0x0], $0xffff  }
0x241: {  	v12 =	vor.u32 s21, v0;
	v40 =	vmul.f32 v15, v8;
	v15 =	vld.idx.msk [tilespmem:v35+s17+$0x0], $0xffff  }
0x242: {  	v13 =	vor.u32 v2, v9;
	v23 =	vmul.f32 v23, v16;
	v16 =	vld.idx.msk [tilespmem:v37+s17+$0x0], $0xffff  }
0x243: {  	v9 =	vshll.u32 v35, $0x3;
	v10 =	vmul.f32 v10, v6;
	v32 =	vld.idx.msk [tilespmem:v4+s29+$0x0], $0xffff  }
0x244: {  	s14 =	simm.s32 $0x16;
	v9 =	vor.u32 v2, v9;
	v11 =	vshll.u32 v12, $0x3;
	v25 =	vmul.f32 v25, v19;
	v26 =	vld.idx.msk [tilespmem:v22+s29+$0x0], $0xffff  }
0x245: {  	s21 =	simm.s32 $0x18;
	v6 =	vor.u32 s14, v0;
	[tilespmem:v7+s29+$0x0] =	vst.idx.msk $0xffff, v10;
	v7 =	vshll.u32 v37, $0x3;
	v10 =	vor.u32 v2, v11;
	v30 =	vld.idx.msk [tilespmem:v28+s29+$0x0], $0xffff  }
0x246: {  	s24 =	simm.s32 $0x1A;
	v38 =	vshll.u32 v6, $0x3;
	v14 =	vld.idx.msk [tilespmem:v12+s17+$0x0], $0xffff;
	v12 =	vor.u32 s21, v0;
	v11 =	vor.u32 v2, v7  }
0x247: {  	v39 =	vld.idx.msk [tilespmem:v13+s29+$0x0], $0xffff;
	[tilespmem:v17+s29+$0x0] =	vst.idx.msk $0xffff, v40;
	v17 =	vor.u32 s24, v0;
	v7 =	vor.u32 v2, v38;
	v8 =	vshll.u32 v12, $0x3  }
0x248: {  	v27 =	vmul.f32 v27, v34;
	[tilespmem:v21+s29+$0x0] =	vst.idx.msk $0xffff, v25;
	v25 =	vshll.u32 v17, $0x3;
	v8 =	vor.u32 v2, v8  }
0x249: {  	v19 =	vld.idx.msk [tilespmem:v9+s29+$0x0], $0xffff;
	[tilespmem:v20+s29+$0x0] =	vst.idx.msk $0xffff, v23;
	v23 =	vshll.u32 v29, $0x3;
	v25 =	vor.u32 v2, v25  }
0x24a: {  	v23 =	vor.u32 v2, v23;
	v26 =	vmul.f32 v26, v33;
	v20 =	vld.idx.msk [tilespmem:v10+s29+$0x0], $0xffff  }
0x24b: {  	[tilespmem:v24+s29+$0x0] =	vst.idx.msk $0xffff, v27;
	v29 =	vmul.f32 v30, v36;
	v21 =	vld.idx.msk [tilespmem:v11+s29+$0x0], $0xffff  }
0x24c: {  	v27 =	vmul.f32 v39, v31;
	[tilespmem:v22+s29+$0x0] =	vst.idx.msk $0xffff, v26;
	v22 =	vld.idx.msk [tilespmem:v7+s29+$0x0], $0xffff  }
0x24d: {  	s11 =	simm.s32 $0x8;
	s12 =	simm.s32 $0x2E;
	v26 =	vmul.f32 v32, v18;
	v18 =	vmov v25;
	v24 =	vld.idx.msk [tilespmem:v8+s29+$0x0], $0xffff;
	[tilespmem:v28+s29+$0x0] =	vst.idx.msk $0xffff, v29  }
.LBB2_30:
0x24e: {  	s4 =	sadd.s32 $0xFFFFFFF4, s12;
	s10 =	sadd.s32 $0xFFFFFFFE, s12;
	v28 =	vor.u32 s12, v0;
	s11 =	sadd.s32 $0x8, s11;
	v29 =	vld.idx.msk [tilespmem:v25+s29+$0x0], $0xffff;
	[tilespmem:v13+s29+$0x0] =	vst.idx.msk $0xffff, v27  }
0x24f: {  	s14 =	sadd.s32 $0xFFFFFFF8, s12;
	v25 =	vor.u32 s4, v0;
	s4 =	sadd.s32 $0xFFFFFFF6, s12;
	v27 =	vor.u32 s10, v0;
	v30 =	vshll.u32 v28, $0x3;
	p0 =	slt.u32 s11, $0x188;
	v31 =	vld.idx.msk [tilespmem:v23+s29+$0x0], $0xffff;
	[tilespmem:v4+s29+$0x0] =	vst.idx.msk $0xffff, v26;
	v4 =	vmovc v23  }
0x250: {  	s21 =	sadd.s32 $0xFFFFFFFC, s12;
	s10 =	sadd.s32 $0xFFFFFFF2, s12;
	v26 =	vor.u32 s4, v0;
	s4 =	sadd.s32 $0xFFFFFFFA, s12;
	v13 =	vshll.u32 v27, $0x3;
	v32 =	vld.idx.msk [tilespmem:v6+s17+$0x0], $0xffff;
	v6 =	vor.u32 s14, v0  }
0x251: {  	v33 =	vor.u32 s10, v0;
	v13 =	vor.u32 v2, v13;
	v34 =	vld.idx.msk [tilespmem:v12+s17+$0x0], $0xffff;
	v12 =	vor.u32 s4, v0  }
0x252: {  	v35 =	vshll.u32 v25, $0x3;
	v23 =	vshll.u32 v33, $0x3;
	v36 =	vld.idx.msk [tilespmem:v17+s17+$0x0], $0xffff;
	v17 =	vor.u32 s21, v0  }
0x253: {  	v37 =	vshll.u32 v26, $0x3;
	v38 =	vshll.u32 v6, $0x3;
	v39 =	vshll.u32 v12, $0x3;
	v28 =	vld.idx.msk [tilespmem:v28+s17+$0x0], $0xffff  }
0x254: {  	v35 =	vor.u32 v2, v35;
	v40 =	vor.u32 v2, v23;
	v23 =	vshll.u32 v17, $0x3;
	v41 =	vld.idx.msk [tilespmem:v25+s17+$0x0], $0xffff  }
0x255: {  	v37 =	vor.u32 v2, v37;
	v38 =	vor.u32 v2, v38;
	v39 =	vor.u32 v2, v39;
	v27 =	vld.idx.msk [tilespmem:v27+s17+$0x0], $0xffff  }
0x256: {  	v19 =	vmul.f32 v19, v15;
	v25 =	vor.u32 v2, v23;
	v23 =	vor.u32 v2, v30;
	v42 =	vld.idx.msk [tilespmem:v13+s29+$0x0], $0xffff  }
0x257: {  	v21 =	vmul.f32 v21, v16;
	v30 =	vmul.f32 v20, v14;
	v15 =	vld.idx.msk [tilespmem:v33+s17+$0x0], $0xffff  }
0x258: {  	v22 =	vmul.f32 v22, v32;
	v24 =	vmul.f32 v24, v34;
	v16 =	vld.idx.msk [tilespmem:v26+s17+$0x0], $0xffff;
	[tilespmem:v9+s29+$0x0] =	vst.idx.msk $0xffff, v19  }
.Ltmp14:
0x259: {  	v29 =	vmul.f32 v29, v36;
	v26 =	vmul.f32 v31, v5;
	v19 =	vld.idx.msk [tilespmem:v40+s29+$0x0], $0xffff;
	[tilespmem:v10+s29+$0x0] =	vst.idx.msk $0xffff, v30;
	(pc) =	sbr.rel @p0 .LBB2_30-.Ltmp14, $4  }
0x25a: {  	v5 =	vmovc v28;
	v9 =	vmov v40;
	v14 =	vmov v41;
	v10 =	vmov v35;
	v20 =	vld.idx.msk [tilespmem:v35+s29+$0x0], $0xffff;
	[tilespmem:v11+s29+$0x0] =	vst.idx.msk $0xffff, v21  }
0x25b: {  	v11 =	vmov v37;
	v21 =	vld.idx.msk [tilespmem:v37+s29+$0x0], $0xffff;
	[tilespmem:v7+s29+$0x0] =	vst.idx.msk $0xffff, v22;
	v7 =	vmov v38  }
0x25c: {  	v27 =	vmul.f32 v42, v27;
	v22 =	vld.idx.msk [tilespmem:v38+s29+$0x0], $0xffff;
	[tilespmem:v8+s29+$0x0] =	vst.idx.msk $0xffff, v24;
	v8 =	vmov v39  }
0x25d: {  	s12 =	sadd.s32 $0x10, s12;
	v24 =	vld.idx.msk [tilespmem:v39+s29+$0x0], $0xffff;
	[tilespmem:v18+s29+$0x0] =	vst.idx.msk $0xffff, v29;
	v18 =	vmov v25  }
0x25e: {  	_ =	sdelay $0x3  }
0x25f: {  	v25 =	vld.idx.msk [tilespmem:v25+s29+$0x0], $0xffff  }
0x260: {  	v6 =	vld.idx.msk [tilespmem:v6+s17+$0x0], $0xffff  }
0x261: {  	v12 =	vld.idx.msk [tilespmem:v12+s17+$0x0], $0xffff  }
0x262: {  	[tilespmem:v13+s29+$0x0] =	vst.idx.msk $0xffff, v27;
	v60 =	vld.idx.msk [tilespmem:v17+s17+$0x0], $0xffff;
	v15 =	vmul.f32 v19, v15  }
0x263: {  	v61 =	vld.idx.msk [tilespmem:v23+s29+$0x0], $0xffff;
	[tilespmem:v4+s29+$0x0] =	vst.idx.msk $0xffff, v26;
	v4 =	vmul.f32 v20, v14  }
0x264: {  	v62 =	vmul.f32 v21, v16;
	[tilespmem:v9+s29+$0x0] =	vst.idx.msk $0xffff, v15  }
0x265: {  	[tilespmem:v10+s29+$0x0] =	vst.idx.msk $0xffff, v4;
	v6 =	vmul.f32 v22, v6  }
0x266: {  	[tilespmem:v11+s29+$0x0] =	vst.idx.msk $0xffff, v62;
	v4 =	vmul.f32 v24, v12  }
0x267: {  	v9 =	vmul.f32 v25, v60;
	[tilespmem:v7+s29+$0x0] =	vst.idx.msk $0xffff, v6  }
0x268: {  	v5 =	vmul.f32 v61, v5;
	[tilespmem:v8+s29+$0x0] =	vst.idx.msk $0xffff, v4  }
0x269: {  	[tilespmem:v18+s29+$0x0] =	vst.idx.msk $0xffff, v9  }
0x26a: {  	[tilespmem:v23+s29+$0x0] =	vst.idx.msk $0xffff, v5  }
0x26b: {  	[spmem:s8] =	stream.indirect.scatter.add.f32 [tilespmem:s29], [sflag:$0xE], $0x8, s28, s23, $0xb8;
	[tilespmem:$0x1EF50] =	vst v63  }
0x26c: {  	_ =	swait.ge [sflag:s30], $0x320  }
0x26d: {  	[sflag:s30] =	ssyncset.done $0x0  }
0x26e: {  	[sflag:s30] =	ssyncadd.s32 $0xFFFFFCE0  }
0x26f: {  	_ =	swait.ge [sflag:s30], $0x320  }
0x270: {  	[sflag:s30] =	ssyncset.done $0x0  }
0x271: {  	[sflag:s30] =	ssyncadd.s32 $0xFFFFFCE0  }
0x272: {  	_ =	swait.ge [sflag:s30], $0x320  }
0x273: {  	[sflag:s30] =	ssyncset.done $0x0  }
0x274: {  	[sflag:s30] =	ssyncadd.s32 $0xFFFFFCE0  }
0x275: {  	_ =	swait.ge [sflag:s30], $0x320  }
0x276: {  	[sflag:s30] =	ssyncset.done $0x0  }
0x277: {  	s4 =	simm.s32 $0x149F0;
	[sflag:s30] =	ssyncadd.s32 $0xFFFFFCE0  }
0x278: {  	v4 =	vld [tilespmem:s4+$0x30]  }
0x279: {  	v5 =	vld [tilespmem:s4+$0xFFFFFFD0];
	_ =	sdelay $0x1  }
0x27a: {  	v7 =	vld [tilespmem:s4+$0xFFFFFFF0]  }
0x27b: {  	v6 =	vld [tilespmem:s4+$0xFFFFFFE0]  }
0x27c: {  	v8 =	vld [tilespmem:s4+$0x0];
	vm0 =	vlt.s32 v4, $0xFA00  }
0x27d: {  	s21 =	simm.s32 $0x1DFF0;
	v10 =	vld [tilespmem:s4+$0xFFFFFFC0];
	vm1 =	vlt.s32 v5, $0xFA00;
	v9 =	vnsel vm0, $0xFFFFFFFF, v4  }
0x27e: {  	v63 =	vld [tilespmem:s4+$0x20];
	v11 =	vnsel vm1, $0xFFFFFFFF, v5;
	[tilespmem:s21+$0x30] =	vst v9  }
0x27f: {  	s24 =	simm.s32 $0x1EC70;
	vm12 =	vlt.s32 v7, $0xFA00;
	v4 =	vsel vm0, $0xFFFFFFFF, v4;
	[tilespmem:s21+$0xFFFFFFD0] =	vst v11  }
0x280: {  	v9 =	vld [tilespmem:s4+$0x10];
	v11 =	vnsel vm12, $0xFFFFFFFF, v7;
	[tilespmem:s24+$0x30] =	vst v4  }
0x281: {  	vm11 =	vlt.s32 v6, $0xFA00;
	v4 =	vsel vm1, $0xFFFFFFFF, v5;
	[tilespmem:s21+$0xFFFFFFF0] =	vst v11  }
0x282: {  	vm13 =	vlt.s32 v8, $0xFA00;
	vm14 =	vlt.s32 v10, $0xFA00;
	v5 =	vnsel vm11, $0xFFFFFFFF, v6;
	[tilespmem:s24+$0xFFFFFFD0] =	vst v4  }
0x283: {  	vm15 =	vlt.s32 v63, $0xFA00;
	v6 =	vsel vm11, $0xFFFFFFFF, v6;
	v11 =	vsel vm14, $0xFFFFFFFF, v10;
	[tilespmem:s21+$0xFFFFFFE0] =	vst v5  }
0x284: {  	v4 =	vnsel vm13, $0xFFFFFFFF, v8;
	[tilespmem:s24+$0xFFFFFFE0] =	vst v6;
	v6 =	vsel vm13, $0xFFFFFFFF, v8;
	v8 =	vnsel vm14, $0xFFFFFFFF, v10  }
0x285: {  	s12 =	simm.s32 $0x14CB0;
	s11 =	simm.s32 $0x1EF30;
	v5 =	vsel vm12, $0xFFFFFFFF, v7;
	[tilespmem:s21+$0xFFFFFFC0] =	vst v8;
	v8 =	vnsel vm15, $0xFFFFFFFF, v63;
	vm2 =	vlt.s32 v9, $0xFA00  }
0x286: {  	s14 =	simm.s32 $0x1E2B0;
	s10 =	simm.s32 $0x14A70;
	s28 =	simm.s32 $0x0;
	[tilespmem:s24+$0xFFFFFFC0] =	vst v11;
	v7 =	vnsel vm2, $0xFFFFFFFF, v9;
	v10 =	vsel vm2, $0xFFFFFFFF, v9;
	v9 =	vsel vm15, $0xFFFFFFFF, v63  }
.LBB2_32:
0x287: {  	v11 =	vld [tilespmem:s10+$0x30];
	[tilespmem:s24+$0xFFFFFFF0] =	vst v5  }
0x288: {  	s28 =	sadd.s32 $0x80, s28;
	v5 =	vld [tilespmem:s10+$0xFFFFFFD0];
	[tilespmem:s21+$0x0] =	vst v4  }
0x289: {  	p0 =	slt.u32 s28, $0x280;
	v4 =	vld [tilespmem:s10+$0xFFFFFFE0];
	[tilespmem:s24+$0x0] =	vst v6  }
0x28a: {  	v6 =	vld [tilespmem:s10+$0xFFFFFFF0];
	[tilespmem:s21+$0x10] =	vst v7  }
0x28b: {  	v7 =	vld [tilespmem:s10+$0x0];
	[tilespmem:s24+$0x10] =	vst v10  }
0x28c: {  	v10 =	vld [tilespmem:s10+$0x10];
	vm0 =	vlt.s32 v11, $0xFA00;
	[tilespmem:s21+$0x20] =	vst v8  }
0x28d: {  	s21 =	sadd.s32 $0x80, s21;
	vm1 =	vlt.s32 v5, $0xFA00;
	v12 =	vld [tilespmem:s10+$0x20];
	v8 =	vnsel vm0, $0xFFFFFFFF, v11;
	[tilespmem:s24+$0x20] =	vst v9  }
0x28e: {  	s24 =	sadd.s32 $0x80, s24;
	v9 =	vld [tilespmem:s10+$0xFFFFFFC0];
	v13 =	vnsel vm1, $0xFFFFFFFF, v5;
	vm2 =	vlt.s32 v4, $0xFA00;
	[tilespmem:s21+$0x30] =	vst v8;
	v8 =	vsel vm0, $0xFFFFFFFF, v11  }
0x28f: {  	s4 =	simm.s32 $0x2F0;
	v5 =	vsel vm1, $0xFFFFFFFF, v5;
	v11 =	vnsel vm2, $0xFFFFFFFF, v4;
	vm0 =	vlt.s32 v6, $0xFA00;
	[tilespmem:s24+$0x30] =	vst v8  }
0x290: {  	v8 =	vsel vm2, $0xFFFFFFFF, v4;
	[tilespmem:s21+$0xFFFFFFD0] =	vst v13;
	v13 =	vnsel vm0, $0xFFFFFFFF, v6;
	vm1 =	vlt.s32 v7, $0xFA00  }
0x291: {  	[tilespmem:s24+$0xFFFFFFD0] =	vst v5;
	v5 =	vsel vm0, $0xFFFFFFFF, v6;
	v4 =	vnsel vm1, $0xFFFFFFFF, v7;
	vm0 =	vlt.s32 v10, $0xFA00  }
.Ltmp15:
0x292: {  	v6 =	vsel vm1, $0xFFFFFFFF, v7;
	[tilespmem:s21+$0xFFFFFFE0] =	vst v11;
	v7 =	vnsel vm0, $0xFFFFFFFF, v10;
	vm1 =	vlt.s32 v12, $0xFA00;
	(pc) =	sbr.rel @p0 .LBB2_32-.Ltmp15, $4  }
0x293: {  	v10 =	vsel vm0, $0xFFFFFFFF, v10;
	vm2 =	vlt.s32 v9, $0xFA00;
	[tilespmem:s24+$0xFFFFFFE0] =	vst v8;
	v8 =	vnsel vm1, $0xFFFFFFFF, v12  }
0x294: {  	v11 =	vnsel vm2, $0xFFFFFFFF, v9;
	v14 =	vsel vm2, $0xFFFFFFFF, v9;
	[tilespmem:s21+$0xFFFFFFF0] =	vst v13;
	v9 =	vsel vm1, $0xFFFFFFFF, v12  }
0x295: {  	[tilespmem:s21+$0xFFFFFFC0] =	vst v11  }
0x296: {  	s10 =	sadd.s32 $0x80, s10;
	[tilespmem:s24+$0xFFFFFFC0] =	vst v14  }
0x297: {  	[tilespmem:s24+$0xFFFFFFF0] =	vst v5  }
0x298: {  	[tilespmem:s21+$0x0] =	vst v4  }
0x299: {  	[tilespmem:s21+$0x10] =	vst v7  }
0x29a: {  	[tilespmem:s21+$0x20] =	vst v8  }
0x29b: {  	[tilespmem:s24+$0x0] =	vst v6  }
0x29c: {  	[tilespmem:s24+$0x10] =	vst v10  }
0x29d: {  	[tilespmem:s24+$0x20] =	vst v9  }
.LBB2_34:
0x29e: {  	v4 =	vld [tilespmem:s12+$0x0];
	_ =	sdelay $0x1  }
0x29f: {  	s4 =	sadd.s32 $0x10, s4  }
0x2a0: {  	p0 =	slt.u32 s4, $0x310  }
.Ltmp16:
0x2a1: {  	_ = 	snop;
	(pc) =	sbr.rel @p0 .LBB2_34-.Ltmp16, $4  }
0x2a2: {  	vm0 =	vlt.s32 v4, $0xFA00  }
0x2a3: {  	v5 =	vnsel vm0, $0xFFFFFFFF, v4  }
0x2a4: {  	v4 =	vsel vm0, $0xFFFFFFFF, v4;
	[tilespmem:s14+$0x0] =	vst v5  }
0x2a5: {  	s12 =	sadd.s32 $0x10, s12;
	s14 =	sadd.s32 $0x10, s14;
	[tilespmem:s11+$0x0] =	vst v4;
	s11 =	sadd.s32 $0x10, s11  }
0x2a6: {  	(ifvalue) =	ssetifvalue $0xFFFFFFFF  }
0x2a7: {  	s4 =	simm.s32 $0x1DFB0;
	(ifvalue) =	ssetifvalue $0xFFFFFFFF  }
0x2a8: {  	[tilespmem:s31], [sflag:$0x8] =	stream.indirect.gather [spmem:s7], $0x8, s4, s23, $0x40b8;
	[tilespmem:$0x1EF50] =	vst v63  }
0x2a9: {  	(ifvalue) =	ssetifvalue $0xFFFFFFFF  }
0x2aa: {  	s28 =	simm.s32 $0x1EC30;
	s11 =	simm.s32 $0x162F0;
	(ifvalue) =	ssetifvalue $0xFFFFFFFF  }
0x2ab: {  	[tilespmem:s31], [sflag:$0xC] =	stream.indirect.gather [hbm4b:s0+s23], $0x8, s28, s23, $0x40b8;
	[tilespmem:$0x1EF50] =	vst v63  }
0x2ac: {  	s12 =	simm.s32 $0x16F70;
	v5 =	vld [tilespmem:s11+$0x30]  }
0x2ad: {  	v6 =	vld [tilespmem:s12+$0x30]  }
0x2ae: {  	v4 =	vld [tilespmem:s12+$0xFFFFFFC0]  }
0x2af: {  	v7 =	vld [tilespmem:s11+$0xFFFFFFD0]  }
0x2b0: {  	v8 =	vld [tilespmem:s12+$0xFFFFFFD0]  }
0x2b1: {  	v9 =	vld [tilespmem:s11+$0xFFFFFFE0]  }
0x2b2: {  	v10 =	vld [tilespmem:s12+$0xFFFFFFE0]  }
0x2b3: {  	v11 =	vld [tilespmem:s11+$0xFFFFFFF0]  }
0x2b4: {  	v12 =	vld [tilespmem:s12+$0xFFFFFFF0]  }
0x2b5: {  	v13 =	vld [tilespmem:s11+$0x0]  }
0x2b6: {  	v14 =	vld [tilespmem:s12+$0x0];
	v6 =	vmul.f32 v6, v5  }
0x2b7: {  	v8 =	vmul.f32 v8, v7;
	v5 =	vld [tilespmem:s11+$0x10]  }
0x2b8: {  	v9 =	vmul.f32 v10, v9;
	v7 =	vld [tilespmem:s12+$0x10];
	[tilespmem:s11+$0x30] =	vst v6  }
0x2b9: {  	v10 =	vmul.f32 v12, v11;
	[tilespmem:s11+$0xFFFFFFD0] =	vst v8;
	v6 =	vld [tilespmem:s11+$0x20]  }
0x2ba: {  	s10 =	simm.s32 $0x0;
	[tilespmem:s11+$0xFFFFFFE0] =	vst v9;
	v8 =	vld [tilespmem:s12+$0x20]  }
0x2bb: {  	s14 =	simm.s32 $0x17230;
	s21 =	simm.s32 $0x165B0;
	s24 =	simm.s32 $0x16370;
	v9 =	vld [tilespmem:s11+$0xFFFFFFC0];
	[tilespmem:s11+$0xFFFFFFF0] =	vst v10;
	v10 =	vmul.f32 v14, v13  }
.LBB2_36:
0x2bc: {  	v11 =	vld [tilespmem:s24+$0x30];
	s12 =	sadd.s32 $0x80, s12  }
0x2bd: {  	s10 =	sadd.s32 $0x80, s10;
	v12 =	vld [tilespmem:s12+$0x30];
	[tilespmem:s11+$0x0] =	vst v10;
	v5 =	vmul.f32 v7, v5  }
0x2be: {  	p0 =	slt.u32 s10, $0x280;
	v7 =	vld [tilespmem:s12+$0xFFFFFFC0]  }
0x2bf: {  	v10 =	vld [tilespmem:s24+$0xFFFFFFD0];
	[tilespmem:s11+$0x10] =	vst v5;
	v5 =	vmul.f32 v8, v6  }
0x2c0: {  	v6 =	vld [tilespmem:s12+$0xFFFFFFD0];
	v13 =	vmul.f32 v4, v9  }
0x2c1: {  	v8 =	vld [tilespmem:s24+$0xFFFFFFE0];
	[tilespmem:s11+$0x20] =	vst v5  }
0x2c2: {  	v5 =	vld [tilespmem:s12+$0xFFFFFFE0];
	v9 =	vmul.f32 v12, v11;
	[tilespmem:s11+$0xFFFFFFC0] =	vst v13;
	s11 =	smov.u32 s24  }
0x2c3: {  	v11 =	vld [tilespmem:s24+$0xFFFFFFF0];
	v4 =	vmov v7  }
0x2c4: {  	s4 =	simm.s32 $0x2F0;
	v12 =	vld [tilespmem:s12+$0xFFFFFFF0];
	[tilespmem:s24+$0x30] =	vst v9  }
0x2c5: {  	v6 =	vmul.f32 v6, v10;
	v10 =	vld [tilespmem:s24+$0x0]  }
0x2c6: {  	v13 =	vld [tilespmem:s12+$0x0]  }
.Ltmp17:
0x2c7: {  	[tilespmem:s24+$0xFFFFFFD0] =	vst v6;
	v6 =	vmul.f32 v5, v8;
	v5 =	vld [tilespmem:s24+$0x10];
	(pc) =	sbr.rel @p0 .LBB2_36-.Ltmp17, $4  }
0x2c8: {  	v7 =	vld [tilespmem:s12+$0x10]  }
0x2c9: {  	[tilespmem:s24+$0xFFFFFFE0] =	vst v6;
	v11 =	vmul.f32 v12, v11;
	v6 =	vld [tilespmem:s24+$0x20]  }
0x2ca: {  	v8 =	vld [tilespmem:s12+$0x20]  }
0x2cb: {  	s24 =	sadd.s32 $0x80, s24;
	v9 =	vld [tilespmem:s11+$0xFFFFFFC0];
	[tilespmem:s11+$0xFFFFFFF0] =	vst v11;
	v10 =	vmul.f32 v13, v10  }
0x2cc: {  	_ =	sdelay $0x1  }
0x2cd: {  	v5 =	vmul.f32 v7, v5  }
0x2ce: {  	[tilespmem:s11+$0x0] =	vst v10;
	v6 =	vmul.f32 v8, v6  }
0x2cf: {  	[tilespmem:s11+$0x10] =	vst v5;
	v4 =	vmul.f32 v4, v9  }
0x2d0: {  	[tilespmem:s11+$0x20] =	vst v6  }
0x2d1: {  	[tilespmem:s11+$0xFFFFFFC0] =	vst v4  }
.LBB2_38:
0x2d2: {  	v4 =	vld [tilespmem:s21+$0x0]  }
0x2d3: {  	v5 =	vld [tilespmem:s14+$0x0]  }
0x2d4: {  	s4 =	sadd.s32 $0x10, s4  }
0x2d5: {  	p0 =	slt.u32 s4, $0x310  }
.Ltmp18:
0x2d6: {  	_ = 	snop;
	(pc) =	sbr.rel @p0 .LBB2_38-.Ltmp18, $3  }
0x2d7: {  	_ = 	snop  }
0x2d8: {  	v4 =	vmul.f32 v5, v4;
	_ =	sdelay $0x1  }
0x2d9: {  	s14 =	sadd.s32 $0x10, s14;
	[tilespmem:s21+$0x0] =	vst v4;
	s21 =	sadd.s32 $0x10, s21  }
0x2da: {  	s10 =	simm.s32 $0xD  }
0x2db: {  	_ =	swait.ge [sflag:s10], $0x1900  }
0x2dc: {  	s4 =	rddreg [dreg:$0x1c]  }
0x2dd: {  	s4 =	sadd.s32 s6, s4  }
0x2de: {  	[sflag:s10] =	ssyncset.done $0x0;
	s4 =	sshrl.u32 s4, $0x3  }
0x2df: {  	s11 =	simm.s32 $0x14050;
	[sflag:s10] =	ssyncadd.s32 $0xFFFFE700;
	s12 =	sadd.s32 s1, s4  }
0x2e0: {  	[tilespmem:s11], [sflag:$0x1] =	stream.linear.gather [hbm4b:s12+s9], $0x320, $0x38;
	[tilespmem:$0x1EF50] =	vst v63  }
0x2e1: {  	s21 =	simm.s32 $0x14CD0;
	s14 =	sadd.s32 s2, s4  }
0x2e2: {  	[tilespmem:s21], [sflag:$0x1] =	stream.linear.gather [hbm4b:s14+s9], $0x320, $0x38;
	[tilespmem:$0x1EF50] =	vst v63  }
0x2e3: {  	s24 =	sadd.s32 s3, s4  }
0x2e4: {  	[tilespmem:s13], [sflag:$0x1] =	stream.linear.gather [hbm4b:s24+s9], $0x320, $0x38;
	[tilespmem:$0x1EF50] =	vst v63  }
0x2e5: {  	s28 =	simm.s32 $0x165D0;
	s4 =	sadd.s32 s5, s4;
	s12 =	simm.s32 $0x7  }
0x2e6: {  	[tilespmem:s28], [sflag:$0x1] =	stream.linear.gather [hbm4b:s4+s9], $0x320, $0x38;
	[tilespmem:$0x1EF50] =	vst v63  }
0x2e7: {  	s10 =	simm.s32 $0xE;
	_ =	swait.ge [sflag:s12], $0x1900  }
0x2e8: {  	v4 =	vor.u32 s10, v0;
	s11 =	simm.s32 $0x2;
	s14 =	simm.s32 $0xC;
	[sflag:s12] =	ssyncset.done $0x0  }
0x2e9: {  	v5 =	vor.u32 s11, v0;
	s21 =	simm.s32 $0xB;
	v6 =	vor.u32 s14, v0;
	[sflag:s12] =	ssyncadd.s32 $0xFFFFE700  }
0x2ea: {  	v7 =	vshll.u32 v6, $0x3;
	_ =	swait.ge [sflag:s21], $0x1900  }
0x2eb: {  	s24 =	simm.s32 $0x0;
	v7 =	vor.u32 v2, v7;
	[sflag:s21] =	ssyncset.done $0x0  }
0x2ec: {  	v8 =	vor.u32 s24, v0;
	s28 =	simm.s32 $0x4;
	[sflag:s21] =	ssyncadd.s32 $0xFFFFE700  }
0x2ed: {  	v10 =	vshll.u32 v8, $0x3;
	v9 =	vor.u32 s28, v0;
	v18 =	vld.idx.msk [tilespmem:v4+s19+$0x0], $0xffff  }
0x2ee: {  	v11 =	vshll.u32 v5, $0x3;
	v17 =	vor.u32 v2, v10;
	v16 =	vld.idx.msk [tilespmem:v5+s19+$0x0], $0xffff  }
0x2ef: {  	v20 =	vor.u32 v2, v11;
	s14 =	simm.s32 $0xA;
	v10 =	vshll.u32 v9, $0x3;
	v6 =	vld.idx.msk [tilespmem:v6+s19+$0x0], $0xffff  }
0x2f0: {  	v14 =	vor.u32 s14, v0;
	s28 =	simm.s32 $0x1C;
	v21 =	vor.u32 v2, v10;
	v10 =	vld.idx.msk [tilespmem:v7+s18+$0x0], $0xffff  }
0x2f1: {  	v31 =	vor.u32 s28, v0;
	s12 =	simm.s32 $0x8;
	v8 =	vld.idx.msk [tilespmem:v8+s19+$0x0], $0xffff  }
0x2f2: {  	v11 =	vor.u32 s12, v0;
	v19 =	vld.idx.msk [tilespmem:v9+s19+$0x0], $0xffff  }
0x2f3: {  	v13 =	vshll.u32 v11, $0x3;
	v15 =	vld.idx.msk [tilespmem:v17+s18+$0x0], $0xffff  }
0x2f4: {  	s11 =	simm.s32 $0x6;
	v24 =	vor.u32 v2, v13;
	v23 =	vld.idx.msk [tilespmem:v20+s18+$0x0], $0xffff  }
0x2f5: {  	s21 =	simm.s32 $0x1E;
	v5 =	vor.u32 s11, v0;
	v36 =	vld.idx.msk [tilespmem:v14+s19+$0x0], $0xffff  }
0x2f6: {  	s12 =	simm.s32 $0x10;
	v29 =	vor.u32 s21, v0;
	v9 =	vshll.u32 v31, $0x3;
	v31 =	vld.idx.msk [tilespmem:v31+s19+$0x0], $0xffff  }
0x2f7: {  	s14 =	simm.s32 $0x14;
	v35 =	vor.u32 s12, v0;
	v25 =	vld.idx.msk [tilespmem:v21+s18+$0x0], $0xffff  }
0x2f8: {  	v37 =	vor.u32 s14, v0;
	v4 =	vshll.u32 v4, $0x3;
	v34 =	vld.idx.msk [tilespmem:v11+s19+$0x0], $0xffff  }
0x2f9: {  	v12 =	vshll.u32 v5, $0x3;
	v4 =	vor.u32 v2, v4;
	v27 =	vld.idx.msk [tilespmem:v24+s18+$0x0], $0xffff  }
0x2fa: {  	v22 =	vor.u32 v2, v12;
	v12 =	vshll.u32 v14, $0x3;
	v33 =	vld.idx.msk [tilespmem:v5+s19+$0x0], $0xffff  }
0x2fb: {  	s24 =	simm.s32 $0x12;
	v28 =	vor.u32 v2, v12;
	v5 =	vld.idx.msk [tilespmem:v29+s19+$0x0], $0xffff  }
0x2fc: {  	v12 =	vor.u32 s24, v0;
	v40 =	vmul.f32 v15, v8;
	v15 =	vld.idx.msk [tilespmem:v35+s19+$0x0], $0xffff  }
0x2fd: {  	v13 =	vor.u32 v2, v9;
	v9 =	vshll.u32 v35, $0x3;
	v23 =	vmul.f32 v23, v16;
	v16 =	vld.idx.msk [tilespmem:v37+s19+$0x0], $0xffff  }
0x2fe: {  	s21 =	simm.s32 $0x16;
	v9 =	vor.u32 v2, v9;
	v10 =	vmul.f32 v10, v6;
	v32 =	vld.idx.msk [tilespmem:v4+s18+$0x0], $0xffff  }
0x2ff: {  	v11 =	vshll.u32 v12, $0x3;
	v6 =	vor.u32 s21, v0;
	v26 =	vld.idx.msk [tilespmem:v22+s18+$0x0], $0xffff  }
0x300: {  	s24 =	simm.s32 $0x18;
	v38 =	vshll.u32 v6, $0x3;
	[tilespmem:v7+s18+$0x0] =	vst.idx.msk $0xffff, v10;
	v7 =	vshll.u32 v37, $0x3;
	v10 =	vor.u32 v2, v11;
	v30 =	vld.idx.msk [tilespmem:v28+s18+$0x0], $0xffff  }
0x301: {  	s28 =	simm.s32 $0x1A;
	v25 =	vmul.f32 v25, v19;
	v14 =	vld.idx.msk [tilespmem:v12+s19+$0x0], $0xffff;
	v12 =	vor.u32 s24, v0;
	v11 =	vor.u32 v2, v7  }
0x302: {  	v39 =	vld.idx.msk [tilespmem:v13+s18+$0x0], $0xffff;
	[tilespmem:v17+s18+$0x0] =	vst.idx.msk $0xffff, v40;
	v17 =	vor.u32 s28, v0;
	v7 =	vor.u32 v2, v38;
	v8 =	vshll.u32 v12, $0x3  }
0x303: {  	v19 =	vld.idx.msk [tilespmem:v9+s18+$0x0], $0xffff;
	[tilespmem:v21+s18+$0x0] =	vst.idx.msk $0xffff, v25;
	v25 =	vshll.u32 v17, $0x3;
	v8 =	vor.u32 v2, v8  }
0x304: {  	[tilespmem:v20+s18+$0x0] =	vst.idx.msk $0xffff, v23;
	v23 =	vshll.u32 v29, $0x3;
	v27 =	vmul.f32 v27, v34;
	v25 =	vor.u32 v2, v25  }
0x305: {  	v23 =	vor.u32 v2, v23;
	v26 =	vmul.f32 v26, v33;
	v20 =	vld.idx.msk [tilespmem:v10+s18+$0x0], $0xffff  }
0x306: {  	[tilespmem:v24+s18+$0x0] =	vst.idx.msk $0xffff, v27;
	v29 =	vmul.f32 v30, v36;
	v21 =	vld.idx.msk [tilespmem:v11+s18+$0x0], $0xffff  }
0x307: {  	v27 =	vmul.f32 v39, v31;
	[tilespmem:v22+s18+$0x0] =	vst.idx.msk $0xffff, v26;
	v22 =	vld.idx.msk [tilespmem:v7+s18+$0x0], $0xffff  }
0x308: {  	s12 =	simm.s32 $0x2E;
	s11 =	simm.s32 $0x8;
	v26 =	vmul.f32 v32, v18;
	v18 =	vmov v25;
	v24 =	vld.idx.msk [tilespmem:v8+s18+$0x0], $0xffff;
	[tilespmem:v28+s18+$0x0] =	vst.idx.msk $0xffff, v29  }
.LBB2_40:
0x309: {  	s4 =	sadd.s32 $0xFFFFFFF4, s12;
	s10 =	sadd.s32 $0xFFFFFFFE, s12;
	v28 =	vor.u32 s12, v0;
	s11 =	sadd.s32 $0x8, s11;
	v29 =	vld.idx.msk [tilespmem:v25+s18+$0x0], $0xffff;
	[tilespmem:v13+s18+$0x0] =	vst.idx.msk $0xffff, v27  }
0x30a: {  	s14 =	sadd.s32 $0xFFFFFFF8, s12;
	v25 =	vor.u32 s4, v0;
	s4 =	sadd.s32 $0xFFFFFFF6, s12;
	v27 =	vor.u32 s10, v0;
	v30 =	vshll.u32 v28, $0x3;
	p0 =	slt.u32 s11, $0x188;
	v31 =	vld.idx.msk [tilespmem:v23+s18+$0x0], $0xffff;
	[tilespmem:v4+s18+$0x0] =	vst.idx.msk $0xffff, v26;
	v4 =	vmovc v23  }
0x30b: {  	s21 =	sadd.s32 $0xFFFFFFFC, s12;
	s10 =	sadd.s32 $0xFFFFFFF2, s12;
	v26 =	vor.u32 s4, v0;
	s4 =	sadd.s32 $0xFFFFFFFA, s12;
	v13 =	vshll.u32 v27, $0x3;
	v32 =	vld.idx.msk [tilespmem:v6+s19+$0x0], $0xffff;
	v6 =	vor.u32 s14, v0  }
0x30c: {  	v33 =	vor.u32 s10, v0;
	v13 =	vor.u32 v2, v13;
	v34 =	vld.idx.msk [tilespmem:v12+s19+$0x0], $0xffff;
	v12 =	vor.u32 s4, v0  }
0x30d: {  	v35 =	vshll.u32 v25, $0x3;
	v23 =	vshll.u32 v33, $0x3;
	v36 =	vld.idx.msk [tilespmem:v17+s19+$0x0], $0xffff;
	v17 =	vor.u32 s21, v0  }
0x30e: {  	v37 =	vshll.u32 v26, $0x3;
	v38 =	vshll.u32 v6, $0x3;
	v39 =	vshll.u32 v12, $0x3;
	v28 =	vld.idx.msk [tilespmem:v28+s19+$0x0], $0xffff  }
0x30f: {  	v35 =	vor.u32 v2, v35;
	v40 =	vor.u32 v2, v23;
	v23 =	vshll.u32 v17, $0x3;
	v41 =	vld.idx.msk [tilespmem:v25+s19+$0x0], $0xffff  }
0x310: {  	v37 =	vor.u32 v2, v37;
	v38 =	vor.u32 v2, v38;
	v39 =	vor.u32 v2, v39;
	v27 =	vld.idx.msk [tilespmem:v27+s19+$0x0], $0xffff  }
0x311: {  	v19 =	vmul.f32 v19, v15;
	v25 =	vor.u32 v2, v23;
	v23 =	vor.u32 v2, v30;
	v42 =	vld.idx.msk [tilespmem:v13+s18+$0x0], $0xffff  }
0x312: {  	v21 =	vmul.f32 v21, v16;
	v30 =	vmul.f32 v20, v14;
	v15 =	vld.idx.msk [tilespmem:v33+s19+$0x0], $0xffff  }
0x313: {  	v22 =	vmul.f32 v22, v32;
	v24 =	vmul.f32 v24, v34;
	v16 =	vld.idx.msk [tilespmem:v26+s19+$0x0], $0xffff;
	[tilespmem:v9+s18+$0x0] =	vst.idx.msk $0xffff, v19  }
.Ltmp19:
0x314: {  	v29 =	vmul.f32 v29, v36;
	v26 =	vmul.f32 v31, v5;
	v19 =	vld.idx.msk [tilespmem:v40+s18+$0x0], $0xffff;
	[tilespmem:v10+s18+$0x0] =	vst.idx.msk $0xffff, v30;
	(pc) =	sbr.rel @p0 .LBB2_40-.Ltmp19, $4  }
0x315: {  	v5 =	vmovc v28;
	v9 =	vmov v40;
	v14 =	vmov v41;
	v10 =	vmov v35;
	v20 =	vld.idx.msk [tilespmem:v35+s18+$0x0], $0xffff;
	[tilespmem:v11+s18+$0x0] =	vst.idx.msk $0xffff, v21  }
0x316: {  	v11 =	vmov v37;
	v21 =	vld.idx.msk [tilespmem:v37+s18+$0x0], $0xffff;
	[tilespmem:v7+s18+$0x0] =	vst.idx.msk $0xffff, v22;
	v7 =	vmov v38  }
0x317: {  	v27 =	vmul.f32 v42, v27;
	v22 =	vld.idx.msk [tilespmem:v38+s18+$0x0], $0xffff;
	[tilespmem:v8+s18+$0x0] =	vst.idx.msk $0xffff, v24;
	v8 =	vmov v39  }
0x318: {  	s12 =	sadd.s32 $0x10, s12;
	v24 =	vld.idx.msk [tilespmem:v39+s18+$0x0], $0xffff;
	[tilespmem:v18+s18+$0x0] =	vst.idx.msk $0xffff, v29;
	v18 =	vmov v25  }
0x319: {  	_ =	sdelay $0x3  }
0x31a: {  	v25 =	vld.idx.msk [tilespmem:v25+s18+$0x0], $0xffff  }
0x31b: {  	v6 =	vld.idx.msk [tilespmem:v6+s19+$0x0], $0xffff  }
0x31c: {  	v12 =	vld.idx.msk [tilespmem:v12+s19+$0x0], $0xffff  }
0x31d: {  	[tilespmem:v13+s18+$0x0] =	vst.idx.msk $0xffff, v27;
	v60 =	vld.idx.msk [tilespmem:v17+s19+$0x0], $0xffff;
	v15 =	vmul.f32 v19, v15  }
0x31e: {  	v61 =	vld.idx.msk [tilespmem:v23+s18+$0x0], $0xffff;
	[tilespmem:v4+s18+$0x0] =	vst.idx.msk $0xffff, v26;
	v4 =	vmul.f32 v20, v14  }
0x31f: {  	v62 =	vmul.f32 v21, v16;
	[tilespmem:v9+s18+$0x0] =	vst.idx.msk $0xffff, v15  }
0x320: {  	[tilespmem:v10+s18+$0x0] =	vst.idx.msk $0xffff, v4;
	v6 =	vmul.f32 v22, v6  }
0x321: {  	[tilespmem:v11+s18+$0x0] =	vst.idx.msk $0xffff, v62;
	v4 =	vmul.f32 v24, v12  }
0x322: {  	v9 =	vmul.f32 v25, v60;
	[tilespmem:v7+s18+$0x0] =	vst.idx.msk $0xffff, v6  }
0x323: {  	v5 =	vmul.f32 v61, v5;
	[tilespmem:v8+s18+$0x0] =	vst.idx.msk $0xffff, v4  }
0x324: {  	[tilespmem:v18+s18+$0x0] =	vst.idx.msk $0xffff, v9  }
0x325: {  	s4 =	simm.s32 $0x15310;
	[tilespmem:v23+s18+$0x0] =	vst.idx.msk $0xffff, v5  }
0x326: {  	[spmem:s8] =	stream.indirect.scatter.add.f32 [tilespmem:s18], [sflag:$0xF], $0x8, s4, s23, $0xb8;
	[tilespmem:$0x1EF50] =	vst v63  }
0x327: {  	_ =	swait.ge [sflag:s22], $0x320  }
0x328: {  	[sflag:s22] =	ssyncset.done $0x0  }
0x329: {  	[sflag:s22] =	ssyncadd.s32 $0xFFFFFCE0  }
0x32a: {  	_ =	swait.ge [sflag:s22], $0x320  }
0x32b: {  	[sflag:s22] =	ssyncset.done $0x0  }
0x32c: {  	[sflag:s22] =	ssyncadd.s32 $0xFFFFFCE0  }
0x32d: {  	_ =	swait.ge [sflag:s22], $0x320  }
0x32e: {  	[sflag:s22] =	ssyncset.done $0x0  }
0x32f: {  	[sflag:s22] =	ssyncadd.s32 $0xFFFFFCE0  }
0x330: {  	_ =	swait.ge [sflag:s22], $0x320  }
0x331: {  	[sflag:s22] =	ssyncset.done $0x0  }
0x332: {  	s28 =	simm.s32 $0x14090;
	[sflag:s22] =	ssyncadd.s32 $0xFFFFFCE0  }
0x333: {  	v4 =	vld [tilespmem:s28+$0x30]  }
0x334: {  	v5 =	vld [tilespmem:s28+$0xFFFFFFD0];
	_ =	sdelay $0x1  }
0x335: {  	v7 =	vld [tilespmem:s28+$0xFFFFFFF0]  }
0x336: {  	v6 =	vld [tilespmem:s28+$0xFFFFFFE0]  }
0x337: {  	v8 =	vld [tilespmem:s28+$0x0];
	vm0 =	vlt.s32 v4, $0xFA00  }
0x338: {  	s21 =	simm.s32 $0x1D690;
	v10 =	vld [tilespmem:s28+$0xFFFFFFC0];
	vm1 =	vlt.s32 v5, $0xFA00;
	v9 =	vnsel vm0, $0xFFFFFFFF, v4  }
0x339: {  	v63 =	vld [tilespmem:s28+$0x20];
	v11 =	vnsel vm1, $0xFFFFFFFF, v5;
	[tilespmem:s21+$0x30] =	vst v9  }
0x33a: {  	s24 =	simm.s32 $0x1E310;
	vm12 =	vlt.s32 v7, $0xFA00;
	v4 =	vsel vm0, $0xFFFFFFFF, v4;
	[tilespmem:s21+$0xFFFFFFD0] =	vst v11  }
0x33b: {  	v9 =	vld [tilespmem:s28+$0x10];
	v11 =	vnsel vm12, $0xFFFFFFFF, v7;
	[tilespmem:s24+$0x30] =	vst v4  }
0x33c: {  	vm11 =	vlt.s32 v6, $0xFA00;
	v4 =	vsel vm1, $0xFFFFFFFF, v5;
	[tilespmem:s21+$0xFFFFFFF0] =	vst v11  }
0x33d: {  	vm13 =	vlt.s32 v8, $0xFA00;
	vm14 =	vlt.s32 v10, $0xFA00;
	v5 =	vnsel vm11, $0xFFFFFFFF, v6;
	[tilespmem:s24+$0xFFFFFFD0] =	vst v4  }
0x33e: {  	vm15 =	vlt.s32 v63, $0xFA00;
	v6 =	vsel vm11, $0xFFFFFFFF, v6;
	v11 =	vsel vm14, $0xFFFFFFFF, v10;
	[tilespmem:s21+$0xFFFFFFE0] =	vst v5  }
0x33f: {  	v4 =	vnsel vm13, $0xFFFFFFFF, v8;
	[tilespmem:s24+$0xFFFFFFE0] =	vst v6;
	v6 =	vsel vm13, $0xFFFFFFFF, v8;
	v8 =	vnsel vm14, $0xFFFFFFFF, v10  }
0x340: {  	v5 =	vsel vm12, $0xFFFFFFFF, v7;
	[tilespmem:s21+$0xFFFFFFC0] =	vst v8;
	v8 =	vnsel vm15, $0xFFFFFFFF, v63;
	vm2 =	vlt.s32 v9, $0xFA00  }
0x341: {  	s11 =	simm.s32 $0x0;
	s12 =	simm.s32 $0x14110;
	[tilespmem:s24+$0xFFFFFFC0] =	vst v11;
	v7 =	vnsel vm2, $0xFFFFFFFF, v9;
	v10 =	vsel vm2, $0xFFFFFFFF, v9;
	v9 =	vsel vm15, $0xFFFFFFFF, v63  }
.LBB2_42:
0x342: {  	v11 =	vld [tilespmem:s12+$0x30];
	[tilespmem:s24+$0xFFFFFFF0] =	vst v5  }
0x343: {  	s11 =	sadd.s32 $0x80, s11;
	v5 =	vld [tilespmem:s12+$0xFFFFFFD0];
	[tilespmem:s21+$0x0] =	vst v4  }
0x344: {  	p0 =	slt.u32 s11, $0x280;
	v4 =	vld [tilespmem:s12+$0xFFFFFFE0];
	[tilespmem:s24+$0x0] =	vst v6  }
0x345: {  	v6 =	vld [tilespmem:s12+$0xFFFFFFF0];
	[tilespmem:s21+$0x10] =	vst v7  }
0x346: {  	v7 =	vld [tilespmem:s12+$0x0];
	[tilespmem:s24+$0x10] =	vst v10  }
0x347: {  	v10 =	vld [tilespmem:s12+$0x10];
	vm0 =	vlt.s32 v11, $0xFA00;
	[tilespmem:s21+$0x20] =	vst v8  }
0x348: {  	s21 =	sadd.s32 $0x80, s21;
	vm1 =	vlt.s32 v5, $0xFA00;
	v12 =	vld [tilespmem:s12+$0x20];
	v8 =	vnsel vm0, $0xFFFFFFFF, v11;
	[tilespmem:s24+$0x20] =	vst v9  }
0x349: {  	s10 =	simm.s32 $0x14350;
	s24 =	sadd.s32 $0x80, s24;
	v9 =	vld [tilespmem:s12+$0xFFFFFFC0];
	v13 =	vnsel vm1, $0xFFFFFFFF, v5;
	vm2 =	vlt.s32 v4, $0xFA00;
	[tilespmem:s21+$0x30] =	vst v8;
	v8 =	vsel vm0, $0xFFFFFFFF, v11  }
0x34a: {  	s14 =	simm.s32 $0x2F0;
	s28 =	simm.s32 $0x1E5D0;
	s4 =	simm.s32 $0x1D950;
	v5 =	vsel vm1, $0xFFFFFFFF, v5;
	v11 =	vnsel vm2, $0xFFFFFFFF, v4;
	vm0 =	vlt.s32 v6, $0xFA00;
	[tilespmem:s24+$0x30] =	vst v8  }
0x34b: {  	v8 =	vsel vm2, $0xFFFFFFFF, v4;
	[tilespmem:s21+$0xFFFFFFD0] =	vst v13;
	v13 =	vnsel vm0, $0xFFFFFFFF, v6;
	vm1 =	vlt.s32 v7, $0xFA00  }
0x34c: {  	[tilespmem:s24+$0xFFFFFFD0] =	vst v5;
	v5 =	vsel vm0, $0xFFFFFFFF, v6;
	v4 =	vnsel vm1, $0xFFFFFFFF, v7;
	vm0 =	vlt.s32 v10, $0xFA00  }
.Ltmp20:
0x34d: {  	v6 =	vsel vm1, $0xFFFFFFFF, v7;
	[tilespmem:s21+$0xFFFFFFE0] =	vst v11;
	v7 =	vnsel vm0, $0xFFFFFFFF, v10;
	vm1 =	vlt.s32 v12, $0xFA00;
	(pc) =	sbr.rel @p0 .LBB2_42-.Ltmp20, $4  }
0x34e: {  	v10 =	vsel vm0, $0xFFFFFFFF, v10;
	vm2 =	vlt.s32 v9, $0xFA00;
	[tilespmem:s24+$0xFFFFFFE0] =	vst v8;
	v8 =	vnsel vm1, $0xFFFFFFFF, v12  }
0x34f: {  	v11 =	vnsel vm2, $0xFFFFFFFF, v9;
	v14 =	vsel vm2, $0xFFFFFFFF, v9;
	[tilespmem:s21+$0xFFFFFFF0] =	vst v13;
	v9 =	vsel vm1, $0xFFFFFFFF, v12  }
0x350: {  	[tilespmem:s21+$0xFFFFFFC0] =	vst v11  }
0x351: {  	s12 =	sadd.s32 $0x80, s12;
	[tilespmem:s24+$0xFFFFFFC0] =	vst v14  }
0x352: {  	[tilespmem:s24+$0xFFFFFFF0] =	vst v5  }
0x353: {  	[tilespmem:s21+$0x0] =	vst v4  }
0x354: {  	[tilespmem:s21+$0x10] =	vst v7  }
0x355: {  	[tilespmem:s21+$0x20] =	vst v8  }
0x356: {  	[tilespmem:s24+$0x0] =	vst v6  }
0x357: {  	[tilespmem:s24+$0x10] =	vst v10  }
0x358: {  	[tilespmem:s24+$0x20] =	vst v9  }
.LBB2_44:
0x359: {  	v4 =	vld [tilespmem:s10+$0x0];
	_ =	sdelay $0x1  }
0x35a: {  	s14 =	sadd.s32 $0x10, s14  }
0x35b: {  	p0 =	slt.u32 s14, $0x310  }
.Ltmp21:
0x35c: {  	_ = 	snop;
	(pc) =	sbr.rel @p0 .LBB2_44-.Ltmp21, $4  }
0x35d: {  	vm0 =	vlt.s32 v4, $0xFA00  }
0x35e: {  	v5 =	vnsel vm0, $0xFFFFFFFF, v4  }
0x35f: {  	v4 =	vsel vm0, $0xFFFFFFFF, v4;
	[tilespmem:s4+$0x0] =	vst v5  }
0x360: {  	s10 =	sadd.s32 $0x10, s10;
	s4 =	sadd.s32 $0x10, s4;
	[tilespmem:s28+$0x0] =	vst v4;
	s28 =	sadd.s32 $0x10, s28  }
0x361: {  	(ifvalue) =	ssetifvalue $0xFFFFFFFF  }
0x362: {  	s4 =	simm.s32 $0x1D650;
	(ifvalue) =	ssetifvalue $0xFFFFFFFF  }
0x363: {  	[tilespmem:s20], [sflag:$0x5] =	stream.indirect.gather [spmem:s7], $0x8, s4, s23, $0x40b8;
	[tilespmem:$0x1EF50] =	vst v63  }
0x364: {  	(ifvalue) =	ssetifvalue $0xFFFFFFFF  }
0x365: {  	s28 =	simm.s32 $0x1E2D0;
	s11 =	simm.s32 $0x15990;
	(ifvalue) =	ssetifvalue $0xFFFFFFFF  }
0x366: {  	[tilespmem:s20], [sflag:$0x9] =	stream.indirect.gather [hbm4b:s0+s23], $0x8, s28, s23, $0x40b8;
	[tilespmem:$0x1EF50] =	vst v63  }
0x367: {  	s12 =	simm.s32 $0x16610;
	v5 =	vld [tilespmem:s11+$0x30]  }
0x368: {  	v6 =	vld [tilespmem:s12+$0x30]  }
0x369: {  	v4 =	vld [tilespmem:s12+$0xFFFFFFC0]  }
0x36a: {  	v7 =	vld [tilespmem:s11+$0xFFFFFFD0]  }
0x36b: {  	v8 =	vld [tilespmem:s12+$0xFFFFFFD0]  }
0x36c: {  	v9 =	vld [tilespmem:s11+$0xFFFFFFE0]  }
0x36d: {  	v10 =	vld [tilespmem:s12+$0xFFFFFFE0]  }
0x36e: {  	v11 =	vld [tilespmem:s11+$0xFFFFFFF0]  }
0x36f: {  	v12 =	vld [tilespmem:s12+$0xFFFFFFF0]  }
0x370: {  	v13 =	vld [tilespmem:s11+$0x0]  }
0x371: {  	v14 =	vld [tilespmem:s12+$0x0];
	v6 =	vmul.f32 v6, v5  }
0x372: {  	v8 =	vmul.f32 v8, v7;
	v5 =	vld [tilespmem:s11+$0x10]  }
0x373: {  	v9 =	vmul.f32 v10, v9;
	v7 =	vld [tilespmem:s12+$0x10];
	[tilespmem:s11+$0x30] =	vst v6  }
0x374: {  	v10 =	vmul.f32 v12, v11;
	[tilespmem:s11+$0xFFFFFFD0] =	vst v8;
	v6 =	vld [tilespmem:s11+$0x20]  }
0x375: {  	[tilespmem:s11+$0xFFFFFFE0] =	vst v9;
	v9 =	vld [tilespmem:s12+$0x20]  }
0x376: {  	s10 =	simm.s32 $0x0;
	s14 =	simm.s32 $0x15A10;
	v8 =	vld [tilespmem:s11+$0xFFFFFFC0];
	[tilespmem:s11+$0xFFFFFFF0] =	vst v10;
	v10 =	vmul.f32 v14, v13  }
.LBB2_46:
0x377: {  	v11 =	vld [tilespmem:s14+$0x30];
	s12 =	sadd.s32 $0x80, s12  }
0x378: {  	s10 =	sadd.s32 $0x80, s10;
	v12 =	vld [tilespmem:s12+$0x30];
	[tilespmem:s11+$0x0] =	vst v10;
	v5 =	vmul.f32 v7, v5  }
0x379: {  	p0 =	slt.u32 s10, $0x280;
	v7 =	vld [tilespmem:s12+$0xFFFFFFC0]  }
0x37a: {  	v10 =	vld [tilespmem:s14+$0xFFFFFFD0];
	[tilespmem:s11+$0x10] =	vst v5;
	v5 =	vmul.f32 v9, v6  }
0x37b: {  	v6 =	vld [tilespmem:s12+$0xFFFFFFD0];
	v13 =	vmul.f32 v4, v8  }
0x37c: {  	v8 =	vld [tilespmem:s14+$0xFFFFFFE0];
	[tilespmem:s11+$0x20] =	vst v5  }
0x37d: {  	v5 =	vld [tilespmem:s12+$0xFFFFFFE0];
	v9 =	vmul.f32 v12, v11;
	[tilespmem:s11+$0xFFFFFFC0] =	vst v13;
	s11 =	smov.u32 s14  }
0x37e: {  	v11 =	vld [tilespmem:s14+$0xFFFFFFF0];
	v4 =	vmov v7  }
0x37f: {  	s4 =	simm.s32 $0x2F0;
	s21 =	simm.s32 $0x168D0;
	s24 =	simm.s32 $0x15C50;
	v12 =	vld [tilespmem:s12+$0xFFFFFFF0];
	[tilespmem:s14+$0x30] =	vst v9  }
0x380: {  	v6 =	vmul.f32 v6, v10;
	v10 =	vld [tilespmem:s14+$0x0]  }
0x381: {  	v13 =	vld [tilespmem:s12+$0x0]  }
.Ltmp22:
0x382: {  	[tilespmem:s14+$0xFFFFFFD0] =	vst v6;
	v6 =	vmul.f32 v5, v8;
	v5 =	vld [tilespmem:s14+$0x10];
	(pc) =	sbr.rel @p0 .LBB2_46-.Ltmp22, $4  }
0x383: {  	v7 =	vld [tilespmem:s12+$0x10]  }
0x384: {  	[tilespmem:s14+$0xFFFFFFE0] =	vst v6;
	v11 =	vmul.f32 v12, v11;
	v6 =	vld [tilespmem:s14+$0x20]  }
0x385: {  	v9 =	vld [tilespmem:s12+$0x20]  }
0x386: {  	s14 =	sadd.s32 $0x80, s14;
	v8 =	vld [tilespmem:s11+$0xFFFFFFC0];
	[tilespmem:s11+$0xFFFFFFF0] =	vst v11;
	v10 =	vmul.f32 v13, v10  }
0x387: {  	_ =	sdelay $0x1  }
0x388: {  	v5 =	vmul.f32 v7, v5  }
0x389: {  	[tilespmem:s11+$0x0] =	vst v10;
	v6 =	vmul.f32 v9, v6  }
0x38a: {  	[tilespmem:s11+$0x10] =	vst v5;
	v4 =	vmul.f32 v4, v8  }
0x38b: {  	[tilespmem:s11+$0x20] =	vst v6  }
0x38c: {  	s28 =	simm.s32 $0x14FF0;
	[tilespmem:s11+$0xFFFFFFC0] =	vst v4  }
.LBB2_48:
0x38d: {  	v4 =	vld [tilespmem:s24+$0x0]  }
0x38e: {  	v5 =	vld [tilespmem:s21+$0x0]  }
0x38f: {  	s4 =	sadd.s32 $0x10, s4  }
0x390: {  	p0 =	slt.u32 s4, $0x310  }
.Ltmp23:
0x391: {  	_ = 	snop;
	(pc) =	sbr.rel @p0 .LBB2_48-.Ltmp23, $3  }
0x392: {  	_ = 	snop  }
0x393: {  	v4 =	vmul.f32 v5, v4;
	_ =	sdelay $0x1  }
0x394: {  	s21 =	sadd.s32 $0x10, s21;
	[tilespmem:s24+$0x0] =	vst v4;
	s24 =	sadd.s32 $0x10, s24  }
0x395: {  	s4 =	simm.s32 $0xE  }
0x396: {  	_ =	swait.ge [sflag:s4], $0x1900  }
0x397: {  	s10 =	rddreg [dreg:$0x1d]  }
0x398: {  	s6 =	sadd.s32 s6, s10  }
0x399: {  	[sflag:s4] =	ssyncset.done $0x0;
	s6 =	sshrl.u32 s6, $0x3  }
0x39a: {  	s11 =	simm.s32 $0x14370;
	[sflag:s4] =	ssyncadd.s32 $0xFFFFE700;
	s12 =	sadd.s32 s1, s6  }
0x39b: {  	[tilespmem:s11], [sflag:$0x2] =	stream.linear.gather [hbm4b:s12+s9], $0x320, $0x38;
	[tilespmem:$0x1EF50] =	vst v63  }
0x39c: {  	s14 =	sadd.s32 s2, s6  }
0x39d: {  	[tilespmem:s28], [sflag:$0x2] =	stream.linear.gather [hbm4b:s14+s9], $0x320, $0x38;
	[tilespmem:$0x1EF50] =	vst v63  }
0x39e: {  	s21 =	sadd.s32 s3, s6  }
0x39f: {  	[tilespmem:s17], [sflag:$0x2] =	stream.linear.gather [hbm4b:s21+s9], $0x320, $0x38;
	[tilespmem:$0x1EF50] =	vst v63  }
0x3a0: {  	s24 =	simm.s32 $0x168F0;
	s6 =	sadd.s32 s5, s6  }
0x3a1: {  	[tilespmem:s24], [sflag:$0x2] =	stream.linear.gather [hbm4b:s6+s9], $0x320, $0x38;
	[tilespmem:$0x1EF50] =	vst v63  }
0x3a2: {  	s6 =	simm.s32 $0x8  }
0x3a3: {  	_ =	swait.ge [sflag:s6], $0x1900  }
0x3a4: {  	v4 =	vor.u32 s4, v0;
	s10 =	simm.s32 $0x2;
	s12 =	simm.s32 $0xC;
	[sflag:s6] =	ssyncset.done $0x0  }
0x3a5: {  	v5 =	vor.u32 s10, v0;
	v6 =	vor.u32 s12, v0;
	s14 =	simm.s32 $0xC;
	[sflag:s6] =	ssyncadd.s32 $0xFFFFE700  }
0x3a6: {  	v7 =	vshll.u32 v6, $0x3;
	_ =	swait.ge [sflag:s14], $0x1900  }
0x3a7: {  	v7 =	vor.u32 v2, v7;
	s21 =	simm.s32 $0x0;
	[sflag:s14] =	ssyncset.done $0x0  }
0x3a8: {  	v8 =	vor.u32 s21, v0;
	s24 =	simm.s32 $0x4;
	[sflag:s14] =	ssyncadd.s32 $0xFFFFE700  }
0x3a9: {  	v11 =	vshll.u32 v5, $0x3;
	s11 =	simm.s32 $0x8;
	v10 =	vshll.u32 v8, $0x3;
	v9 =	vor.u32 s24, v0;
	v18 =	vld.idx.msk [tilespmem:v4+s25+$0x0], $0xffff  }
0x3aa: {  	v20 =	vor.u32 v2, v11;
	v11 =	vor.u32 s11, v0;
	v17 =	vor.u32 v2, v10;
	v16 =	vld.idx.msk [tilespmem:v5+s25+$0x0], $0xffff  }
0x3ab: {  	v13 =	vshll.u32 v11, $0x3;
	v10 =	vshll.u32 v9, $0x3;
	v6 =	vld.idx.msk [tilespmem:v6+s25+$0x0], $0xffff  }
0x3ac: {  	v24 =	vor.u32 v2, v13;
	v21 =	vor.u32 v2, v10;
	v10 =	vld.idx.msk [tilespmem:v7+s31+$0x0], $0xffff  }
0x3ad: {  	s12 =	simm.s32 $0xA;
	v8 =	vld.idx.msk [tilespmem:v8+s25+$0x0], $0xffff  }
0x3ae: {  	v14 =	vor.u32 s12, v0;
	s24 =	simm.s32 $0x1C;
	v19 =	vld.idx.msk [tilespmem:v9+s25+$0x0], $0xffff  }
0x3af: {  	v31 =	vor.u32 s24, v0;
	v15 =	vld.idx.msk [tilespmem:v17+s31+$0x0], $0xffff  }
0x3b0: {  	s10 =	simm.s32 $0x6;
	v23 =	vld.idx.msk [tilespmem:v20+s31+$0x0], $0xffff  }
0x3b1: {  	s14 =	simm.s32 $0x1E;
	v5 =	vor.u32 s10, v0;
	v27 =	vld.idx.msk [tilespmem:v24+s31+$0x0], $0xffff  }
0x3b2: {  	s11 =	simm.s32 $0x10;
	v29 =	vor.u32 s14, v0;
	v34 =	vld.idx.msk [tilespmem:v11+s25+$0x0], $0xffff  }
0x3b3: {  	s12 =	simm.s32 $0x14;
	v35 =	vor.u32 s11, v0;
	v36 =	vld.idx.msk [tilespmem:v14+s25+$0x0], $0xffff  }
0x3b4: {  	v37 =	vor.u32 s12, v0;
	v9 =	vshll.u32 v31, $0x3;
	v31 =	vld.idx.msk [tilespmem:v31+s25+$0x0], $0xffff;
	v12 =	vshll.u32 v5, $0x3  }
0x3b5: {  	v25 =	vld.idx.msk [tilespmem:v21+s31+$0x0], $0xffff;
	v22 =	vor.u32 v2, v12;
	v12 =	vshll.u32 v14, $0x3  }
0x3b6: {  	s21 =	simm.s32 $0x12;
	v4 =	vshll.u32 v4, $0x3;
	v28 =	vor.u32 v2, v12;
	v33 =	vld.idx.msk [tilespmem:v5+s25+$0x0], $0xffff  }
0x3b7: {  	v4 =	vor.u32 v2, v4;
	v12 =	vor.u32 s21, v0;
	v5 =	vld.idx.msk [tilespmem:v29+s25+$0x0], $0xffff  }
0x3b8: {  	v13 =	vor.u32 v2, v9;
	v9 =	vshll.u32 v35, $0x3;
	v40 =	vmul.f32 v15, v8;
	v15 =	vld.idx.msk [tilespmem:v35+s25+$0x0], $0xffff  }
0x3b9: {  	s14 =	simm.s32 $0x16;
	v9 =	vor.u32 v2, v9;
	v10 =	vmul.f32 v10, v6;
	v23 =	vmul.f32 v23, v16;
	v16 =	vld.idx.msk [tilespmem:v37+s25+$0x0], $0xffff  }
0x3ba: {  	v11 =	vshll.u32 v12, $0x3;
	v6 =	vor.u32 s14, v0;
	v27 =	vmul.f32 v27, v34;
	v26 =	vld.idx.msk [tilespmem:v22+s31+$0x0], $0xffff  }
0x3bb: {  	s21 =	simm.s32 $0x18;
	v38 =	vshll.u32 v6, $0x3;
	[tilespmem:v7+s31+$0x0] =	vst.idx.msk $0xffff, v10;
	v7 =	vshll.u32 v37, $0x3;
	v10 =	vor.u32 v2, v11;
	v30 =	vld.idx.msk [tilespmem:v28+s31+$0x0], $0xffff  }
0x3bc: {  	s24 =	simm.s32 $0x1A;
	v25 =	vmul.f32 v25, v19;
	v14 =	vld.idx.msk [tilespmem:v12+s25+$0x0], $0xffff;
	v12 =	vor.u32 s21, v0;
	v11 =	vor.u32 v2, v7  }
0x3bd: {  	v39 =	vld.idx.msk [tilespmem:v13+s31+$0x0], $0xffff;
	[tilespmem:v17+s31+$0x0] =	vst.idx.msk $0xffff, v40;
	v17 =	vor.u32 s24, v0;
	v7 =	vor.u32 v2, v38;
	v8 =	vshll.u32 v12, $0x3  }
0x3be: {  	v32 =	vld.idx.msk [tilespmem:v4+s31+$0x0], $0xffff;
	[tilespmem:v21+s31+$0x0] =	vst.idx.msk $0xffff, v25;
	v25 =	vshll.u32 v17, $0x3;
	v8 =	vor.u32 v2, v8  }
0x3bf: {  	v19 =	vld.idx.msk [tilespmem:v9+s31+$0x0], $0xffff;
	[tilespmem:v20+s31+$0x0] =	vst.idx.msk $0xffff, v23;
	v23 =	vshll.u32 v29, $0x3;
	v25 =	vor.u32 v2, v25  }
0x3c0: {  	v23 =	vor.u32 v2, v23;
	v26 =	vmul.f32 v26, v33;
	v20 =	vld.idx.msk [tilespmem:v10+s31+$0x0], $0xffff  }
0x3c1: {  	[tilespmem:v24+s31+$0x0] =	vst.idx.msk $0xffff, v27;
	v29 =	vmul.f32 v30, v36;
	v21 =	vld.idx.msk [tilespmem:v11+s31+$0x0], $0xffff  }
0x3c2: {  	v27 =	vmul.f32 v39, v31;
	[tilespmem:v22+s31+$0x0] =	vst.idx.msk $0xffff, v26;
	v22 =	vld.idx.msk [tilespmem:v7+s31+$0x0], $0xffff  }
0x3c3: {  	s11 =	simm.s32 $0x2E;
	s6 =	simm.s32 $0x8;
	v26 =	vmul.f32 v32, v18;
	v18 =	vmov v25;
	v24 =	vld.idx.msk [tilespmem:v8+s31+$0x0], $0xffff;
	[tilespmem:v28+s31+$0x0] =	vst.idx.msk $0xffff, v29  }
.LBB2_50:
0x3c4: {  	s4 =	sadd.s32 $0xFFFFFFF4, s11;
	s10 =	sadd.s32 $0xFFFFFFFE, s11;
	v28 =	vor.u32 s11, v0;
	s6 =	sadd.s32 $0x8, s6;
	v29 =	vld.idx.msk [tilespmem:v25+s31+$0x0], $0xffff;
	[tilespmem:v13+s31+$0x0] =	vst.idx.msk $0xffff, v27  }
0x3c5: {  	s12 =	sadd.s32 $0xFFFFFFF8, s11;
	v25 =	vor.u32 s4, v0;
	s4 =	sadd.s32 $0xFFFFFFF6, s11;
	v27 =	vor.u32 s10, v0;
	v30 =	vshll.u32 v28, $0x3;
	p0 =	slt.u32 s6, $0x188;
	v31 =	vld.idx.msk [tilespmem:v23+s31+$0x0], $0xffff;
	[tilespmem:v4+s31+$0x0] =	vst.idx.msk $0xffff, v26;
	v4 =	vmovc v23  }
0x3c6: {  	s14 =	sadd.s32 $0xFFFFFFFC, s11;
	s10 =	sadd.s32 $0xFFFFFFF2, s11;
	v26 =	vor.u32 s4, v0;
	s4 =	sadd.s32 $0xFFFFFFFA, s11;
	v13 =	vshll.u32 v27, $0x3;
	v32 =	vld.idx.msk [tilespmem:v6+s25+$0x0], $0xffff;
	v6 =	vor.u32 s12, v0  }
0x3c7: {  	v33 =	vor.u32 s10, v0;
	v13 =	vor.u32 v2, v13;
	v34 =	vld.idx.msk [tilespmem:v12+s25+$0x0], $0xffff;
	v12 =	vor.u32 s4, v0  }
0x3c8: {  	v35 =	vshll.u32 v25, $0x3;
	v23 =	vshll.u32 v33, $0x3;
	v36 =	vld.idx.msk [tilespmem:v17+s25+$0x0], $0xffff;
	v17 =	vor.u32 s14, v0  }
0x3c9: {  	v37 =	vshll.u32 v26, $0x3;
	v38 =	vshll.u32 v6, $0x3;
	v39 =	vshll.u32 v12, $0x3;
	v28 =	vld.idx.msk [tilespmem:v28+s25+$0x0], $0xffff  }
0x3ca: {  	v35 =	vor.u32 v2, v35;
	v40 =	vor.u32 v2, v23;
	v23 =	vshll.u32 v17, $0x3;
	v41 =	vld.idx.msk [tilespmem:v25+s25+$0x0], $0xffff  }
0x3cb: {  	v37 =	vor.u32 v2, v37;
	v38 =	vor.u32 v2, v38;
	v39 =	vor.u32 v2, v39;
	v27 =	vld.idx.msk [tilespmem:v27+s25+$0x0], $0xffff  }
0x3cc: {  	v19 =	vmul.f32 v19, v15;
	v25 =	vor.u32 v2, v23;
	v23 =	vor.u32 v2, v30;
	v42 =	vld.idx.msk [tilespmem:v13+s31+$0x0], $0xffff  }
0x3cd: {  	v21 =	vmul.f32 v21, v16;
	v30 =	vmul.f32 v20, v14;
	v15 =	vld.idx.msk [tilespmem:v33+s25+$0x0], $0xffff  }
0x3ce: {  	v22 =	vmul.f32 v22, v32;
	v24 =	vmul.f32 v24, v34;
	v16 =	vld.idx.msk [tilespmem:v26+s25+$0x0], $0xffff;
	[tilespmem:v9+s31+$0x0] =	vst.idx.msk $0xffff, v19  }
.Ltmp24:
0x3cf: {  	v29 =	vmul.f32 v29, v36;
	v26 =	vmul.f32 v31, v5;
	v19 =	vld.idx.msk [tilespmem:v40+s31+$0x0], $0xffff;
	[tilespmem:v10+s31+$0x0] =	vst.idx.msk $0xffff, v30;
	(pc) =	sbr.rel @p0 .LBB2_50-.Ltmp24, $4  }
0x3d0: {  	v5 =	vmovc v28;
	v9 =	vmov v40;
	v14 =	vmov v41;
	v10 =	vmov v35;
	v20 =	vld.idx.msk [tilespmem:v35+s31+$0x0], $0xffff;
	[tilespmem:v11+s31+$0x0] =	vst.idx.msk $0xffff, v21  }
0x3d1: {  	v11 =	vmov v37;
	v21 =	vld.idx.msk [tilespmem:v37+s31+$0x0], $0xffff;
	[tilespmem:v7+s31+$0x0] =	vst.idx.msk $0xffff, v22;
	v7 =	vmov v38  }
0x3d2: {  	v27 =	vmul.f32 v42, v27;
	v22 =	vld.idx.msk [tilespmem:v38+s31+$0x0], $0xffff;
	[tilespmem:v8+s31+$0x0] =	vst.idx.msk $0xffff, v24;
	v8 =	vmov v39  }
0x3d3: {  	s11 =	sadd.s32 $0x10, s11;
	v24 =	vld.idx.msk [tilespmem:v39+s31+$0x0], $0xffff;
	[tilespmem:v18+s31+$0x0] =	vst.idx.msk $0xffff, v29;
	v18 =	vmov v25  }
0x3d4: {  	_ =	sdelay $0x3  }
0x3d5: {  	v25 =	vld.idx.msk [tilespmem:v25+s31+$0x0], $0xffff  }
0x3d6: {  	v6 =	vld.idx.msk [tilespmem:v6+s25+$0x0], $0xffff  }
0x3d7: {  	v12 =	vld.idx.msk [tilespmem:v12+s25+$0x0], $0xffff  }
0x3d8: {  	[tilespmem:v13+s31+$0x0] =	vst.idx.msk $0xffff, v27;
	v60 =	vld.idx.msk [tilespmem:v17+s25+$0x0], $0xffff;
	v15 =	vmul.f32 v19, v15  }
0x3d9: {  	v61 =	vld.idx.msk [tilespmem:v23+s31+$0x0], $0xffff;
	[tilespmem:v4+s31+$0x0] =	vst.idx.msk $0xffff, v26;
	v4 =	vmul.f32 v20, v14  }
0x3da: {  	v62 =	vmul.f32 v21, v16;
	[tilespmem:v9+s31+$0x0] =	vst.idx.msk $0xffff, v15  }
0x3db: {  	s16 =	sadd.s32 $0x1, s16;
	[tilespmem:v10+s31+$0x0] =	vst.idx.msk $0xffff, v4;
	v6 =	vmul.f32 v22, v6  }
0x3dc: {  	p0 =	sne.s32 s16, $0x3E;
	[tilespmem:v11+s31+$0x0] =	vst.idx.msk $0xffff, v62;
	v4 =	vmul.f32 v24, v12  }
.Ltmp25:
0x3dd: {  	v63 =	vmul.f32 v25, v60;
	[tilespmem:v7+s31+$0x0] =	vst.idx.msk $0xffff, v6;
	(pc) =	sbr.rel @p0 .LBB2_11-.Ltmp25, $4  }
0x3de: {  	v5 =	vmul.f32 v61, v5;
	[tilespmem:v8+s31+$0x0] =	vst.idx.msk $0xffff, v4  }
0x3df: {  	[tilespmem:v18+s31+$0x0] =	vst.idx.msk $0xffff, v63  }
0x3e0: {  	s4 =	simm.s32 $0x15630;
	[tilespmem:v23+s31+$0x0] =	vst.idx.msk $0xffff, v5  }
0x3e1: {  	[spmem:s8] =	stream.indirect.scatter.add.f32 [tilespmem:s31], [sflag:$0x10], $0x8, s4, s23, $0xb8;
	[tilespmem:$0x1EF50] =	vst v63  }
0x3e2: {  	_ =	swait.ge [sflag:s26], $0x320  }
0x3e3: {  	[sflag:s26] =	ssyncset.done $0x0  }
0x3e4: {  	[sflag:s26] =	ssyncadd.s32 $0xFFFFFCE0  }
0x3e5: {  	_ =	swait.ge [sflag:s26], $0x320  }
0x3e6: {  	[sflag:s26] =	ssyncset.done $0x0  }
0x3e7: {  	[sflag:s26] =	ssyncadd.s32 $0xFFFFFCE0  }
0x3e8: {  	_ =	swait.ge [sflag:s26], $0x320  }
0x3e9: {  	[sflag:s26] =	ssyncset.done $0x0  }
0x3ea: {  	[sflag:s26] =	ssyncadd.s32 $0xFFFFFCE0  }
0x3eb: {  	_ =	swait.ge [sflag:s26], $0x320  }
0x3ec: {  	[sflag:s26] =	ssyncset.done $0x0  }
0x3ed: {  	s4 =	simm.s32 $0x143B0;
	[sflag:s26] =	ssyncadd.s32 $0xFFFFFCE0  }
0x3ee: {  	v4 =	vld [tilespmem:s4+$0x30]  }
0x3ef: {  	v5 =	vld [tilespmem:s4+$0xFFFFFFD0];
	_ =	sdelay $0x1  }
0x3f0: {  	v7 =	vld [tilespmem:s4+$0xFFFFFFF0]  }
0x3f1: {  	v6 =	vld [tilespmem:s4+$0xFFFFFFE0]  }
0x3f2: {  	v8 =	vld [tilespmem:s4+$0x0];
	vm0 =	vlt.s32 v4, $0xFA00  }
0x3f3: {  	s6 =	simm.s32 $0x1D9B0;
	v10 =	vld [tilespmem:s4+$0xFFFFFFC0];
	vm1 =	vlt.s32 v5, $0xFA00;
	v9 =	vnsel vm0, $0xFFFFFFFF, v4  }
0x3f4: {  	v12 =	vld [tilespmem:s4+$0x20];
	v11 =	vnsel vm1, $0xFFFFFFFF, v5;
	[tilespmem:s6+$0x30] =	vst v9  }
0x3f5: {  	s16 =	simm.s32 $0x1E630;
	vm12 =	vlt.s32 v7, $0xFA00;
	v4 =	vsel vm0, $0xFFFFFFFF, v4;
	[tilespmem:s6+$0xFFFFFFD0] =	vst v11  }
0x3f6: {  	v9 =	vld [tilespmem:s4+$0x10];
	v11 =	vnsel vm12, $0xFFFFFFFF, v7;
	[tilespmem:s16+$0x30] =	vst v4  }
0x3f7: {  	vm11 =	vlt.s32 v6, $0xFA00;
	v4 =	vsel vm1, $0xFFFFFFFF, v5;
	[tilespmem:s6+$0xFFFFFFF0] =	vst v11  }
0x3f8: {  	vm13 =	vlt.s32 v8, $0xFA00;
	vm14 =	vlt.s32 v10, $0xFA00;
	v5 =	vnsel vm11, $0xFFFFFFFF, v6;
	[tilespmem:s16+$0xFFFFFFD0] =	vst v4  }
0x3f9: {  	vm15 =	vlt.s32 v12, $0xFA00;
	v6 =	vsel vm11, $0xFFFFFFFF, v6;
	v11 =	vsel vm14, $0xFFFFFFFF, v10;
	[tilespmem:s6+$0xFFFFFFE0] =	vst v5  }
0x3fa: {  	v4 =	vnsel vm13, $0xFFFFFFFF, v8;
	[tilespmem:s16+$0xFFFFFFE0] =	vst v6;
	v6 =	vsel vm13, $0xFFFFFFFF, v8;
	v8 =	vnsel vm14, $0xFFFFFFFF, v10  }
0x3fb: {  	v5 =	vsel vm12, $0xFFFFFFFF, v7;
	[tilespmem:s6+$0xFFFFFFC0] =	vst v8;
	v8 =	vnsel vm15, $0xFFFFFFFF, v12;
	vm2 =	vlt.s32 v9, $0xFA00  }
0x3fc: {  	s11 =	simm.s32 $0x0;
	s12 =	simm.s32 $0x14430;
	[tilespmem:s16+$0xFFFFFFC0] =	vst v11;
	v7 =	vnsel vm2, $0xFFFFFFFF, v9;
	v10 =	vsel vm2, $0xFFFFFFFF, v9;
	v9 =	vsel vm15, $0xFFFFFFFF, v12  }
.LBB2_53:
0x3fd: {  	v11 =	vld [tilespmem:s12+$0x30];
	[tilespmem:s16+$0xFFFFFFF0] =	vst v5  }
0x3fe: {  	s11 =	sadd.s32 $0x80, s11;
	v5 =	vld [tilespmem:s12+$0xFFFFFFD0];
	[tilespmem:s6+$0x0] =	vst v4  }
0x3ff: {  	p0 =	slt.u32 s11, $0x280;
	v4 =	vld [tilespmem:s12+$0xFFFFFFE0];
	[tilespmem:s16+$0x0] =	vst v6  }
0x400: {  	v6 =	vld [tilespmem:s12+$0xFFFFFFF0];
	[tilespmem:s6+$0x10] =	vst v7  }
0x401: {  	v7 =	vld [tilespmem:s12+$0x0];
	[tilespmem:s16+$0x10] =	vst v10  }
0x402: {  	v10 =	vld [tilespmem:s12+$0x10];
	vm0 =	vlt.s32 v11, $0xFA00;
	[tilespmem:s6+$0x20] =	vst v8  }
0x403: {  	s6 =	sadd.s32 $0x80, s6;
	vm1 =	vlt.s32 v5, $0xFA00;
	v12 =	vld [tilespmem:s12+$0x20];
	v8 =	vnsel vm0, $0xFFFFFFFF, v11;
	[tilespmem:s16+$0x20] =	vst v9  }
0x404: {  	s10 =	simm.s32 $0x14670;
	s16 =	sadd.s32 $0x80, s16;
	v9 =	vld [tilespmem:s12+$0xFFFFFFC0];
	v13 =	vnsel vm1, $0xFFFFFFFF, v5;
	vm2 =	vlt.s32 v4, $0xFA00;
	[tilespmem:s6+$0x30] =	vst v8;
	v8 =	vsel vm0, $0xFFFFFFFF, v11  }
0x405: {  	s14 =	simm.s32 $0x2F0;
	s21 =	simm.s32 $0x1E8F0;
	s4 =	simm.s32 $0x1DC70;
	v5 =	vsel vm1, $0xFFFFFFFF, v5;
	v11 =	vnsel vm2, $0xFFFFFFFF, v4;
	vm0 =	vlt.s32 v6, $0xFA00;
	[tilespmem:s16+$0x30] =	vst v8  }
0x406: {  	v8 =	vsel vm2, $0xFFFFFFFF, v4;
	[tilespmem:s6+$0xFFFFFFD0] =	vst v13;
	v13 =	vnsel vm0, $0xFFFFFFFF, v6;
	vm1 =	vlt.s32 v7, $0xFA00  }
0x407: {  	[tilespmem:s16+$0xFFFFFFD0] =	vst v5;
	v5 =	vsel vm0, $0xFFFFFFFF, v6;
	v4 =	vnsel vm1, $0xFFFFFFFF, v7;
	vm0 =	vlt.s32 v10, $0xFA00  }
.Ltmp26:
0x408: {  	v6 =	vsel vm1, $0xFFFFFFFF, v7;
	[tilespmem:s6+$0xFFFFFFE0] =	vst v11;
	v7 =	vnsel vm0, $0xFFFFFFFF, v10;
	vm1 =	vlt.s32 v12, $0xFA00;
	(pc) =	sbr.rel @p0 .LBB2_53-.Ltmp26, $4  }
0x409: {  	v10 =	vsel vm0, $0xFFFFFFFF, v10;
	vm2 =	vlt.s32 v9, $0xFA00;
	[tilespmem:s16+$0xFFFFFFE0] =	vst v8;
	v8 =	vnsel vm1, $0xFFFFFFFF, v12  }
0x40a: {  	v11 =	vnsel vm2, $0xFFFFFFFF, v9;
	v14 =	vsel vm2, $0xFFFFFFFF, v9;
	[tilespmem:s6+$0xFFFFFFF0] =	vst v13;
	v9 =	vsel vm1, $0xFFFFFFFF, v12  }
0x40b: {  	[tilespmem:s6+$0xFFFFFFC0] =	vst v11  }
0x40c: {  	s12 =	sadd.s32 $0x80, s12;
	[tilespmem:s16+$0xFFFFFFC0] =	vst v14  }
0x40d: {  	[tilespmem:s16+$0xFFFFFFF0] =	vst v5  }
0x40e: {  	[tilespmem:s6+$0x0] =	vst v4  }
0x40f: {  	[tilespmem:s6+$0x10] =	vst v7  }
0x410: {  	[tilespmem:s6+$0x20] =	vst v8  }
0x411: {  	[tilespmem:s16+$0x0] =	vst v6  }
0x412: {  	[tilespmem:s16+$0x10] =	vst v10  }
0x413: {  	[tilespmem:s16+$0x20] =	vst v9  }
.LBB2_55:
0x414: {  	v4 =	vld [tilespmem:s10+$0x0];
	_ =	sdelay $0x1  }
0x415: {  	s14 =	sadd.s32 $0x10, s14  }
0x416: {  	p0 =	slt.u32 s14, $0x310  }
.Ltmp27:
0x417: {  	_ = 	snop;
	(pc) =	sbr.rel @p0 .LBB2_55-.Ltmp27, $4  }
0x418: {  	vm0 =	vlt.s32 v4, $0xFA00  }
0x419: {  	v5 =	vnsel vm0, $0xFFFFFFFF, v4  }
0x41a: {  	v4 =	vsel vm0, $0xFFFFFFFF, v4;
	[tilespmem:s4+$0x0] =	vst v5  }
0x41b: {  	s10 =	sadd.s32 $0x10, s10;
	s4 =	sadd.s32 $0x10, s4;
	[tilespmem:s21+$0x0] =	vst v4;
	s21 =	sadd.s32 $0x10, s21  }
0x41c: {  	(ifvalue) =	ssetifvalue $0xFFFFFFFF  }
0x41d: {  	s4 =	simm.s32 $0x1D970;
	(ifvalue) =	ssetifvalue $0xFFFFFFFF  }
0x41e: {  	[tilespmem:s29], [sflag:$0x6] =	stream.indirect.gather [spmem:s7], $0x8, s4, s23, $0x40b8;
	[tilespmem:$0x1EF50] =	vst v63  }
0x41f: {  	(ifvalue) =	ssetifvalue $0xFFFFFFFF  }
0x420: {  	s24 =	simm.s32 $0x1E5F0;
	s6 =	simm.s32 $0x15CB0;
	(ifvalue) =	ssetifvalue $0xFFFFFFFF  }
0x421: {  	[tilespmem:s29], [sflag:$0xA] =	stream.indirect.gather [hbm4b:s0+s23], $0x8, s24, s23, $0x40b8;
	[tilespmem:$0x1EF50] =	vst v63  }
0x422: {  	s11 =	simm.s32 $0x16930;
	v5 =	vld [tilespmem:s6+$0x30]  }
0x423: {  	v6 =	vld [tilespmem:s11+$0x30]  }
0x424: {  	v4 =	vld [tilespmem:s11+$0xFFFFFFC0]  }
0x425: {  	v7 =	vld [tilespmem:s6+$0xFFFFFFD0]  }
0x426: {  	v8 =	vld [tilespmem:s11+$0xFFFFFFD0]  }
0x427: {  	v9 =	vld [tilespmem:s6+$0xFFFFFFE0]  }
0x428: {  	v10 =	vld [tilespmem:s11+$0xFFFFFFE0]  }
0x429: {  	v11 =	vld [tilespmem:s6+$0xFFFFFFF0]  }
0x42a: {  	v12 =	vld [tilespmem:s11+$0xFFFFFFF0]  }
0x42b: {  	v13 =	vld [tilespmem:s6+$0x0]  }
0x42c: {  	v14 =	vld [tilespmem:s11+$0x0];
	v6 =	vmul.f32 v6, v5  }
0x42d: {  	v8 =	vmul.f32 v8, v7;
	v5 =	vld [tilespmem:s6+$0x10]  }
0x42e: {  	v9 =	vmul.f32 v10, v9;
	v7 =	vld [tilespmem:s11+$0x10];
	[tilespmem:s6+$0x30] =	vst v6  }
0x42f: {  	v10 =	vmul.f32 v12, v11;
	[tilespmem:s6+$0xFFFFFFD0] =	vst v8;
	v6 =	vld [tilespmem:s6+$0x20]  }
0x430: {  	[tilespmem:s6+$0xFFFFFFE0] =	vst v9;
	v9 =	vld [tilespmem:s11+$0x20]  }
0x431: {  	s10 =	simm.s32 $0x0;
	s12 =	simm.s32 $0x15D30;
	v8 =	vld [tilespmem:s6+$0xFFFFFFC0];
	[tilespmem:s6+$0xFFFFFFF0] =	vst v10;
	v10 =	vmul.f32 v14, v13  }
.LBB2_57:
0x432: {  	v11 =	vld [tilespmem:s12+$0x30];
	s11 =	sadd.s32 $0x80, s11  }
0x433: {  	s10 =	sadd.s32 $0x80, s10;
	v12 =	vld [tilespmem:s11+$0x30];
	[tilespmem:s6+$0x0] =	vst v10;
	v5 =	vmul.f32 v7, v5  }
0x434: {  	p0 =	slt.u32 s10, $0x280;
	v7 =	vld [tilespmem:s11+$0xFFFFFFC0]  }
0x435: {  	v10 =	vld [tilespmem:s12+$0xFFFFFFD0];
	[tilespmem:s6+$0x10] =	vst v5;
	v5 =	vmul.f32 v9, v6  }
0x436: {  	v6 =	vld [tilespmem:s11+$0xFFFFFFD0];
	v13 =	vmul.f32 v4, v8  }
0x437: {  	v8 =	vld [tilespmem:s12+$0xFFFFFFE0];
	[tilespmem:s6+$0x20] =	vst v5  }
0x438: {  	v5 =	vld [tilespmem:s11+$0xFFFFFFE0];
	v9 =	vmul.f32 v12, v11;
	[tilespmem:s6+$0xFFFFFFC0] =	vst v13;
	s6 =	smov.u32 s12  }
0x439: {  	v11 =	vld [tilespmem:s12+$0xFFFFFFF0];
	v4 =	vmov v7  }
0x43a: {  	s4 =	simm.s32 $0x2F0;
	s14 =	simm.s32 $0x16BF0;
	s16 =	simm.s32 $0x15F70;
	v12 =	vld [tilespmem:s11+$0xFFFFFFF0];
	[tilespmem:s12+$0x30] =	vst v9  }
0x43b: {  	v6 =	vmul.f32 v6, v10;
	v10 =	vld [tilespmem:s12+$0x0]  }
0x43c: {  	v13 =	vld [tilespmem:s11+$0x0]  }
.Ltmp28:
0x43d: {  	[tilespmem:s12+$0xFFFFFFD0] =	vst v6;
	v6 =	vmul.f32 v5, v8;
	v5 =	vld [tilespmem:s12+$0x10];
	(pc) =	sbr.rel @p0 .LBB2_57-.Ltmp28, $4  }
0x43e: {  	v7 =	vld [tilespmem:s11+$0x10]  }
0x43f: {  	[tilespmem:s12+$0xFFFFFFE0] =	vst v6;
	v11 =	vmul.f32 v12, v11;
	v6 =	vld [tilespmem:s12+$0x20]  }
0x440: {  	v9 =	vld [tilespmem:s11+$0x20]  }
0x441: {  	s12 =	sadd.s32 $0x80, s12;
	v8 =	vld [tilespmem:s6+$0xFFFFFFC0];
	[tilespmem:s6+$0xFFFFFFF0] =	vst v11;
	v10 =	vmul.f32 v13, v10  }
0x442: {  	_ =	sdelay $0x1  }
0x443: {  	v5 =	vmul.f32 v7, v5  }
0x444: {  	[tilespmem:s6+$0x0] =	vst v10;
	v6 =	vmul.f32 v9, v6  }
0x445: {  	[tilespmem:s6+$0x10] =	vst v5;
	v4 =	vmul.f32 v4, v8  }
0x446: {  	[tilespmem:s6+$0x20] =	vst v6  }
0x447: {  	[tilespmem:s6+$0xFFFFFFC0] =	vst v4  }
.LBB2_59:
0x448: {  	v4 =	vld [tilespmem:s16+$0x0]  }
0x449: {  	v5 =	vld [tilespmem:s14+$0x0]  }
0x44a: {  	s4 =	sadd.s32 $0x10, s4  }
0x44b: {  	p0 =	slt.u32 s4, $0x310  }
.Ltmp29:
0x44c: {  	_ = 	snop;
	(pc) =	sbr.rel @p0 .LBB2_59-.Ltmp29, $3  }
0x44d: {  	_ = 	snop  }
0x44e: {  	v4 =	vmul.f32 v5, v4;
	_ =	sdelay $0x1  }
0x44f: {  	s14 =	sadd.s32 $0x10, s14;
	[tilespmem:s16+$0x0] =	vst v4;
	s16 =	sadd.s32 $0x10, s16  }
0x450: {  	s11 =	simm.s32 $0x5  }
0x451: {  	s4 =	simm.s32 $0xE;
	_ =	swait.ge [sflag:s11], $0x1900  }
0x452: {  	s6 =	simm.s32 $0x2;
	v4 =	vor.u32 s4, v0;
	[sflag:s11] =	ssyncset.done $0x0  }
0x453: {  	s10 =	simm.s32 $0xC;
	v5 =	vor.u32 s6, v0;
	[sflag:s11] =	ssyncadd.s32 $0xFFFFE700;
	s11 =	simm.s32 $0x9  }
0x454: {  	s12 =	simm.s32 $0x0;
	v6 =	vor.u32 s10, v0;
	_ =	swait.ge [sflag:s11], $0x1900  }
0x455: {  	s14 =	simm.s32 $0x4;
	v8 =	vor.u32 s12, v0;
	[sflag:s11] =	ssyncset.done $0x0  }
0x456: {  	s24 =	simm.s32 $0xA;
	v9 =	vor.u32 s14, v0;
	[sflag:s11] =	ssyncadd.s32 $0xFFFFE700  }
0x457: {  	v14 =	vor.u32 s24, v0;
	v7 =	vshll.u32 v6, $0x3;
	v18 =	vld.idx.msk [tilespmem:v4+s13+$0x0], $0xffff  }
0x458: {  	v10 =	vshll.u32 v8, $0x3;
	v7 =	vor.u32 v2, v7;
	v16 =	vld.idx.msk [tilespmem:v5+s13+$0x0], $0xffff  }
0x459: {  	v11 =	vshll.u32 v5, $0x3;
	v17 =	vor.u32 v2, v10;
	v6 =	vld.idx.msk [tilespmem:v6+s13+$0x0], $0xffff  }
0x45a: {  	s21 =	simm.s32 $0x8;
	v20 =	vor.u32 v2, v11;
	v8 =	vld.idx.msk [tilespmem:v8+s13+$0x0], $0xffff  }
0x45b: {  	v10 =	vshll.u32 v9, $0x3;
	v11 =	vor.u32 s21, v0;
	v19 =	vld.idx.msk [tilespmem:v9+s13+$0x0], $0xffff  }
0x45c: {  	v21 =	vor.u32 v2, v10;
	v13 =	vshll.u32 v11, $0x3;
	v36 =	vld.idx.msk [tilespmem:v14+s13+$0x0], $0xffff  }
0x45d: {  	s16 =	simm.s32 $0x6;
	v24 =	vor.u32 v2, v13;
	v10 =	vld.idx.msk [tilespmem:v7+s20+$0x0], $0xffff  }
0x45e: {  	s6 =	simm.s32 $0x1E;
	v5 =	vor.u32 s16, v0;
	v15 =	vld.idx.msk [tilespmem:v17+s20+$0x0], $0xffff  }
0x45f: {  	v29 =	vor.u32 s6, v0;
	s11 =	simm.s32 $0x1C;
	v23 =	vld.idx.msk [tilespmem:v20+s20+$0x0], $0xffff  }
0x460: {  	v4 =	vshll.u32 v4, $0x3;
	v31 =	vor.u32 s11, v0;
	v34 =	vld.idx.msk [tilespmem:v11+s13+$0x0], $0xffff  }
0x461: {  	s12 =	simm.s32 $0x10;
	v4 =	vor.u32 v2, v4;
	v25 =	vld.idx.msk [tilespmem:v21+s20+$0x0], $0xffff  }
0x462: {  	s14 =	simm.s32 $0x14;
	v35 =	vor.u32 s12, v0;
	v27 =	vld.idx.msk [tilespmem:v24+s20+$0x0], $0xffff  }
0x463: {  	v37 =	vor.u32 s14, v0;
	v12 =	vshll.u32 v5, $0x3;
	v33 =	vld.idx.msk [tilespmem:v5+s13+$0x0], $0xffff  }
0x464: {  	v22 =	vor.u32 v2, v12;
	v12 =	vshll.u32 v14, $0x3;
	v5 =	vld.idx.msk [tilespmem:v29+s13+$0x0], $0xffff  }
0x465: {  	s10 =	simm.s32 $0x12;
	v9 =	vshll.u32 v31, $0x3;
	v28 =	vor.u32 v2, v12;
	v31 =	vld.idx.msk [tilespmem:v31+s13+$0x0], $0xffff  }
0x466: {  	v12 =	vor.u32 s10, v0;
	v32 =	vld.idx.msk [tilespmem:v4+s20+$0x0], $0xffff  }
0x467: {  	v13 =	vor.u32 v2, v9;
	v9 =	vshll.u32 v35, $0x3;
	v40 =	vmul.f32 v15, v8;
	v15 =	vld.idx.msk [tilespmem:v35+s13+$0x0], $0xffff  }
0x468: {  	s16 =	simm.s32 $0x16;
	v9 =	vor.u32 v2, v9;
	v10 =	vmul.f32 v10, v6;
	v23 =	vmul.f32 v23, v16;
	v16 =	vld.idx.msk [tilespmem:v37+s13+$0x0], $0xffff  }
0x469: {  	v11 =	vshll.u32 v12, $0x3;
	v6 =	vor.u32 s16, v0;
	v26 =	vld.idx.msk [tilespmem:v22+s20+$0x0], $0xffff  }
0x46a: {  	s21 =	simm.s32 $0x18;
	v38 =	vshll.u32 v6, $0x3;
	v30 =	vld.idx.msk [tilespmem:v28+s20+$0x0], $0xffff;
	[tilespmem:v7+s20+$0x0] =	vst.idx.msk $0xffff, v10;
	v7 =	vshll.u32 v37, $0x3;
	v10 =	vor.u32 v2, v11  }
0x46b: {  	s24 =	simm.s32 $0x1A;
	v25 =	vmul.f32 v25, v19;
	v14 =	vld.idx.msk [tilespmem:v12+s13+$0x0], $0xffff;
	v12 =	vor.u32 s21, v0;
	v11 =	vor.u32 v2, v7  }
0x46c: {  	v39 =	vld.idx.msk [tilespmem:v13+s20+$0x0], $0xffff;
	[tilespmem:v17+s20+$0x0] =	vst.idx.msk $0xffff, v40;
	v17 =	vor.u32 s24, v0;
	v8 =	vshll.u32 v12, $0x3;
	v7 =	vor.u32 v2, v38  }
0x46d: {  	v19 =	vld.idx.msk [tilespmem:v9+s20+$0x0], $0xffff;
	[tilespmem:v21+s20+$0x0] =	vst.idx.msk $0xffff, v25;
	v25 =	vshll.u32 v17, $0x3;
	v8 =	vor.u32 v2, v8  }
0x46e: {  	[tilespmem:v20+s20+$0x0] =	vst.idx.msk $0xffff, v23;
	v27 =	vmul.f32 v27, v34;
	v23 =	vshll.u32 v29, $0x3;
	v25 =	vor.u32 v2, v25  }
0x46f: {  	v23 =	vor.u32 v2, v23;
	v26 =	vmul.f32 v26, v33;
	v20 =	vld.idx.msk [tilespmem:v10+s20+$0x0], $0xffff  }
0x470: {  	[tilespmem:v24+s20+$0x0] =	vst.idx.msk $0xffff, v27;
	v29 =	vmul.f32 v30, v36;
	v21 =	vld.idx.msk [tilespmem:v11+s20+$0x0], $0xffff  }
0x471: {  	v27 =	vmul.f32 v39, v31;
	[tilespmem:v22+s20+$0x0] =	vst.idx.msk $0xffff, v26;
	v22 =	vld.idx.msk [tilespmem:v7+s20+$0x0], $0xffff  }
0x472: {  	s6 =	simm.s32 $0x8;
	s11 =	simm.s32 $0x2E;
	v26 =	vmul.f32 v32, v18;
	v18 =	vmov v25;
	v24 =	vld.idx.msk [tilespmem:v8+s20+$0x0], $0xffff;
	[tilespmem:v28+s20+$0x0] =	vst.idx.msk $0xffff, v29  }
.LBB2_61:
0x473: {  	s4 =	sadd.s32 $0xFFFFFFF4, s11;
	s10 =	sadd.s32 $0xFFFFFFFE, s11;
	v28 =	vor.u32 s11, v0;
	s6 =	sadd.s32 $0x8, s6;
	v29 =	vld.idx.msk [tilespmem:v25+s20+$0x0], $0xffff;
	[tilespmem:v13+s20+$0x0] =	vst.idx.msk $0xffff, v27  }
0x474: {  	s12 =	sadd.s32 $0xFFFFFFF8, s11;
	v25 =	vor.u32 s4, v0;
	s4 =	sadd.s32 $0xFFFFFFF6, s11;
	v27 =	vor.u32 s10, v0;
	v30 =	vshll.u32 v28, $0x3;
	p0 =	slt.u32 s6, $0x188;
	v31 =	vld.idx.msk [tilespmem:v23+s20+$0x0], $0xffff;
	[tilespmem:v4+s20+$0x0] =	vst.idx.msk $0xffff, v26;
	v4 =	vmovc v23  }
0x475: {  	s14 =	sadd.s32 $0xFFFFFFFC, s11;
	s10 =	sadd.s32 $0xFFFFFFF2, s11;
	v26 =	vor.u32 s4, v0;
	s4 =	sadd.s32 $0xFFFFFFFA, s11;
	v13 =	vshll.u32 v27, $0x3;
	v32 =	vld.idx.msk [tilespmem:v6+s13+$0x0], $0xffff;
	v6 =	vor.u32 s12, v0  }
0x476: {  	v33 =	vor.u32 s10, v0;
	v13 =	vor.u32 v2, v13;
	v34 =	vld.idx.msk [tilespmem:v12+s13+$0x0], $0xffff;
	v12 =	vor.u32 s4, v0  }
0x477: {  	v35 =	vshll.u32 v25, $0x3;
	v23 =	vshll.u32 v33, $0x3;
	v36 =	vld.idx.msk [tilespmem:v17+s13+$0x0], $0xffff;
	v17 =	vor.u32 s14, v0  }
0x478: {  	v37 =	vshll.u32 v26, $0x3;
	v38 =	vshll.u32 v6, $0x3;
	v39 =	vshll.u32 v12, $0x3;
	v28 =	vld.idx.msk [tilespmem:v28+s13+$0x0], $0xffff  }
0x479: {  	v35 =	vor.u32 v2, v35;
	v40 =	vor.u32 v2, v23;
	v23 =	vshll.u32 v17, $0x3;
	v41 =	vld.idx.msk [tilespmem:v25+s13+$0x0], $0xffff  }
0x47a: {  	v37 =	vor.u32 v2, v37;
	v38 =	vor.u32 v2, v38;
	v39 =	vor.u32 v2, v39;
	v27 =	vld.idx.msk [tilespmem:v27+s13+$0x0], $0xffff  }
0x47b: {  	v19 =	vmul.f32 v19, v15;
	v25 =	vor.u32 v2, v23;
	v23 =	vor.u32 v2, v30;
	v42 =	vld.idx.msk [tilespmem:v13+s20+$0x0], $0xffff  }
0x47c: {  	v21 =	vmul.f32 v21, v16;
	v30 =	vmul.f32 v20, v14;
	v15 =	vld.idx.msk [tilespmem:v33+s13+$0x0], $0xffff  }
0x47d: {  	v22 =	vmul.f32 v22, v32;
	v24 =	vmul.f32 v24, v34;
	v16 =	vld.idx.msk [tilespmem:v26+s13+$0x0], $0xffff;
	[tilespmem:v9+s20+$0x0] =	vst.idx.msk $0xffff, v19  }
.Ltmp30:
0x47e: {  	v29 =	vmul.f32 v29, v36;
	v26 =	vmul.f32 v31, v5;
	v19 =	vld.idx.msk [tilespmem:v40+s20+$0x0], $0xffff;
	[tilespmem:v10+s20+$0x0] =	vst.idx.msk $0xffff, v30;
	(pc) =	sbr.rel @p0 .LBB2_61-.Ltmp30, $4  }
0x47f: {  	v5 =	vmovc v28;
	v9 =	vmov v40;
	v14 =	vmov v41;
	v10 =	vmov v35;
	v20 =	vld.idx.msk [tilespmem:v35+s20+$0x0], $0xffff;
	[tilespmem:v11+s20+$0x0] =	vst.idx.msk $0xffff, v21  }
0x480: {  	v11 =	vmov v37;
	v21 =	vld.idx.msk [tilespmem:v37+s20+$0x0], $0xffff;
	[tilespmem:v7+s20+$0x0] =	vst.idx.msk $0xffff, v22;
	v7 =	vmov v38  }
0x481: {  	v27 =	vmul.f32 v42, v27;
	v22 =	vld.idx.msk [tilespmem:v38+s20+$0x0], $0xffff;
	[tilespmem:v8+s20+$0x0] =	vst.idx.msk $0xffff, v24;
	v8 =	vmov v39  }
0x482: {  	s11 =	sadd.s32 $0x10, s11;
	v24 =	vld.idx.msk [tilespmem:v39+s20+$0x0], $0xffff;
	[tilespmem:v18+s20+$0x0] =	vst.idx.msk $0xffff, v29;
	v18 =	vmov v25  }
0x483: {  	_ =	sdelay $0x3  }
0x484: {  	v25 =	vld.idx.msk [tilespmem:v25+s20+$0x0], $0xffff  }
0x485: {  	v6 =	vld.idx.msk [tilespmem:v6+s13+$0x0], $0xffff  }
0x486: {  	v12 =	vld.idx.msk [tilespmem:v12+s13+$0x0], $0xffff  }
0x487: {  	[tilespmem:v13+s20+$0x0] =	vst.idx.msk $0xffff, v27;
	v13 =	vld.idx.msk [tilespmem:v17+s13+$0x0], $0xffff;
	v15 =	vmul.f32 v19, v15  }
0x488: {  	v17 =	vld.idx.msk [tilespmem:v23+s20+$0x0], $0xffff;
	[tilespmem:v4+s20+$0x0] =	vst.idx.msk $0xffff, v26;
	v4 =	vmul.f32 v20, v14  }
0x489: {  	v14 =	vmul.f32 v21, v16;
	[tilespmem:v9+s20+$0x0] =	vst.idx.msk $0xffff, v15  }
0x48a: {  	[tilespmem:v10+s20+$0x0] =	vst.idx.msk $0xffff, v4;
	v6 =	vmul.f32 v22, v6  }
0x48b: {  	[tilespmem:v11+s20+$0x0] =	vst.idx.msk $0xffff, v14;
	v4 =	vmul.f32 v24, v12  }
0x48c: {  	v9 =	vmul.f32 v25, v13;
	[tilespmem:v7+s20+$0x0] =	vst.idx.msk $0xffff, v6  }
0x48d: {  	v5 =	vmul.f32 v17, v5;
	[tilespmem:v8+s20+$0x0] =	vst.idx.msk $0xffff, v4  }
0x48e: {  	[tilespmem:v18+s20+$0x0] =	vst.idx.msk $0xffff, v9  }
0x48f: {  	s4 =	simm.s32 $0x14CD0;
	s11 =	simm.s32 $0x6;
	[tilespmem:v23+s20+$0x0] =	vst.idx.msk $0xffff, v5  }
0x490: {  	[spmem:s8] =	stream.indirect.scatter.add.f32 [tilespmem:s20], [sflag:$0xD], $0x8, s4, s23, $0xb8;
	[tilespmem:$0x1EF50] =	vst v63  }
0x491: {  	s24 =	simm.s32 $0xE;
	_ =	swait.ge [sflag:s11], $0x1900  }
0x492: {  	s6 =	simm.s32 $0x2;
	s10 =	simm.s32 $0xC;
	v4 =	vor.u32 s24, v0;
	[sflag:s11] =	ssyncset.done $0x0  }
0x493: {  	v5 =	vor.u32 s6, v0;
	v6 =	vor.u32 s10, v0;
	[sflag:s11] =	ssyncadd.s32 $0xFFFFE700;
	s11 =	simm.s32 $0xA  }
0x494: {  	v7 =	vshll.u32 v6, $0x3;
	_ =	swait.ge [sflag:s11], $0x1900  }
0x495: {  	s12 =	simm.s32 $0x0;
	v7 =	vor.u32 v2, v7;
	[sflag:s11] =	ssyncset.done $0x0  }
0x496: {  	s14 =	simm.s32 $0x4;
	v8 =	vor.u32 s12, v0;
	[sflag:s11] =	ssyncadd.s32 $0xFFFFE700  }
0x497: {  	v9 =	vor.u32 s14, v0;
	v10 =	vshll.u32 v8, $0x3;
	v18 =	vld.idx.msk [tilespmem:v4+s17+$0x0], $0xffff  }
0x498: {  	v11 =	vshll.u32 v5, $0x3;
	v17 =	vor.u32 v2, v10;
	v16 =	vld.idx.msk [tilespmem:v5+s17+$0x0], $0xffff  }
0x499: {  	v10 =	vshll.u32 v9, $0x3;
	v20 =	vor.u32 v2, v11;
	v6 =	vld.idx.msk [tilespmem:v6+s17+$0x0], $0xffff  }
0x49a: {  	s21 =	simm.s32 $0x8;
	v21 =	vor.u32 v2, v10;
	v10 =	vld.idx.msk [tilespmem:v7+s29+$0x0], $0xffff  }
0x49b: {  	s24 =	simm.s32 $0xA;
	v11 =	vor.u32 s21, v0;
	v8 =	vld.idx.msk [tilespmem:v8+s17+$0x0], $0xffff  }
0x49c: {  	v14 =	vor.u32 s24, v0;
	v13 =	vshll.u32 v11, $0x3;
	v19 =	vld.idx.msk [tilespmem:v9+s17+$0x0], $0xffff  }
0x49d: {  	s16 =	simm.s32 $0x6;
	v24 =	vor.u32 v2, v13;
	v15 =	vld.idx.msk [tilespmem:v17+s29+$0x0], $0xffff  }
0x49e: {  	s6 =	simm.s32 $0x1E;
	v5 =	vor.u32 s16, v0;
	v23 =	vld.idx.msk [tilespmem:v20+s29+$0x0], $0xffff  }
0x49f: {  	v29 =	vor.u32 s6, v0;
	s11 =	simm.s32 $0x1C;
	v25 =	vld.idx.msk [tilespmem:v21+s29+$0x0], $0xffff  }
0x4a0: {  	s12 =	simm.s32 $0x10;
	v31 =	vor.u32 s11, v0;
	v34 =	vld.idx.msk [tilespmem:v11+s17+$0x0], $0xffff  }
0x4a1: {  	s14 =	simm.s32 $0x14;
	v35 =	vor.u32 s12, v0;
	v36 =	vld.idx.msk [tilespmem:v14+s17+$0x0], $0xffff  }
0x4a2: {  	v37 =	vor.u32 s14, v0;
	v4 =	vshll.u32 v4, $0x3;
	v27 =	vld.idx.msk [tilespmem:v24+s29+$0x0], $0xffff  }
0x4a3: {  	v12 =	vshll.u32 v5, $0x3;
	v4 =	vor.u32 v2, v4;
	v33 =	vld.idx.msk [tilespmem:v5+s17+$0x0], $0xffff  }
0x4a4: {  	v22 =	vor.u32 v2, v12;
	v12 =	vshll.u32 v14, $0x3;
	v5 =	vld.idx.msk [tilespmem:v29+s17+$0x0], $0xffff  }
0x4a5: {  	s10 =	simm.s32 $0x12;
	v9 =	vshll.u32 v31, $0x3;
	v28 =	vor.u32 v2, v12;
	v31 =	vld.idx.msk [tilespmem:v31+s17+$0x0], $0xffff  }
0x4a6: {  	v12 =	vor.u32 s10, v0;
	v40 =	vmul.f32 v15, v8;
	v15 =	vld.idx.msk [tilespmem:v35+s17+$0x0], $0xffff  }
0x4a7: {  	v13 =	vor.u32 v2, v9;
	v23 =	vmul.f32 v23, v16;
	v16 =	vld.idx.msk [tilespmem:v37+s17+$0x0], $0xffff  }
0x4a8: {  	v9 =	vshll.u32 v35, $0x3;
	v10 =	vmul.f32 v10, v6;
	v32 =	vld.idx.msk [tilespmem:v4+s29+$0x0], $0xffff  }
0x4a9: {  	s16 =	simm.s32 $0x16;
	v9 =	vor.u32 v2, v9;
	v11 =	vshll.u32 v12, $0x3;
	v25 =	vmul.f32 v25, v19;
	v26 =	vld.idx.msk [tilespmem:v22+s29+$0x0], $0xffff  }
0x4aa: {  	s21 =	simm.s32 $0x18;
	v6 =	vor.u32 s16, v0;
	[tilespmem:v7+s29+$0x0] =	vst.idx.msk $0xffff, v10;
	v7 =	vshll.u32 v37, $0x3;
	v10 =	vor.u32 v2, v11;
	v30 =	vld.idx.msk [tilespmem:v28+s29+$0x0], $0xffff  }
0x4ab: {  	s24 =	simm.s32 $0x1A;
	v38 =	vshll.u32 v6, $0x3;
	v14 =	vld.idx.msk [tilespmem:v12+s17+$0x0], $0xffff;
	v12 =	vor.u32 s21, v0;
	v11 =	vor.u32 v2, v7  }
0x4ac: {  	v39 =	vld.idx.msk [tilespmem:v13+s29+$0x0], $0xffff;
	[tilespmem:v17+s29+$0x0] =	vst.idx.msk $0xffff, v40;
	v17 =	vor.u32 s24, v0;
	v7 =	vor.u32 v2, v38;
	v8 =	vshll.u32 v12, $0x3  }
0x4ad: {  	v27 =	vmul.f32 v27, v34;
	[tilespmem:v21+s29+$0x0] =	vst.idx.msk $0xffff, v25;
	v25 =	vshll.u32 v17, $0x3;
	v8 =	vor.u32 v2, v8  }
0x4ae: {  	[tilespmem:v20+s29+$0x0] =	vst.idx.msk $0xffff, v23;
	v23 =	vshll.u32 v29, $0x3;
	v19 =	vld.idx.msk [tilespmem:v9+s29+$0x0], $0xffff;
	v25 =	vor.u32 v2, v25  }
0x4af: {  	v23 =	vor.u32 v2, v23;
	v26 =	vmul.f32 v26, v33;
	v20 =	vld.idx.msk [tilespmem:v10+s29+$0x0], $0xffff  }
0x4b0: {  	[tilespmem:v24+s29+$0x0] =	vst.idx.msk $0xffff, v27;
	v29 =	vmul.f32 v30, v36;
	v21 =	vld.idx.msk [tilespmem:v11+s29+$0x0], $0xffff  }
0x4b1: {  	v27 =	vmul.f32 v39, v31;
	[tilespmem:v22+s29+$0x0] =	vst.idx.msk $0xffff, v26;
	v22 =	vld.idx.msk [tilespmem:v7+s29+$0x0], $0xffff  }
0x4b2: {  	s6 =	simm.s32 $0x8;
	s11 =	simm.s32 $0x2E;
	s16 =	simm.s32 $0x11;
	v26 =	vmul.f32 v32, v18;
	v18 =	vmov v25;
	v24 =	vld.idx.msk [tilespmem:v8+s29+$0x0], $0xffff;
	[tilespmem:v28+s29+$0x0] =	vst.idx.msk $0xffff, v29  }
.LBB2_63:
0x4b3: {  	s4 =	sadd.s32 $0xFFFFFFF4, s11;
	s10 =	sadd.s32 $0xFFFFFFFE, s11;
	v28 =	vor.u32 s11, v0;
	s6 =	sadd.s32 $0x8, s6;
	v29 =	vld.idx.msk [tilespmem:v25+s29+$0x0], $0xffff;
	[tilespmem:v13+s29+$0x0] =	vst.idx.msk $0xffff, v27  }
0x4b4: {  	s12 =	sadd.s32 $0xFFFFFFF8, s11;
	v25 =	vor.u32 s4, v0;
	s4 =	sadd.s32 $0xFFFFFFF6, s11;
	v27 =	vor.u32 s10, v0;
	v30 =	vshll.u32 v28, $0x3;
	p0 =	slt.u32 s6, $0x188;
	v31 =	vld.idx.msk [tilespmem:v23+s29+$0x0], $0xffff;
	[tilespmem:v4+s29+$0x0] =	vst.idx.msk $0xffff, v26;
	v4 =	vmovc v23  }
0x4b5: {  	s14 =	sadd.s32 $0xFFFFFFFC, s11;
	s10 =	sadd.s32 $0xFFFFFFF2, s11;
	v26 =	vor.u32 s4, v0;
	s4 =	sadd.s32 $0xFFFFFFFA, s11;
	v13 =	vshll.u32 v27, $0x3;
	v32 =	vld.idx.msk [tilespmem:v6+s17+$0x0], $0xffff;
	v6 =	vor.u32 s12, v0  }
0x4b6: {  	v33 =	vor.u32 s10, v0;
	v13 =	vor.u32 v2, v13;
	v34 =	vld.idx.msk [tilespmem:v12+s17+$0x0], $0xffff;
	v12 =	vor.u32 s4, v0  }
0x4b7: {  	v35 =	vshll.u32 v25, $0x3;
	v23 =	vshll.u32 v33, $0x3;
	v36 =	vld.idx.msk [tilespmem:v17+s17+$0x0], $0xffff;
	v17 =	vor.u32 s14, v0  }
0x4b8: {  	v37 =	vshll.u32 v26, $0x3;
	v38 =	vshll.u32 v6, $0x3;
	v39 =	vshll.u32 v12, $0x3;
	v28 =	vld.idx.msk [tilespmem:v28+s17+$0x0], $0xffff  }
0x4b9: {  	v35 =	vor.u32 v2, v35;
	v40 =	vor.u32 v2, v23;
	v23 =	vshll.u32 v17, $0x3;
	v41 =	vld.idx.msk [tilespmem:v25+s17+$0x0], $0xffff  }
0x4ba: {  	v37 =	vor.u32 v2, v37;
	v38 =	vor.u32 v2, v38;
	v39 =	vor.u32 v2, v39;
	v27 =	vld.idx.msk [tilespmem:v27+s17+$0x0], $0xffff  }
0x4bb: {  	v19 =	vmul.f32 v19, v15;
	v25 =	vor.u32 v2, v23;
	v23 =	vor.u32 v2, v30;
	v42 =	vld.idx.msk [tilespmem:v13+s29+$0x0], $0xffff  }
0x4bc: {  	v21 =	vmul.f32 v21, v16;
	v30 =	vmul.f32 v20, v14;
	v15 =	vld.idx.msk [tilespmem:v33+s17+$0x0], $0xffff  }
0x4bd: {  	v22 =	vmul.f32 v22, v32;
	v24 =	vmul.f32 v24, v34;
	v16 =	vld.idx.msk [tilespmem:v26+s17+$0x0], $0xffff;
	[tilespmem:v9+s29+$0x0] =	vst.idx.msk $0xffff, v19  }
.Ltmp31:
0x4be: {  	v29 =	vmul.f32 v29, v36;
	v26 =	vmul.f32 v31, v5;
	v19 =	vld.idx.msk [tilespmem:v40+s29+$0x0], $0xffff;
	[tilespmem:v10+s29+$0x0] =	vst.idx.msk $0xffff, v30;
	(pc) =	sbr.rel @p0 .LBB2_63-.Ltmp31, $4  }
0x4bf: {  	v5 =	vmovc v28;
	v9 =	vmov v40;
	v14 =	vmov v41;
	v10 =	vmov v35;
	v20 =	vld.idx.msk [tilespmem:v35+s29+$0x0], $0xffff;
	[tilespmem:v11+s29+$0x0] =	vst.idx.msk $0xffff, v21  }
0x4c0: {  	v11 =	vmov v37;
	v21 =	vld.idx.msk [tilespmem:v37+s29+$0x0], $0xffff;
	[tilespmem:v7+s29+$0x0] =	vst.idx.msk $0xffff, v22;
	v7 =	vmov v38  }
0x4c1: {  	v27 =	vmul.f32 v42, v27;
	v22 =	vld.idx.msk [tilespmem:v38+s29+$0x0], $0xffff;
	[tilespmem:v8+s29+$0x0] =	vst.idx.msk $0xffff, v24;
	v8 =	vmov v39  }
0x4c2: {  	s11 =	sadd.s32 $0x10, s11;
	v24 =	vld.idx.msk [tilespmem:v39+s29+$0x0], $0xffff;
	[tilespmem:v18+s29+$0x0] =	vst.idx.msk $0xffff, v29;
	v18 =	vmov v25  }
0x4c3: {  	_ =	sdelay $0x3  }
0x4c4: {  	v25 =	vld.idx.msk [tilespmem:v25+s29+$0x0], $0xffff  }
0x4c5: {  	v6 =	vld.idx.msk [tilespmem:v6+s17+$0x0], $0xffff  }
0x4c6: {  	v12 =	vld.idx.msk [tilespmem:v12+s17+$0x0], $0xffff  }
0x4c7: {  	[tilespmem:v13+s29+$0x0] =	vst.idx.msk $0xffff, v27;
	v60 =	vld.idx.msk [tilespmem:v17+s17+$0x0], $0xffff;
	v15 =	vmul.f32 v19, v15  }
0x4c8: {  	v61 =	vld.idx.msk [tilespmem:v23+s29+$0x0], $0xffff;
	[tilespmem:v4+s29+$0x0] =	vst.idx.msk $0xffff, v26;
	v4 =	vmul.f32 v20, v14  }
0x4c9: {  	v62 =	vmul.f32 v21, v16;
	[tilespmem:v9+s29+$0x0] =	vst.idx.msk $0xffff, v15  }
0x4ca: {  	[tilespmem:v10+s29+$0x0] =	vst.idx.msk $0xffff, v4;
	v6 =	vmul.f32 v22, v6  }
0x4cb: {  	[tilespmem:v11+s29+$0x0] =	vst.idx.msk $0xffff, v62;
	v4 =	vmul.f32 v24, v12  }
0x4cc: {  	v63 =	vmul.f32 v25, v60;
	[tilespmem:v7+s29+$0x0] =	vst.idx.msk $0xffff, v6  }
0x4cd: {  	v5 =	vmul.f32 v61, v5;
	[tilespmem:v8+s29+$0x0] =	vst.idx.msk $0xffff, v4  }
0x4ce: {  	[tilespmem:v18+s29+$0x0] =	vst.idx.msk $0xffff, v63  }
0x4cf: {  	s4 =	simm.s32 $0xF;
	[tilespmem:v23+s29+$0x0] =	vst.idx.msk $0xffff, v5  }
0x4d0: {  	[spmem:s8] =	stream.indirect.scatter.add.f32 [tilespmem:s29], [sflag:$0xE], $0x8, s28, s23, $0xb8;
	[tilespmem:$0x1EF50] =	vst v63  }
0x4d1: {  	_ =	swait.ge [sflag:s4], $0x1900  }
0x4d2: {  	[sflag:s4] =	ssyncset.done $0x0  }
0x4d3: {  	s10 =	simm.s32 $0x10;
	[sflag:s4] =	ssyncadd.s32 $0xFFFFE700  }
0x4d4: {  	_ =	swait.ge [sflag:s10], $0x1900  }
0x4d5: {  	[sflag:s10] =	ssyncset.done $0x0  }
0x4d6: {  	s11 =	simm.s32 $0xD;
	[sflag:s10] =	ssyncadd.s32 $0xFFFFE700  }
0x4d7: {  	_ =	swait.ge [sflag:s11], $0x1900  }
0x4d8: {  	[sflag:s11] =	ssyncset.done $0x0  }
0x4d9: {  	s10 =	simm.s32 $0xE;
	[sflag:s11] =	ssyncadd.s32 $0xFFFFE700  }
0x4da: {  	_ =	swait.ge [sflag:s10], $0x1900  }
0x4db: {  	[sflag:s10] =	ssyncset.done $0x0  }
0x4dc: {  	[sflag:s10] =	ssyncadd.s32 $0xFFFFE700  }
0x4dd: {  	[bflag:$0x0] =	sbarrier.arrive $0xFFFF  }
0x4de: {  	s11 =	sld [smem:$0x7FB]  }
0x4df: {  	s14 =	rddreg [dreg:$0x12]  }
0x4e0: {  	s6 =	rddreg [dreg:$0x1a];
	s12 =	sshrl.u32 s14, $0x3  }
0x4e1: {  	[hbm:s6], [sflag:s11] =	dma.local [spmem:s12], $0x186A  }
0x4e2: {  	_ =	swait.ge [sflag:s16], $0x186A  }
0x4e3: {  	s21 =	sld [smem:$0x7FC];
	_ =	sdelay $0x2  }
0x4e4: {  	s24 =	rddreg [dreg:$0x1b];
	s6 =	sadd.s32 $0x1, s21  }
0x4e5: {  	p0 =	sne.s32 s6, s24  }
.Ltmp32:
0x4e6: {  	_ = 	snop;
	(pc) =	sbr.rel @p0 .LBB2_1-.Ltmp32, $3  }
0x4e7: {  	_ =	sdelay $0x1  }
0x4e8: {  	[sflag:s16] =	ssyncset.done $0x0  }
0x4e9: {  	[sflag:s16] =	ssyncadd.s32 $0xFFFFE796  }
0x4ea: {  	_ =	sfence.sel $0x180000  }
0x4eb: {  	[bflag:$0x0] =	sbarrier.arrive $0xFFFF  }
0x4ec: {  	_ =	strace $0x90000047  }
0x4ed: {  	s0 =	stileid.u32;
	[bflag:$0x2] =	sbarrier.arrive $0xFFFF  }
0x4ee: {  	p0 =	sne.s32 s0, $0x0;
	s0 =	rddreg [dreg:$0x8]  }
0x4ef: {  	s0 =	sadd.s32 @!p0 $0x100000, s0  }
0x4f0: {  	[sflag:s0] =	ssyncadd.tile.s32 @!p0 $0x1;
	_ =	shalt  }
.Lfunc_end2:
_tile_overlayer_lowered:
.L_overlay_start_2:
0x4f1: {  	(tag) =	ssettag $0x2  }
0x4f2: {  	s0 =	rddreg [dreg:$0x0];
	s2 =	stileid.u32  }
0x4f3: {  	s1 =	rddreg [dreg:$0x1];
	p0 =	sne.s32 s2, $0x0  }
0x4f4: {  	s3 =	rddreg [dreg:$0x2];
	[bflag:$0x3] =	sbarrier.arrive $0xFFFF;
	s2 =	simm.s32 @!p0 $0x1C11  }
0x4f5: {  	[timem:s3], [sflag:s2] =	dma.local @!p0 [hbm:s0], s1  }
0x4f6: {  	s0 =	simm.s32 @!p0 $0x11  }
0x4f7: {  	_ =	swait.ge @!p0 [sflag:s0], s1  }
0x4f8: {  	s1 =	ssub.s32 @!p0 $0x0, s1;
	[sflag:s0] =	ssyncset.done @!p0 $0x0  }
0x4f9: {  	[sflag:s0] =	ssyncadd.s32 @!p0 s1  }
0x4fa: {  	[bflag:$0x3] =	sbarrier.arrive $0xFFFF  }
0x4fb: {  	_ =	shalt  }

</sc_bundles>
